<compile_context>
chip_gen: v7x
topology: tpu7x:2x2x1
jax: 0.10.2.dev20260603
libtpu: 0.0.44.dev20260713+nightly
codegen_flags: <defaults>
</compile_context>

<pallas_src>
import functools

import jax
import jax.numpy as jnp
from jax import lax
from jax.experimental import pallas as pl
from jax.experimental.pallas import tpu as pltpu
from jax.experimental.pallas import tpu_sc as plsc

D_MODEL = 64
SCALE = 8.0
NBUF = 2
CB = 2


@functools.lru_cache(maxsize=None)
def _make_gather(n_b0: int, n_b1: int):
  info = plsc.get_sparse_core_info()
  nc, ns, nl = info.num_cores, info.num_subcores, info.num_lanes
  nw = nc * ns
  lanes = 8 * nl
  assert n_b0 == nw * lanes
  chunks = n_b1 // CB
  mesh = plsc.VectorSubcoreMesh(core_axis_name="c", subcore_axis_name="s")

  @functools.partial(
      pl.kernel,
      mesh=mesh,
      compiler_params=pltpu.CompilerParams(
          use_tc_tiling_on_sc=False, needs_layout_passes=False),
      out_type=jax.ShapeDtypeStruct(
          (n_b1, D_MODEL // 8, nw, 8, lanes), jnp.float32),
      scratch_types=[
          pltpu.VMEM((NBUF, CB, lanes), jnp.int32),
          pltpu.VMEM((NBUF, CB * lanes, D_MODEL), jnp.float32),
          pltpu.VMEM((NBUF, CB, D_MODEL // 8, 8, lanes + 1), jnp.float32),
          pltpu.SemaphoreType.DMA,
          pltpu.SemaphoreType.DMA,
          pltpu.SemaphoreType.DMA,
          pltpu.SemaphoreType.DMA,
          pltpu.SemaphoreType.DMA,
          pltpu.SemaphoreType.DMA,
      ],
  )
  def k(xt_hbm, table_hbm, out_hbm, idx_v, rows_v, t_v,
        si0, si1, sg0, sg1, sw0, sw1):
    wid = lax.axis_index("s") * nc + lax.axis_index("c")
    col0 = wid * lanes
    sem_i = (si0, si1)
    sem_g = (sg0, sg1)
    sem_w = (sw0, sw1)

    def idx_copy(c, b):
      return pltpu.make_async_copy(
          xt_hbm.at[pl.ds(c * CB, CB), pl.ds(col0, lanes)],
          idx_v.at[b], sem_i[b])

    def gather_copies(b):
      return [
          pltpu.make_async_copy(
              table_hbm.at[idx_v.at[b, cb]],
              rows_v.at[b, pl.ds(cb * lanes, lanes)], sem_g[b])
          for cb in range(CB)
      ]

    def out_copy(c, b):
      return pltpu.make_async_copy(
          t_v.at[b, :, :, :, pl.ds(0, lanes)],
          out_hbm.at[pl.ds(c * CB, CB), :, wid], sem_w[b])

    iot = lax.iota(jnp.int32, 16)
    fi_vecs = [(iot + 16 * kk) >> 3 for kk in range(D_MODEL // 16)]
    fs_vecs = [(iot + 16 * kk) & 7 for kk in range(D_MODEL // 16)]

    def transpose_scale(b):
      for cb in range(CB):
        tref = t_v.at[b, cb]

        @plsc.parallel_loop(0, lanes, unroll=8)
        def _(r):
          rvec = jnp.full((16,), 0, jnp.int32) + r
          for kk in range(D_MODEL // 16):
            v = rows_v[b, cb * lanes + r, pl.ds(16 * kk, 16)] * SCALE
            plsc.store_scatter(tref, [fi_vecs[kk], fs_vecs[kk], rvec], v)

    idx_copy(0, 0).start()
    idx_copy(0, 0).wait()
    for cp in gather_copies(0):
      cp.start()
    idx_copy(1, 1).start()

    @pl.loop(0, chunks, step=NBUF)
    def _(c0):
      for boff in range(NBUF):
        c = c0 + boff
        b = boff
        nb = 1 - boff

        @pl.when(c + 1 < chunks)
        def _():
          idx_copy(c + 1, nb).wait()
          for cp in gather_copies(nb):
            cp.start()

        @pl.when(c >= NBUF)
        def _():
          out_copy(c - NBUF, b).wait()

        for cp in gather_copies(b):
          cp.wait()

        @pl.when(c + NBUF < chunks)
        def _():
          idx_copy(c + NBUF, b).start()

        transpose_scale(b)
        out_copy(c, b).start()

    out_copy(chunks - NBUF, 0).wait()
    out_copy(chunks - 1, 1).wait()

  return k


def kernel(x, table):
  b0, b1 = x.shape
  xt = x.T.astype(jnp.int32)
  out5 = _make_gather(b0, b1)(xt, table)
  return out5.transpose((2, 4, 0, 1, 3)).reshape(b0, b1, D_MODEL)

# --- scband reference (transcript-rebuilt; emitter-appended) ---
"""Pipeline reference for scband-embedding-2010044695242 (READ-ONLY COPY).

The authoritative reference and input builder live on the scoring server;
editing this copy changes nothing except your own understanding.
"""

import jax, jax.numpy as jnp
import numpy as np

VOCAB = 1000000
D_MODEL = 64

def setup_inputs(seed: int = 0) -> dict:
    key = jax.random.key(seed)
    k1, k2 = jax.random.split(key)
    x = jax.random.randint(k1, (4096, 200), 0, VOCAB, dtype=jnp.int64 if jax.config.jax_enable_x64 else jnp.int32)
    table = jax.random.normal(k2, (VOCAB, D_MODEL), dtype=jnp.float32)
    return {"x": x, "table": table}

def reference(x, table):
    emb = jnp.take(table, x, axis=0)
    return emb * jnp.sqrt(jnp.asarray(D_MODEL, dtype=jnp.float32))

if __name__ == "__main__":
    import jax
    _d = setup_inputs()
    print(jax.jit(kernel)(*tuple(_d.values())))

</pallas_src>

<mosaic_0001>
#map = affine_map<(d0, d1) -> (0, 0)>
#map1 = affine_map<(d0, d1) -> (0, 0, 0, 0, 0)>
module attributes {stable_mosaic.version = 14 : i64} {
  func.func @k(%arg0: i32, %arg1: i32, %arg2: memref<200x4096xi32, #tpu.memory_space<hbm>>, %arg3: memref<1000000x64xf32, #tpu.memory_space<hbm>>, %arg4: memref<200x8x32x8x128xf32, #tpu.memory_space<hbm>>, %arg5: memref<2x2x128xi32, #tpu.memory_space<vmem>>, %arg6: memref<2x256x64xf32, #tpu.memory_space<vmem>>, %arg7: memref<2x2x8x8x129xf32, #tpu.memory_space<vmem>>, %arg8: memref<!tpu.dma_semaphore, #tpu.memory_space<semaphore_mem>>, %arg9: memref<!tpu.dma_semaphore, #tpu.memory_space<semaphore_mem>>, %arg10: memref<!tpu.dma_semaphore, #tpu.memory_space<semaphore_mem>>, %arg11: memref<!tpu.dma_semaphore, #tpu.memory_space<semaphore_mem>>, %arg12: memref<!tpu.dma_semaphore, #tpu.memory_space<semaphore_mem>>, %arg13: memref<!tpu.dma_semaphore, #tpu.memory_space<semaphore_mem>>) attributes {dimension_semantics = [#tpu.dimension_semantics<core_parallel>, #tpu.dimension_semantics<subcore_parallel>], iteration_bounds = array<i64: 2, 16>, scalar_prefetch = 0 : i64, scratch_operands = 9 : i64, tpu.core_type = #tpu.core_type<sc_vector_subcore>, window_params = [{transform_indices = #map}, {transform_indices = #map}, {transform_indices = #map1}]} {
    %mul3A = arith.constant 2 : i32
    %mul3A_0 = arith.muli %arg1, %mul3A : i32
    %add3A = arith.addi %mul3A_0, %arg0 : i32
    %mul3A_1 = arith.constant 128 : i32
    %mul3A_2 = arith.muli %add3A, %mul3A_1 : i32
    %iota3A = tpu.iota {dimensions = array<i32: 0>} : vector<16xi32>
    %add3A_3 = arith.constant 0 : i32
    %add3A_4 = vector.broadcast %add3A_3 : i32 to vector<16xi32>
    %add3A_5 = arith.addi %iota3A, %add3A_4 : vector<16xi32>
    %shift_right_arithmetic3A = arith.constant 3 : i32
    %shift_right_arithmetic3A_6 = vector.broadcast %shift_right_arithmetic3A : i32 to vector<16xi32>
    %shift_right_arithmetic3A_7 = arith.shrsi %add3A_5, %shift_right_arithmetic3A_6 : vector<16xi32>
    %add3A_8 = arith.constant 16 : i32
    %add3A_9 = vector.broadcast %add3A_8 : i32 to vector<16xi32>
    %add3A_10 = arith.addi %iota3A, %add3A_9 : vector<16xi32>
    %shift_right_arithmetic3A_11 = arith.constant 3 : i32
    %shift_right_arithmetic3A_12 = vector.broadcast %shift_right_arithmetic3A_11 : i32 to vector<16xi32>
    %shift_right_arithmetic3A_13 = arith.shrsi %add3A_10, %shift_right_arithmetic3A_12 : vector<16xi32>
    %add3A_14 = arith.constant 32 : i32
    %add3A_15 = vector.broadcast %add3A_14 : i32 to vector<16xi32>
    %add3A_16 = arith.addi %iota3A, %add3A_15 : vector<16xi32>
    %shift_right_arithmetic3A_17 = arith.constant 3 : i32
    %shift_right_arithmetic3A_18 = vector.broadcast %shift_right_arithmetic3A_17 : i32 to vector<16xi32>
    %shift_right_arithmetic3A_19 = arith.shrsi %add3A_16, %shift_right_arithmetic3A_18 : vector<16xi32>
    %add3A_20 = arith.constant 48 : i32
    %add3A_21 = vector.broadcast %add3A_20 : i32 to vector<16xi32>
    %add3A_22 = arith.addi %iota3A, %add3A_21 : vector<16xi32>
    %shift_right_arithmetic3A_23 = arith.constant 3 : i32
    %shift_right_arithmetic3A_24 = vector.broadcast %shift_right_arithmetic3A_23 : i32 to vector<16xi32>
    %shift_right_arithmetic3A_25 = arith.shrsi %add3A_22, %shift_right_arithmetic3A_24 : vector<16xi32>
    %add3A_26 = arith.constant 0 : i32
    %add3A_27 = vector.broadcast %add3A_26 : i32 to vector<16xi32>
    %add3A_28 = arith.addi %iota3A, %add3A_27 : vector<16xi32>
    %and3A = arith.constant 7 : i32
    %and3A_29 = vector.broadcast %and3A : i32 to vector<16xi32>
    %and3A_30 = arith.andi %add3A_28, %and3A_29 : vector<16xi32>
    %add3A_31 = arith.constant 16 : i32
    %add3A_32 = vector.broadcast %add3A_31 : i32 to vector<16xi32>
    %add3A_33 = arith.addi %iota3A, %add3A_32 : vector<16xi32>
    %and3A_34 = arith.constant 7 : i32
    %and3A_35 = vector.broadcast %and3A_34 : i32 to vector<16xi32>
    %and3A_36 = arith.andi %add3A_33, %and3A_35 : vector<16xi32>
    %add3A_37 = arith.constant 32 : i32
    %add3A_38 = vector.broadcast %add3A_37 : i32 to vector<16xi32>
    %add3A_39 = arith.addi %iota3A, %add3A_38 : vector<16xi32>
    %and3A_40 = arith.constant 7 : i32
    %and3A_41 = vector.broadcast %and3A_40 : i32 to vector<16xi32>
    %and3A_42 = arith.andi %add3A_39, %and3A_41 : vector<16xi32>
    %add3A_43 = arith.constant 48 : i32
    %add3A_44 = vector.broadcast %add3A_43 : i32 to vector<16xi32>
    %add3A_45 = arith.addi %iota3A, %add3A_44 : vector<16xi32>
    %and3A_46 = arith.constant 7 : i32
    %and3A_47 = vector.broadcast %and3A_46 : i32 to vector<16xi32>
    %and3A_48 = arith.andi %add3A_45, %and3A_47 : vector<16xi32>
    %dma_start3A = arith.constant 0 : i32
    %dma_start3A_49 = arith.constant 0 : i32
    %dma_start3A_50 = arith.constant 0 : i32
    %dma_start3A_51 = tpu.memref_slice %arg5[%dma_start3A, %dma_start3A_49, %dma_start3A_50] : memref<2x2x128xi32, #tpu.memory_space<vmem>> -> memref<1x2x128xi32, #tpu.memory_space<vmem>>
    %dma_start3A_52 = tpu.memref_squeeze %dma_start3A_51 : memref<1x2x128xi32, #tpu.memory_space<vmem>> -> memref<2x128xi32, #tpu.memory_space<vmem>>
    %dma_start3A_53 = arith.constant 0 : i32
    %dma_start3A_54 = tpu.memref_slice %arg2[%dma_start3A_53, %mul3A_2] : memref<200x4096xi32, #tpu.memory_space<hbm>> -> memref<2x128xi32, #tpu.memory_space<hbm>>
    %dma_start3A_55 = arith.constant 0 : i32
    %dma_start3A_56 = arith.constant 0 : i32
    %dma_start3A_57 = tpu.memref_slice %arg5[%dma_start3A, %dma_start3A_55, %dma_start3A_56] : memref<2x2x128xi32, #tpu.memory_space<vmem>> -> memref<1x2x128xi32, #tpu.memory_space<vmem>>
    %dma_start3A_58 = tpu.memref_squeeze %dma_start3A_57 : memref<1x2x128xi32, #tpu.memory_space<vmem>> -> memref<2x128xi32, #tpu.memory_space<vmem>>
    %dma_start3A_59 = arith.constant 0 : i32
    %dma_start3A_60 = tpu.memref_slice %arg2[%dma_start3A_59, %mul3A_2] : memref<200x4096xi32, #tpu.memory_space<hbm>> -> memref<2x128xi32, #tpu.memory_space<hbm>>
    tpu.enqueue_dma source(%dma_start3A_60 : memref<2x128xi32, #tpu.memory_space<hbm>>) target(%dma_start3A_58 : memref<2x128xi32, #tpu.memory_space<vmem>>) target_semaphore(%arg8 : memref<!tpu.dma_semaphore, #tpu.memory_space<semaphore_mem>>)
    %dma_wait3A = arith.constant 0 : i32
    %dma_wait3A_61 = arith.constant 0 : i32
    %dma_wait3A_62 = arith.constant 0 : i32
    %dma_wait3A_63 = tpu.memref_slice %arg5[%dma_wait3A, %dma_wait3A_61, %dma_wait3A_62] : memref<2x2x128xi32, #tpu.memory_space<vmem>> -> memref<1x2x128xi32, #tpu.memory_space<vmem>>
    %dma_wait3A_64 = tpu.memref_squeeze %dma_wait3A_63 : memref<1x2x128xi32, #tpu.memory_space<vmem>> -> memref<2x128xi32, #tpu.memory_space<vmem>>
    %dma_wait3A_65 = arith.constant 0 : i32
    %dma_wait3A_66 = tpu.memref_slice %arg2[%dma_wait3A_65, %mul3A_2] : memref<200x4096xi32, #tpu.memory_space<hbm>> -> memref<2x128xi32, #tpu.memory_space<hbm>>
    %dma_wait3A_67 = arith.constant 0 : i32
    %dma_wait3A_68 = arith.constant 0 : i32
    %dma_wait3A_69 = tpu.memref_slice %arg5[%dma_wait3A, %dma_wait3A_67, %dma_wait3A_68] : memref<2x2x128xi32, #tpu.memory_space<vmem>> -> memref<1x2x128xi32, #tpu.memory_space<vmem>>
    %dma_wait3A_70 = tpu.memref_squeeze %dma_wait3A_69 : memref<1x2x128xi32, #tpu.memory_space<vmem>> -> memref<2x128xi32, #tpu.memory_space<vmem>>
    %dma_wait3A_71 = arith.constant 0 : i32
    %dma_wait3A_72 = tpu.memref_slice %arg2[%dma_wait3A_71, %mul3A_2] : memref<200x4096xi32, #tpu.memory_space<hbm>> -> memref<2x128xi32, #tpu.memory_space<hbm>>
    tpu.wait_dma2 semaphore(%arg8 : memref<!tpu.dma_semaphore, #tpu.memory_space<semaphore_mem>>) src(%dma_wait3A_72 : memref<2x128xi32, #tpu.memory_space<hbm>>) dst(%dma_wait3A_70 : memref<2x128xi32, #tpu.memory_space<vmem>>)
    %dma_start3A_73 = arith.constant 0 : i32
    %dma_start3A_74 = arith.constant 0 : i32
    %dma_start3A_75 = arith.constant 0 : i32
    %dma_start3A_76 = arith.constant 0 : i32
    %dma_start3A_77 = arith.constant 0 : i32
    %dma_start3A_78 = tpu.memref_slice %arg6[%dma_start3A_75, %dma_start3A_76, %dma_start3A_77] : memref<2x256x64xf32, #tpu.memory_space<vmem>> -> memref<1x128x64xf32, #tpu.memory_space<vmem>>
    %dma_start3A_79 = tpu.memref_squeeze %dma_start3A_78 : memref<1x128x64xf32, #tpu.memory_space<vmem>> -> memref<128x64xf32, #tpu.memory_space<vmem>>
    %dma_start3A_80 = arith.constant 0 : i32
    %dma_start3A_81 = tpu.memref_slice %arg5[%dma_start3A_73, %dma_start3A_74, %dma_start3A_80] : memref<2x2x128xi32, #tpu.memory_space<vmem>> -> memref<1x1x128xi32, #tpu.memory_space<vmem>>
    %dma_start3A_82 = tpu.memref_squeeze %dma_start3A_81 : memref<1x1x128xi32, #tpu.memory_space<vmem>> -> memref<128xi32, #tpu.memory_space<vmem>>
    %dma_start3A_83 = arith.constant 0 : i32
    %dma_start3A_84 = arith.constant 0 : i32
    %dma_start3A_85 = tpu.memref_slice %arg3[%dma_start3A_83, %dma_start3A_84] : memref<1000000x64xf32, #tpu.memory_space<hbm>> -> memref<1000000x64xf32, #tpu.memory_space<hbm>>
    tpu.enqueue_indirect_dma source(%dma_start3A_85 : memref<1000000x64xf32, #tpu.memory_space<hbm>>) target(%dma_start3A_79 : memref<128x64xf32, #tpu.memory_space<vmem>>) offsets(%dma_start3A_82 : memref<128xi32, #tpu.memory_space<vmem>>) semaphore(%arg10 : memref<!tpu.dma_semaphore, #tpu.memory_space<semaphore_mem>>)
    %dma_start3A_86 = arith.constant 0 : i32
    %dma_start3A_87 = arith.constant 1 : i32
    %dma_start3A_88 = arith.constant 0 : i32
    %dma_start3A_89 = arith.constant 128 : i32
    %dma_start3A_90 = arith.constant 0 : i32
    %dma_start3A_91 = tpu.memref_slice %arg6[%dma_start3A_88, %dma_start3A_89, %dma_start3A_90] : memref<2x256x64xf32, #tpu.memory_space<vmem>> -> memref<1x128x64xf32, #tpu.memory_space<vmem>>
    %dma_start3A_92 = tpu.memref_squeeze %dma_start3A_91 : memref<1x128x64xf32, #tpu.memory_space<vmem>> -> memref<128x64xf32, #tpu.memory_space<vmem>>
    %dma_start3A_93 = arith.constant 0 : i32
    %dma_start3A_94 = tpu.memref_slice %arg5[%dma_start3A_86, %dma_start3A_87, %dma_start3A_93] : memref<2x2x128xi32, #tpu.memory_space<vmem>> -> memref<1x1x128xi32, #tpu.memory_space<vmem>>
    %dma_start3A_95 = tpu.memref_squeeze %dma_start3A_94 : memref<1x1x128xi32, #tpu.memory_space<vmem>> -> memref<128xi32, #tpu.memory_space<vmem>>
    %dma_start3A_96 = arith.constant 0 : i32
    %dma_start3A_97 = arith.constant 0 : i32
    %dma_start3A_98 = tpu.memref_slice %arg3[%dma_start3A_96, %dma_start3A_97] : memref<1000000x64xf32, #tpu.memory_space<hbm>> -> memref<1000000x64xf32, #tpu.memory_space<hbm>>
    tpu.enqueue_indirect_dma source(%dma_start3A_98 : memref<1000000x64xf32, #tpu.memory_space<hbm>>) target(%dma_start3A_92 : memref<128x64xf32, #tpu.memory_space<vmem>>) offsets(%dma_start3A_95 : memref<128xi32, #tpu.memory_space<vmem>>) semaphore(%arg10 : memref<!tpu.dma_semaphore, #tpu.memory_space<semaphore_mem>>)
    %dma_start3A_99 = arith.constant 1 : i32
    %dma_start3A_100 = arith.constant 0 : i32
    %dma_start3A_101 = arith.constant 0 : i32
    %dma_start3A_102 = tpu.memref_slice %arg5[%dma_start3A_99, %dma_start3A_100, %dma_start3A_101] : memref<2x2x128xi32, #tpu.memory_space<vmem>> -> memref<1x2x128xi32, #tpu.memory_space<vmem>>
    %dma_start3A_103 = tpu.memref_squeeze %dma_start3A_102 : memref<1x2x128xi32, #tpu.memory_space<vmem>> -> memref<2x128xi32, #tpu.memory_space<vmem>>
    %dma_start3A_104 = arith.constant 2 : i32
    %dma_start3A_105 = tpu.memref_slice %arg2[%dma_start3A_104, %mul3A_2] : memref<200x4096xi32, #tpu.memory_space<hbm>> -> memref<2x128xi32, #tpu.memory_space<hbm>>
    %dma_start3A_106 = arith.constant 0 : i32
    %dma_start3A_107 = arith.constant 0 : i32
    %dma_start3A_108 = tpu.memref_slice %arg5[%dma_start3A_99, %dma_start3A_106, %dma_start3A_107] : memref<2x2x128xi32, #tpu.memory_space<vmem>> -> memref<1x2x128xi32, #tpu.memory_space<vmem>>
    %dma_start3A_109 = tpu.memref_squeeze %dma_start3A_108 : memref<1x2x128xi32, #tpu.memory_space<vmem>> -> memref<2x128xi32, #tpu.memory_space<vmem>>
    %dma_start3A_110 = arith.constant 2 : i32
    %dma_start3A_111 = tpu.memref_slice %arg2[%dma_start3A_110, %mul3A_2] : memref<200x4096xi32, #tpu.memory_space<hbm>> -> memref<2x128xi32, #tpu.memory_space<hbm>>
    tpu.enqueue_dma source(%dma_start3A_111 : memref<2x128xi32, #tpu.memory_space<hbm>>) target(%dma_start3A_109 : memref<2x128xi32, #tpu.memory_space<vmem>>) target_semaphore(%arg9 : memref<!tpu.dma_semaphore, #tpu.memory_space<semaphore_mem>>)
    %scan3A = arith.constant 0 : i32
    %scan3A_112 = arith.constant 50 : i32
    %scan3A_113 = arith.addi %scan3A, %scan3A_112 : i32
    %scan3A_114 = arith.constant 1 : i32
    scf.for %scan3A_166 = %scan3A to %scan3A_113 step %scan3A_114  : i32 {
      %mul3A_167 = arith.constant 2 : i32
      %mul3A_168 = arith.muli %scan3A_166, %mul3A_167 : i32
      %add3A_169 = arith.constant 0 : i32
      %add3A_170 = arith.addi %add3A_169, %mul3A_168 : i32
      %add3A_171 = arith.constant 0 : i32
      %add3A_172 = arith.addi %add3A_170, %add3A_171 : i32
      %add3A_173 = arith.constant 1 : i32
      %add3A_174 = arith.addi %add3A_172, %add3A_173 : i32
      %lt3A = arith.constant 100 : i32
      %lt3A_175 = arith.cmpi slt, %add3A_174, %lt3A : i32
      %convert_element_type3A = arith.extui %lt3A_175 : i1 to i32
      %cond3A = arith.constant 0 : i32
      %cond3A_176 = arith.cmpi ne, %convert_element_type3A, %cond3A : i32
      scf.if %cond3A_176 {
        %add3A_330 = arith.constant 1 : i32
        %add3A_331 = arith.addi %add3A_172, %add3A_330 : i32
        %mul3A_332 = arith.constant 2 : i32
        %mul3A_333 = arith.muli %add3A_331, %mul3A_332 : i32
        %dma_wait3A_334 = arith.constant 1 : i32
        %dma_wait3A_335 = arith.constant 0 : i32
        %dma_wait3A_336 = arith.constant 0 : i32
        %dma_wait3A_337 = tpu.memref_slice %arg5[%dma_wait3A_334, %dma_wait3A_335, %dma_wait3A_336] : memref<2x2x128xi32, #tpu.memory_space<vmem>> -> memref<1x2x128xi32, #tpu.memory_space<vmem>>
        %dma_wait3A_338 = tpu.memref_squeeze %dma_wait3A_337 : memref<1x2x128xi32, #tpu.memory_space<vmem>> -> memref<2x128xi32, #tpu.memory_space<vmem>>
        %dma_wait3A_339 = tpu.memref_slice %arg2[%mul3A_333, %mul3A_2] : memref<200x4096xi32, #tpu.memory_space<hbm>> -> memref<2x128xi32, #tpu.memory_space<hbm>>
        %dma_wait3A_340 = arith.constant 0 : i32
        %dma_wait3A_341 = arith.constant 0 : i32
        %dma_wait3A_342 = tpu.memref_slice %arg5[%dma_wait3A_334, %dma_wait3A_340, %dma_wait3A_341] : memref<2x2x128xi32, #tpu.memory_space<vmem>> -> memref<1x2x128xi32, #tpu.memory_space<vmem>>
        %dma_wait3A_343 = tpu.memref_squeeze %dma_wait3A_342 : memref<1x2x128xi32, #tpu.memory_space<vmem>> -> memref<2x128xi32, #tpu.memory_space<vmem>>
        %dma_wait3A_344 = tpu.memref_slice %arg2[%mul3A_333, %mul3A_2] : memref<200x4096xi32, #tpu.memory_space<hbm>> -> memref<2x128xi32, #tpu.memory_space<hbm>>
        tpu.wait_dma2 semaphore(%arg9 : memref<!tpu.dma_semaphore, #tpu.memory_space<semaphore_mem>>) src(%dma_wait3A_344 : memref<2x128xi32, #tpu.memory_space<hbm>>) dst(%dma_wait3A_343 : memref<2x128xi32, #tpu.memory_space<vmem>>)
        %dma_start3A_345 = arith.constant 1 : i32
        %dma_start3A_346 = arith.constant 0 : i32
        %dma_start3A_347 = arith.constant 1 : i32
        %dma_start3A_348 = arith.constant 0 : i32
        %dma_start3A_349 = arith.constant 0 : i32
        %dma_start3A_350 = tpu.memref_slice %arg6[%dma_start3A_347, %dma_start3A_348, %dma_start3A_349] : memref<2x256x64xf32, #tpu.memory_space<vmem>> -> memref<1x128x64xf32, #tpu.memory_space<vmem>>
        %dma_start3A_351 = tpu.memref_squeeze %dma_start3A_350 : memref<1x128x64xf32, #tpu.memory_space<vmem>> -> memref<128x64xf32, #tpu.memory_space<vmem>>
        %dma_start3A_352 = arith.constant 0 : i32
        %dma_start3A_353 = tpu.memref_slice %arg5[%dma_start3A_345, %dma_start3A_346, %dma_start3A_352] : memref<2x2x128xi32, #tpu.memory_space<vmem>> -> memref<1x1x128xi32, #tpu.memory_space<vmem>>
        %dma_start3A_354 = tpu.memref_squeeze %dma_start3A_353 : memref<1x1x128xi32, #tpu.memory_space<vmem>> -> memref<128xi32, #tpu.memory_space<vmem>>
        %dma_start3A_355 = arith.constant 0 : i32
        %dma_start3A_356 = arith.constant 0 : i32
        %dma_start3A_357 = tpu.memref_slice %arg3[%dma_start3A_355, %dma_start3A_356] : memref<1000000x64xf32, #tpu.memory_space<hbm>> -> memref<1000000x64xf32, #tpu.memory_space<hbm>>
        tpu.enqueue_indirect_dma source(%dma_start3A_357 : memref<1000000x64xf32, #tpu.memory_space<hbm>>) target(%dma_start3A_351 : memref<128x64xf32, #tpu.memory_space<vmem>>) offsets(%dma_start3A_354 : memref<128xi32, #tpu.memory_space<vmem>>) semaphore(%arg11 : memref<!tpu.dma_semaphore, #tpu.memory_space<semaphore_mem>>)
        %dma_start3A_358 = arith.constant 1 : i32
        %dma_start3A_359 = arith.constant 1 : i32
        %dma_start3A_360 = arith.constant 1 : i32
        %dma_start3A_361 = arith.constant 128 : i32
        %dma_start3A_362 = arith.constant 0 : i32
        %dma_start3A_363 = tpu.memref_slice %arg6[%dma_start3A_360, %dma_start3A_361, %dma_start3A_362] : memref<2x256x64xf32, #tpu.memory_space<vmem>> -> memref<1x128x64xf32, #tpu.memory_space<vmem>>
        %dma_start3A_364 = tpu.memref_squeeze %dma_start3A_363 : memref<1x128x64xf32, #tpu.memory_space<vmem>> -> memref<128x64xf32, #tpu.memory_space<vmem>>
        %dma_start3A_365 = arith.constant 0 : i32
        %dma_start3A_366 = tpu.memref_slice %arg5[%dma_start3A_358, %dma_start3A_359, %dma_start3A_365] : memref<2x2x128xi32, #tpu.memory_space<vmem>> -> memref<1x1x128xi32, #tpu.memory_space<vmem>>
        %dma_start3A_367 = tpu.memref_squeeze %dma_start3A_366 : memref<1x1x128xi32, #tpu.memory_space<vmem>> -> memref<128xi32, #tpu.memory_space<vmem>>
        %dma_start3A_368 = arith.constant 0 : i32
        %dma_start3A_369 = arith.constant 0 : i32
        %dma_start3A_370 = tpu.memref_slice %arg3[%dma_start3A_368, %dma_start3A_369] : memref<1000000x64xf32, #tpu.memory_space<hbm>> -> memref<1000000x64xf32, #tpu.memory_space<hbm>>
        tpu.enqueue_indirect_dma source(%dma_start3A_370 : memref<1000000x64xf32, #tpu.memory_space<hbm>>) target(%dma_start3A_364 : memref<128x64xf32, #tpu.memory_space<vmem>>) offsets(%dma_start3A_367 : memref<128xi32, #tpu.memory_space<vmem>>) semaphore(%arg11 : memref<!tpu.dma_semaphore, #tpu.memory_space<semaphore_mem>>)
      } else {
      }
      %ge3A = arith.constant 2 : i32
      %ge3A_177 = arith.cmpi sge, %add3A_172, %ge3A : i32
      %convert_element_type3A_178 = arith.extui %ge3A_177 : i1 to i32
      %cond3A_179 = arith.constant 0 : i32
      %cond3A_180 = arith.cmpi ne, %convert_element_type3A_178, %cond3A_179 : i32
      scf.if %cond3A_180 {
        %sub3A = arith.constant 2 : i32
        %sub3A_330 = arith.subi %add3A_172, %sub3A : i32
        %mul3A_331 = arith.constant 2 : i32
        %mul3A_332 = arith.muli %sub3A_330, %mul3A_331 : i32
        %dma_wait3A_333 = arith.constant 0 : i32
        %dma_wait3A_334 = arith.constant 0 : i32
        %dma_wait3A_335 = arith.constant 0 : i32
        %dma_wait3A_336 = arith.constant 0 : i32
        %dma_wait3A_337 = arith.constant 0 : i32
        %dma_wait3A_338 = tpu.memref_slice %arg7[%dma_wait3A_333, %dma_wait3A_334, %dma_wait3A_335, %dma_wait3A_336, %dma_wait3A_337] : memref<2x2x8x8x129xf32, #tpu.memory_space<vmem>> -> memref<1x2x8x8x128xf32, #tpu.memory_space<vmem>>
        %dma_wait3A_339 = tpu.memref_squeeze %dma_wait3A_338 : memref<1x2x8x8x128xf32, #tpu.memory_space<vmem>> -> memref<2x8x8x128xf32, #tpu.memory_space<vmem>>
        %dma_wait3A_340 = arith.constant 0 : i32
        %dma_wait3A_341 = arith.constant 0 : i32
        %dma_wait3A_342 = arith.constant 0 : i32
        %dma_wait3A_343 = tpu.memref_slice %arg4[%mul3A_332, %dma_wait3A_340, %add3A, %dma_wait3A_341, %dma_wait3A_342] : memref<200x8x32x8x128xf32, #tpu.memory_space<hbm>> -> memref<2x8x1x8x128xf32, #tpu.memory_space<hbm>>
        %dma_wait3A_344 = tpu.memref_squeeze %dma_wait3A_343 : memref<2x8x1x8x128xf32, #tpu.memory_space<hbm>> -> memref<2x8x8x128xf32, #tpu.memory_space<hbm>>
        %dma_wait3A_345 = arith.constant 0 : i32
        %dma_wait3A_346 = arith.constant 0 : i32
        %dma_wait3A_347 = arith.constant 0 : i32
        %dma_wait3A_348 = tpu.memref_slice %arg4[%mul3A_332, %dma_wait3A_345, %add3A, %dma_wait3A_346, %dma_wait3A_347] : memref<200x8x32x8x128xf32, #tpu.memory_space<hbm>> -> memref<2x8x1x8x128xf32, #tpu.memory_space<hbm>>
        %dma_wait3A_349 = tpu.memref_squeeze %dma_wait3A_348 : memref<2x8x1x8x128xf32, #tpu.memory_space<hbm>> -> memref<2x8x8x128xf32, #tpu.memory_space<hbm>>
        %dma_wait3A_350 = arith.constant 0 : i32
        %dma_wait3A_351 = arith.constant 0 : i32
        %dma_wait3A_352 = arith.constant 0 : i32
        %dma_wait3A_353 = arith.constant 0 : i32
        %dma_wait3A_354 = tpu.memref_slice %arg7[%dma_wait3A_333, %dma_wait3A_350, %dma_wait3A_351, %dma_wait3A_352, %dma_wait3A_353] : memref<2x2x8x8x129xf32, #tpu.memory_space<vmem>> -> memref<1x2x8x8x128xf32, #tpu.memory_space<vmem>>
        %dma_wait3A_355 = tpu.memref_squeeze %dma_wait3A_354 : memref<1x2x8x8x128xf32, #tpu.memory_space<vmem>> -> memref<2x8x8x128xf32, #tpu.memory_space<vmem>>
        tpu.wait_dma2 semaphore(%arg12 : memref<!tpu.dma_semaphore, #tpu.memory_space<semaphore_mem>>) src(%dma_wait3A_355 : memref<2x8x8x128xf32, #tpu.memory_space<vmem>>) dst(%dma_wait3A_349 : memref<2x8x8x128xf32, #tpu.memory_space<hbm>>)
      } else {
      }
      %dma_wait3A_181 = arith.constant 0 : i32
      %dma_wait3A_182 = arith.constant 0 : i32
      %dma_wait3A_183 = arith.constant 0 : i32
      %dma_wait3A_184 = arith.constant 0 : i32
      %dma_wait3A_185 = arith.constant 0 : i32
      %dma_wait3A_186 = tpu.memref_slice %arg6[%dma_wait3A_183, %dma_wait3A_184, %dma_wait3A_185] : memref<2x256x64xf32, #tpu.memory_space<vmem>> -> memref<1x128x64xf32, #tpu.memory_space<vmem>>
      %dma_wait3A_187 = tpu.memref_squeeze %dma_wait3A_186 : memref<1x128x64xf32, #tpu.memory_space<vmem>> -> memref<128x64xf32, #tpu.memory_space<vmem>>
      %dma_wait3A_188 = arith.constant 0 : i32
      %dma_wait3A_189 = tpu.memref_slice %arg5[%dma_wait3A_181, %dma_wait3A_182, %dma_wait3A_188] : memref<2x2x128xi32, #tpu.memory_space<vmem>> -> memref<1x1x128xi32, #tpu.memory_space<vmem>>
      %dma_wait3A_190 = tpu.memref_squeeze %dma_wait3A_189 : memref<1x1x128xi32, #tpu.memory_space<vmem>> -> memref<128xi32, #tpu.memory_space<vmem>>
      %dma_wait3A_191 = arith.constant 0 : i32
      %dma_wait3A_192 = arith.constant 0 : i32
      %dma_wait3A_193 = tpu.memref_slice %arg3[%dma_wait3A_191, %dma_wait3A_192] : memref<1000000x64xf32, #tpu.memory_space<hbm>> -> memref<1000000x64xf32, #tpu.memory_space<hbm>>
      tpu.wait_indirect_dma semaphore(%arg10 : memref<!tpu.dma_semaphore, #tpu.memory_space<semaphore_mem>>) src(%dma_wait3A_193 : memref<1000000x64xf32, #tpu.memory_space<hbm>>) dst(%dma_wait3A_187 : memref<128x64xf32, #tpu.memory_space<vmem>>)
      %dma_wait3A_194 = arith.constant 0 : i32
      %dma_wait3A_195 = arith.constant 1 : i32
      %dma_wait3A_196 = arith.constant 0 : i32
      %dma_wait3A_197 = arith.constant 128 : i32
      %dma_wait3A_198 = arith.constant 0 : i32
      %dma_wait3A_199 = tpu.memref_slice %arg6[%dma_wait3A_196, %dma_wait3A_197, %dma_wait3A_198] : memref<2x256x64xf32, #tpu.memory_space<vmem>> -> memref<1x128x64xf32, #tpu.memory_space<vmem>>
      %dma_wait3A_200 = tpu.memref_squeeze %dma_wait3A_199 : memref<1x128x64xf32, #tpu.memory_space<vmem>> -> memref<128x64xf32, #tpu.memory_space<vmem>>
      %dma_wait3A_201 = arith.constant 0 : i32
      %dma_wait3A_202 = tpu.memref_slice %arg5[%dma_wait3A_194, %dma_wait3A_195, %dma_wait3A_201] : memref<2x2x128xi32, #tpu.memory_space<vmem>> -> memref<1x1x128xi32, #tpu.memory_space<vmem>>
      %dma_wait3A_203 = tpu.memref_squeeze %dma_wait3A_202 : memref<1x1x128xi32, #tpu.memory_space<vmem>> -> memref<128xi32, #tpu.memory_space<vmem>>
      %dma_wait3A_204 = arith.constant 0 : i32
      %dma_wait3A_205 = arith.constant 0 : i32
      %dma_wait3A_206 = tpu.memref_slice %arg3[%dma_wait3A_204, %dma_wait3A_205] : memref<1000000x64xf32, #tpu.memory_space<hbm>> -> memref<1000000x64xf32, #tpu.memory_space<hbm>>
      tpu.wait_indirect_dma semaphore(%arg10 : memref<!tpu.dma_semaphore, #tpu.memory_space<semaphore_mem>>) src(%dma_wait3A_206 : memref<1000000x64xf32, #tpu.memory_space<hbm>>) dst(%dma_wait3A_200 : memref<128x64xf32, #tpu.memory_space<vmem>>)
      %add3A_207 = arith.constant 2 : i32
      %add3A_208 = arith.addi %add3A_172, %add3A_207 : i32
      %lt3A_209 = arith.constant 100 : i32
      %lt3A_210 = arith.cmpi slt, %add3A_208, %lt3A_209 : i32
      %convert_element_type3A_211 = arith.extui %lt3A_210 : i1 to i32
      %cond3A_212 = arith.constant 0 : i32
      %cond3A_213 = arith.cmpi ne, %convert_element_type3A_211, %cond3A_212 : i32
      scf.if %cond3A_213 {
        %add3A_330 = arith.constant 2 : i32
        %add3A_331 = arith.addi %add3A_172, %add3A_330 : i32
        %mul3A_332 = arith.constant 2 : i32
        %mul3A_333 = arith.muli %add3A_331, %mul3A_332 : i32
        %dma_start3A_334 = arith.constant 0 : i32
        %dma_start3A_335 = arith.constant 0 : i32
        %dma_start3A_336 = arith.constant 0 : i32
        %dma_start3A_337 = tpu.memref_slice %arg5[%dma_start3A_334, %dma_start3A_335, %dma_start3A_336] : memref<2x2x128xi32, #tpu.memory_space<vmem>> -> memref<1x2x128xi32, #tpu.memory_space<vmem>>
        %dma_start3A_338 = tpu.memref_squeeze %dma_start3A_337 : memref<1x2x128xi32, #tpu.memory_space<vmem>> -> memref<2x128xi32, #tpu.memory_space<vmem>>
        %dma_start3A_339 = tpu.memref_slice %arg2[%mul3A_333, %mul3A_2] : memref<200x4096xi32, #tpu.memory_space<hbm>> -> memref<2x128xi32, #tpu.memory_space<hbm>>
        %dma_start3A_340 = arith.constant 0 : i32
        %dma_start3A_341 = arith.constant 0 : i32
        %dma_start3A_342 = tpu.memref_slice %arg5[%dma_start3A_334, %dma_start3A_340, %dma_start3A_341] : memref<2x2x128xi32, #tpu.memory_space<vmem>> -> memref<1x2x128xi32, #tpu.memory_space<vmem>>
        %dma_start3A_343 = tpu.memref_squeeze %dma_start3A_342 : memref<1x2x128xi32, #tpu.memory_space<vmem>> -> memref<2x128xi32, #tpu.memory_space<vmem>>
        %dma_start3A_344 = tpu.memref_slice %arg2[%mul3A_333, %mul3A_2] : memref<200x4096xi32, #tpu.memory_space<hbm>> -> memref<2x128xi32, #tpu.memory_space<hbm>>
        tpu.enqueue_dma source(%dma_start3A_344 : memref<2x128xi32, #tpu.memory_space<hbm>>) target(%dma_start3A_343 : memref<2x128xi32, #tpu.memory_space<vmem>>) target_semaphore(%arg8 : memref<!tpu.dma_semaphore, #tpu.memory_space<semaphore_mem>>)
      } else {
      }
      %parallel_loop3A = arith.constant 0 : i32
      %parallel_loop3A_214 = arith.constant 128 : i32
      %parallel_loop3A_215 = arith.constant 1 : i32
      %parallel_loop3A_216 = arith.constant 0 : i32
      %parallel_loop3A_217 = arith.constant 0 : i32
      scf.for %parallel_loop3A_330 = %parallel_loop3A to %parallel_loop3A_214 step %parallel_loop3A_215  : i32 {
        %parallel_loop3A_331 = arith.constant 0 : i32
        %parallel_loop3A_332 = vector.broadcast %parallel_loop3A_331 : i32 to vector<16xi32>
        %parallel_loop3A_333 = vector.broadcast %parallel_loop3A_330 : i32 to vector<16xi32>
        %parallel_loop3A_334 = arith.addi %parallel_loop3A_332, %parallel_loop3A_333 : vector<16xi32>
        %parallel_loop3A_335 = arith.constant 0 : i32
        %parallel_loop3A_336 = arith.addi %parallel_loop3A_335, %parallel_loop3A_330 : i32
        %parallel_loop3A_337 = arith.constant 0 : i32
        %parallel_loop3A_338 = arith.index_cast %parallel_loop3A_337 : i32 to index
        %parallel_loop3A_339 = arith.index_cast %parallel_loop3A_336 : i32 to index
        %parallel_loop3A_340 = arith.constant 0 : index
        %parallel_loop3A_341 = tpu.vector_load %arg6[%parallel_loop3A_338, %parallel_loop3A_339, %parallel_loop3A_340] {strides = array<i32>} : memref<2x256x64xf32, #tpu.memory_space<vmem>>, vector<16xf32>,
        %parallel_loop3A_342 = arith.constant 8.000000e+00 : f32
        %parallel_loop3A_343 = vector.broadcast %parallel_loop3A_342 : f32 to vector<16xf32>
        %parallel_loop3A_344 = arith.mulf %parallel_loop3A_341, %parallel_loop3A_343 : vector<16xf32>
        %parallel_loop3A_345 = arith.constant 0 : i32
        %parallel_loop3A_346 = arith.constant 0 : i32
        %parallel_loop3A_347 = arith.constant 0 : i32
        %parallel_loop3A_348 = tpu.memref_slice %arg7[%parallel_loop3A_216, %parallel_loop3A_217, %parallel_loop3A_345, %parallel_loop3A_346, %parallel_loop3A_347] : memref<2x2x8x8x129xf32, #tpu.memory_space<vmem>> -> memref<1x1x8x8x129xf32, #tpu.memory_space<vmem>>
        %parallel_loop3A_349 = tpu.memref_squeeze %parallel_loop3A_348 : memref<1x1x8x8x129xf32, #tpu.memory_space<vmem>> -> memref<8x8x129xf32, #tpu.memory_space<vmem>>
        tpu.vector_store_idx %parallel_loop3A_349[%shift_right_arithmetic3A_7, %and3A_30, %parallel_loop3A_334], %parallel_loop3A_344 : memref<8x8x129xf32, #tpu.memory_space<vmem>>[vector<16xi32>, vector<16xi32>, vector<16xi32>], vector<16xf32>,
        %parallel_loop3A_350 = arith.constant 0 : i32
        %parallel_loop3A_351 = arith.addi %parallel_loop3A_350, %parallel_loop3A_330 : i32
        %parallel_loop3A_352 = arith.constant 0 : i32
        %parallel_loop3A_353 = arith.index_cast %parallel_loop3A_352 : i32 to index
        %parallel_loop3A_354 = arith.index_cast %parallel_loop3A_351 : i32 to index
        %parallel_loop3A_355 = arith.constant 16 : index
        %parallel_loop3A_356 = tpu.vector_load %arg6[%parallel_loop3A_353, %parallel_loop3A_354, %parallel_loop3A_355] {strides = array<i32>} : memref<2x256x64xf32, #tpu.memory_space<vmem>>, vector<16xf32>,
        %parallel_loop3A_357 = arith.constant 8.000000e+00 : f32
        %parallel_loop3A_358 = vector.broadcast %parallel_loop3A_357 : f32 to vector<16xf32>
        %parallel_loop3A_359 = arith.mulf %parallel_loop3A_356, %parallel_loop3A_358 : vector<16xf32>
        %parallel_loop3A_360 = arith.constant 0 : i32
        %parallel_loop3A_361 = arith.constant 0 : i32
        %parallel_loop3A_362 = arith.constant 0 : i32
        %parallel_loop3A_363 = tpu.memref_slice %arg7[%parallel_loop3A_216, %parallel_loop3A_217, %parallel_loop3A_360, %parallel_loop3A_361, %parallel_loop3A_362] : memref<2x2x8x8x129xf32, #tpu.memory_space<vmem>> -> memref<1x1x8x8x129xf32, #tpu.memory_space<vmem>>
        %parallel_loop3A_364 = tpu.memref_squeeze %parallel_loop3A_363 : memref<1x1x8x8x129xf32, #tpu.memory_space<vmem>> -> memref<8x8x129xf32, #tpu.memory_space<vmem>>
        tpu.vector_store_idx %parallel_loop3A_364[%shift_right_arithmetic3A_13, %and3A_36, %parallel_loop3A_334], %parallel_loop3A_359 : memref<8x8x129xf32, #tpu.memory_space<vmem>>[vector<16xi32>, vector<16xi32>, vector<16xi32>], vector<16xf32>,
        %parallel_loop3A_365 = arith.constant 0 : i32
        %parallel_loop3A_366 = arith.addi %parallel_loop3A_365, %parallel_loop3A_330 : i32
        %parallel_loop3A_367 = arith.constant 0 : i32
        %parallel_loop3A_368 = arith.index_cast %parallel_loop3A_367 : i32 to index
        %parallel_loop3A_369 = arith.index_cast %parallel_loop3A_366 : i32 to index
        %parallel_loop3A_370 = arith.constant 32 : index
        %parallel_loop3A_371 = tpu.vector_load %arg6[%parallel_loop3A_368, %parallel_loop3A_369, %parallel_loop3A_370] {strides = array<i32>} : memref<2x256x64xf32, #tpu.memory_space<vmem>>, vector<16xf32>,
        %parallel_loop3A_372 = arith.constant 8.000000e+00 : f32
        %parallel_loop3A_373 = vector.broadcast %parallel_loop3A_372 : f32 to vector<16xf32>
        %parallel_loop3A_374 = arith.mulf %parallel_loop3A_371, %parallel_loop3A_373 : vector<16xf32>
        %parallel_loop3A_375 = arith.constant 0 : i32
        %parallel_loop3A_376 = arith.constant 0 : i32
        %parallel_loop3A_377 = arith.constant 0 : i32
        %parallel_loop3A_378 = tpu.memref_slice %arg7[%parallel_loop3A_216, %parallel_loop3A_217, %parallel_loop3A_375, %parallel_loop3A_376, %parallel_loop3A_377] : memref<2x2x8x8x129xf32, #tpu.memory_space<vmem>> -> memref<1x1x8x8x129xf32, #tpu.memory_space<vmem>>
        %parallel_loop3A_379 = tpu.memref_squeeze %parallel_loop3A_378 : memref<1x1x8x8x129xf32, #tpu.memory_space<vmem>> -> memref<8x8x129xf32, #tpu.memory_space<vmem>>
        tpu.vector_store_idx %parallel_loop3A_379[%shift_right_arithmetic3A_19, %and3A_42, %parallel_loop3A_334], %parallel_loop3A_374 : memref<8x8x129xf32, #tpu.memory_space<vmem>>[vector<16xi32>, vector<16xi32>, vector<16xi32>], vector<16xf32>,
        %parallel_loop3A_380 = arith.constant 0 : i32
        %parallel_loop3A_381 = arith.addi %parallel_loop3A_380, %parallel_loop3A_330 : i32
        %parallel_loop3A_382 = arith.constant 0 : i32
        %parallel_loop3A_383 = arith.index_cast %parallel_loop3A_382 : i32 to index
        %parallel_loop3A_384 = arith.index_cast %parallel_loop3A_381 : i32 to index
        %parallel_loop3A_385 = arith.constant 48 : index
        %parallel_loop3A_386 = tpu.vector_load %arg6[%parallel_loop3A_383, %parallel_loop3A_384, %parallel_loop3A_385] {strides = array<i32>} : memref<2x256x64xf32, #tpu.memory_space<vmem>>, vector<16xf32>,
        %parallel_loop3A_387 = arith.constant 8.000000e+00 : f32
        %parallel_loop3A_388 = vector.broadcast %parallel_loop3A_387 : f32 to vector<16xf32>
        %parallel_loop3A_389 = arith.mulf %parallel_loop3A_386, %parallel_loop3A_388 : vector<16xf32>
        %parallel_loop3A_390 = arith.constant 0 : i32
        %parallel_loop3A_391 = arith.constant 0 : i32
        %parallel_loop3A_392 = arith.constant 0 : i32
        %parallel_loop3A_393 = tpu.memref_slice %arg7[%parallel_loop3A_216, %parallel_loop3A_217, %parallel_loop3A_390, %parallel_loop3A_391, %parallel_loop3A_392] : memref<2x2x8x8x129xf32, #tpu.memory_space<vmem>> -> memref<1x1x8x8x129xf32, #tpu.memory_space<vmem>>
        %parallel_loop3A_394 = tpu.memref_squeeze %parallel_loop3A_393 : memref<1x1x8x8x129xf32, #tpu.memory_space<vmem>> -> memref<8x8x129xf32, #tpu.memory_space<vmem>>
        tpu.vector_store_idx %parallel_loop3A_394[%shift_right_arithmetic3A_25, %and3A_48, %parallel_loop3A_334], %parallel_loop3A_389 : memref<8x8x129xf32, #tpu.memory_space<vmem>>[vector<16xi32>, vector<16xi32>, vector<16xi32>], vector<16xf32>,
      } {sc.loop_unroll_factor = 8 : i64, sc.parallel_access}
      %parallel_loop3A_218 = arith.constant 0 : i32
      %parallel_loop3A_219 = arith.constant 128 : i32
      %parallel_loop3A_220 = arith.constant 1 : i32
      %parallel_loop3A_221 = arith.constant 0 : i32
      %parallel_loop3A_222 = arith.constant 1 : i32
      scf.for %parallel_loop3A_330 = %parallel_loop3A_218 to %parallel_loop3A_219 step %parallel_loop3A_220  : i32 {
        %parallel_loop3A_331 = arith.constant 0 : i32
        %parallel_loop3A_332 = vector.broadcast %parallel_loop3A_331 : i32 to vector<16xi32>
        %parallel_loop3A_333 = vector.broadcast %parallel_loop3A_330 : i32 to vector<16xi32>
        %parallel_loop3A_334 = arith.addi %parallel_loop3A_332, %parallel_loop3A_333 : vector<16xi32>
        %parallel_loop3A_335 = arith.constant 128 : i32
        %parallel_loop3A_336 = arith.addi %parallel_loop3A_335, %parallel_loop3A_330 : i32
        %parallel_loop3A_337 = arith.constant 0 : i32
        %parallel_loop3A_338 = arith.index_cast %parallel_loop3A_337 : i32 to index
        %parallel_loop3A_339 = arith.index_cast %parallel_loop3A_336 : i32 to index
        %parallel_loop3A_340 = arith.constant 0 : index
        %parallel_loop3A_341 = tpu.vector_load %arg6[%parallel_loop3A_338, %parallel_loop3A_339, %parallel_loop3A_340] {strides = array<i32>} : memref<2x256x64xf32, #tpu.memory_space<vmem>>, vector<16xf32>,
        %parallel_loop3A_342 = arith.constant 8.000000e+00 : f32
        %parallel_loop3A_343 = vector.broadcast %parallel_loop3A_342 : f32 to vector<16xf32>
        %parallel_loop3A_344 = arith.mulf %parallel_loop3A_341, %parallel_loop3A_343 : vector<16xf32>
        %parallel_loop3A_345 = arith.constant 0 : i32
        %parallel_loop3A_346 = arith.constant 0 : i32
        %parallel_loop3A_347 = arith.constant 0 : i32
        %parallel_loop3A_348 = tpu.memref_slice %arg7[%parallel_loop3A_221, %parallel_loop3A_222, %parallel_loop3A_345, %parallel_loop3A_346, %parallel_loop3A_347] : memref<2x2x8x8x129xf32, #tpu.memory_space<vmem>> -> memref<1x1x8x8x129xf32, #tpu.memory_space<vmem>>
        %parallel_loop3A_349 = tpu.memref_squeeze %parallel_loop3A_348 : memref<1x1x8x8x129xf32, #tpu.memory_space<vmem>> -> memref<8x8x129xf32, #tpu.memory_space<vmem>>
        tpu.vector_store_idx %parallel_loop3A_349[%shift_right_arithmetic3A_7, %and3A_30, %parallel_loop3A_334], %parallel_loop3A_344 : memref<8x8x129xf32, #tpu.memory_space<vmem>>[vector<16xi32>, vector<16xi32>, vector<16xi32>], vector<16xf32>,
        %parallel_loop3A_350 = arith.constant 128 : i32
        %parallel_loop3A_351 = arith.addi %parallel_loop3A_350, %parallel_loop3A_330 : i32
        %parallel_loop3A_352 = arith.constant 0 : i32
        %parallel_loop3A_353 = arith.index_cast %parallel_loop3A_352 : i32 to index
        %parallel_loop3A_354 = arith.index_cast %parallel_loop3A_351 : i32 to index
        %parallel_loop3A_355 = arith.constant 16 : index
        %parallel_loop3A_356 = tpu.vector_load %arg6[%parallel_loop3A_353, %parallel_loop3A_354, %parallel_loop3A_355] {strides = array<i32>} : memref<2x256x64xf32, #tpu.memory_space<vmem>>, vector<16xf32>,
        %parallel_loop3A_357 = arith.constant 8.000000e+00 : f32
        %parallel_loop3A_358 = vector.broadcast %parallel_loop3A_357 : f32 to vector<16xf32>
        %parallel_loop3A_359 = arith.mulf %parallel_loop3A_356, %parallel_loop3A_358 : vector<16xf32>
        %parallel_loop3A_360 = arith.constant 0 : i32
        %parallel_loop3A_361 = arith.constant 0 : i32
        %parallel_loop3A_362 = arith.constant 0 : i32
        %parallel_loop3A_363 = tpu.memref_slice %arg7[%parallel_loop3A_221, %parallel_loop3A_222, %parallel_loop3A_360, %parallel_loop3A_361, %parallel_loop3A_362] : memref<2x2x8x8x129xf32, #tpu.memory_space<vmem>> -> memref<1x1x8x8x129xf32, #tpu.memory_space<vmem>>
        %parallel_loop3A_364 = tpu.memref_squeeze %parallel_loop3A_363 : memref<1x1x8x8x129xf32, #tpu.memory_space<vmem>> -> memref<8x8x129xf32, #tpu.memory_space<vmem>>
        tpu.vector_store_idx %parallel_loop3A_364[%shift_right_arithmetic3A_13, %and3A_36, %parallel_loop3A_334], %parallel_loop3A_359 : memref<8x8x129xf32, #tpu.memory_space<vmem>>[vector<16xi32>, vector<16xi32>, vector<16xi32>], vector<16xf32>,
        %parallel_loop3A_365 = arith.constant 128 : i32
        %parallel_loop3A_366 = arith.addi %parallel_loop3A_365, %parallel_loop3A_330 : i32
        %parallel_loop3A_367 = arith.constant 0 : i32
        %parallel_loop3A_368 = arith.index_cast %parallel_loop3A_367 : i32 to index
        %parallel_loop3A_369 = arith.index_cast %parallel_loop3A_366 : i32 to index
        %parallel_loop3A_370 = arith.constant 32 : index
        %parallel_loop3A_371 = tpu.vector_load %arg6[%parallel_loop3A_368, %parallel_loop3A_369, %parallel_loop3A_370] {strides = array<i32>} : memref<2x256x64xf32, #tpu.memory_space<vmem>>, vector<16xf32>,
        %parallel_loop3A_372 = arith.constant 8.000000e+00 : f32
        %parallel_loop3A_373 = vector.broadcast %parallel_loop3A_372 : f32 to vector<16xf32>
        %parallel_loop3A_374 = arith.mulf %parallel_loop3A_371, %parallel_loop3A_373 : vector<16xf32>
        %parallel_loop3A_375 = arith.constant 0 : i32
        %parallel_loop3A_376 = arith.constant 0 : i32
        %parallel_loop3A_377 = arith.constant 0 : i32
        %parallel_loop3A_378 = tpu.memref_slice %arg7[%parallel_loop3A_221, %parallel_loop3A_222, %parallel_loop3A_375, %parallel_loop3A_376, %parallel_loop3A_377] : memref<2x2x8x8x129xf32, #tpu.memory_space<vmem>> -> memref<1x1x8x8x129xf32, #tpu.memory_space<vmem>>
        %parallel_loop3A_379 = tpu.memref_squeeze %parallel_loop3A_378 : memref<1x1x8x8x129xf32, #tpu.memory_space<vmem>> -> memref<8x8x129xf32, #tpu.memory_space<vmem>>
        tpu.vector_store_idx %parallel_loop3A_379[%shift_right_arithmetic3A_19, %and3A_42, %parallel_loop3A_334], %parallel_loop3A_374 : memref<8x8x129xf32, #tpu.memory_space<vmem>>[vector<16xi32>, vector<16xi32>, vector<16xi32>], vector<16xf32>,
        %parallel_loop3A_380 = arith.constant 128 : i32
        %parallel_loop3A_381 = arith.addi %parallel_loop3A_380, %parallel_loop3A_330 : i32
        %parallel_loop3A_382 = arith.constant 0 : i32
        %parallel_loop3A_383 = arith.index_cast %parallel_loop3A_382 : i32 to index
        %parallel_loop3A_384 = arith.index_cast %parallel_loop3A_381 : i32 to index
        %parallel_loop3A_385 = arith.constant 48 : index
        %parallel_loop3A_386 = tpu.vector_load %arg6[%parallel_loop3A_383, %parallel_loop3A_384, %parallel_loop3A_385] {strides = array<i32>} : memref<2x256x64xf32, #tpu.memory_space<vmem>>, vector<16xf32>,
        %parallel_loop3A_387 = arith.constant 8.000000e+00 : f32
        %parallel_loop3A_388 = vector.broadcast %parallel_loop3A_387 : f32 to vector<16xf32>
        %parallel_loop3A_389 = arith.mulf %parallel_loop3A_386, %parallel_loop3A_388 : vector<16xf32>
        %parallel_loop3A_390 = arith.constant 0 : i32
        %parallel_loop3A_391 = arith.constant 0 : i32
        %parallel_loop3A_392 = arith.constant 0 : i32
        %parallel_loop3A_393 = tpu.memref_slice %arg7[%parallel_loop3A_221, %parallel_loop3A_222, %parallel_loop3A_390, %parallel_loop3A_391, %parallel_loop3A_392] : memref<2x2x8x8x129xf32, #tpu.memory_space<vmem>> -> memref<1x1x8x8x129xf32, #tpu.memory_space<vmem>>
        %parallel_loop3A_394 = tpu.memref_squeeze %parallel_loop3A_393 : memref<1x1x8x8x129xf32, #tpu.memory_space<vmem>> -> memref<8x8x129xf32, #tpu.memory_space<vmem>>
        tpu.vector_store_idx %parallel_loop3A_394[%shift_right_arithmetic3A_25, %and3A_48, %parallel_loop3A_334], %parallel_loop3A_389 : memref<8x8x129xf32, #tpu.memory_space<vmem>>[vector<16xi32>, vector<16xi32>, vector<16xi32>], vector<16xf32>,
      } {sc.loop_unroll_factor = 8 : i64, sc.parallel_access}
      %mul3A_223 = arith.constant 2 : i32
      %mul3A_224 = arith.muli %add3A_172, %mul3A_223 : i32
      %dma_start3A_225 = arith.constant 0 : i32
      %dma_start3A_226 = arith.constant 0 : i32
      %dma_start3A_227 = arith.constant 0 : i32
      %dma_start3A_228 = arith.constant 0 : i32
      %dma_start3A_229 = arith.constant 0 : i32
      %dma_start3A_230 = tpu.memref_slice %arg7[%dma_start3A_225, %dma_start3A_226, %dma_start3A_227, %dma_start3A_228, %dma_start3A_229] : memref<2x2x8x8x129xf32, #tpu.memory_space<vmem>> -> memref<1x2x8x8x128xf32, #tpu.memory_space<vmem>>
      %dma_start3A_231 = tpu.memref_squeeze %dma_start3A_230 : memref<1x2x8x8x128xf32, #tpu.memory_space<vmem>> -> memref<2x8x8x128xf32, #tpu.memory_space<vmem>>
      %dma_start3A_232 = arith.constant 0 : i32
      %dma_start3A_233 = arith.constant 0 : i32
      %dma_start3A_234 = arith.constant 0 : i32
      %dma_start3A_235 = tpu.memref_slice %arg4[%mul3A_224, %dma_start3A_232, %add3A, %dma_start3A_233, %dma_start3A_234] : memref<200x8x32x8x128xf32, #tpu.memory_space<hbm>> -> memref<2x8x1x8x128xf32, #tpu.memory_space<hbm>>
      %dma_start3A_236 = tpu.memref_squeeze %dma_start3A_235 : memref<2x8x1x8x128xf32, #tpu.memory_space<hbm>> -> memref<2x8x8x128xf32, #tpu.memory_space<hbm>>
      %dma_start3A_237 = arith.constant 0 : i32
      %dma_start3A_238 = arith.constant 0 : i32
      %dma_start3A_239 = arith.constant 0 : i32
      %dma_start3A_240 = tpu.memref_slice %arg4[%mul3A_224, %dma_start3A_237, %add3A, %dma_start3A_238, %dma_start3A_239] : memref<200x8x32x8x128xf32, #tpu.memory_space<hbm>> -> memref<2x8x1x8x128xf32, #tpu.memory_space<hbm>>
      %dma_start3A_241 = tpu.memref_squeeze %dma_start3A_240 : memref<2x8x1x8x128xf32, #tpu.memory_space<hbm>> -> memref<2x8x8x128xf32, #tpu.memory_space<hbm>>
      %dma_start3A_242 = arith.constant 0 : i32
      %dma_start3A_243 = arith.constant 0 : i32
      %dma_start3A_244 = arith.constant 0 : i32
      %dma_start3A_245 = arith.constant 0 : i32
      %dma_start3A_246 = tpu.memref_slice %arg7[%dma_start3A_225, %dma_start3A_242, %dma_start3A_243, %dma_start3A_244, %dma_start3A_245] : memref<2x2x8x8x129xf32, #tpu.memory_space<vmem>> -> memref<1x2x8x8x128xf32, #tpu.memory_space<vmem>>
      %dma_start3A_247 = tpu.memref_squeeze %dma_start3A_246 : memref<1x2x8x8x128xf32, #tpu.memory_space<vmem>> -> memref<2x8x8x128xf32, #tpu.memory_space<vmem>>
      tpu.enqueue_dma source(%dma_start3A_247 : memref<2x8x8x128xf32, #tpu.memory_space<vmem>>) target(%dma_start3A_241 : memref<2x8x8x128xf32, #tpu.memory_space<hbm>>) target_semaphore(%arg12 : memref<!tpu.dma_semaphore, #tpu.memory_space<semaphore_mem>>)
      %add3A_248 = arith.constant 1 : i32
      %add3A_249 = arith.addi %add3A_170, %add3A_248 : i32
      %add3A_250 = arith.constant 1 : i32
      %add3A_251 = arith.addi %add3A_249, %add3A_250 : i32
      %lt3A_252 = arith.constant 100 : i32
      %lt3A_253 = arith.cmpi slt, %add3A_251, %lt3A_252 : i32
      %convert_element_type3A_254 = arith.extui %lt3A_253 : i1 to i32
      %cond3A_255 = arith.constant 0 : i32
      %cond3A_256 = arith.cmpi ne, %convert_element_type3A_254, %cond3A_255 : i32
      scf.if %cond3A_256 {
        %add3A_330 = arith.constant 1 : i32
        %add3A_331 = arith.addi %add3A_249, %add3A_330 : i32
        %mul3A_332 = arith.constant 2 : i32
        %mul3A_333 = arith.muli %add3A_331, %mul3A_332 : i32
        %dma_wait3A_334 = arith.constant 0 : i32
        %dma_wait3A_335 = arith.constant 0 : i32
        %dma_wait3A_336 = arith.constant 0 : i32
        %dma_wait3A_337 = tpu.memref_slice %arg5[%dma_wait3A_334, %dma_wait3A_335, %dma_wait3A_336] : memref<2x2x128xi32, #tpu.memory_space<vmem>> -> memref<1x2x128xi32, #tpu.memory_space<vmem>>
        %dma_wait3A_338 = tpu.memref_squeeze %dma_wait3A_337 : memref<1x2x128xi32, #tpu.memory_space<vmem>> -> memref<2x128xi32, #tpu.memory_space<vmem>>
        %dma_wait3A_339 = tpu.memref_slice %arg2[%mul3A_333, %mul3A_2] : memref<200x4096xi32, #tpu.memory_space<hbm>> -> memref<2x128xi32, #tpu.memory_space<hbm>>
        %dma_wait3A_340 = arith.constant 0 : i32
        %dma_wait3A_341 = arith.constant 0 : i32
        %dma_wait3A_342 = tpu.memref_slice %arg5[%dma_wait3A_334, %dma_wait3A_340, %dma_wait3A_341] : memref<2x2x128xi32, #tpu.memory_space<vmem>> -> memref<1x2x128xi32, #tpu.memory_space<vmem>>
        %dma_wait3A_343 = tpu.memref_squeeze %dma_wait3A_342 : memref<1x2x128xi32, #tpu.memory_space<vmem>> -> memref<2x128xi32, #tpu.memory_space<vmem>>
        %dma_wait3A_344 = tpu.memref_slice %arg2[%mul3A_333, %mul3A_2] : memref<200x4096xi32, #tpu.memory_space<hbm>> -> memref<2x128xi32, #tpu.memory_space<hbm>>
        tpu.wait_dma2 semaphore(%arg8 : memref<!tpu.dma_semaphore, #tpu.memory_space<semaphore_mem>>) src(%dma_wait3A_344 : memref<2x128xi32, #tpu.memory_space<hbm>>) dst(%dma_wait3A_343 : memref<2x128xi32, #tpu.memory_space<vmem>>)
        %dma_start3A_345 = arith.constant 0 : i32
        %dma_start3A_346 = arith.constant 0 : i32
        %dma_start3A_347 = arith.constant 0 : i32
        %dma_start3A_348 = arith.constant 0 : i32
        %dma_start3A_349 = arith.constant 0 : i32
        %dma_start3A_350 = tpu.memref_slice %arg6[%dma_start3A_347, %dma_start3A_348, %dma_start3A_349] : memref<2x256x64xf32, #tpu.memory_space<vmem>> -> memref<1x128x64xf32, #tpu.memory_space<vmem>>
        %dma_start3A_351 = tpu.memref_squeeze %dma_start3A_350 : memref<1x128x64xf32, #tpu.memory_space<vmem>> -> memref<128x64xf32, #tpu.memory_space<vmem>>
        %dma_start3A_352 = arith.constant 0 : i32
        %dma_start3A_353 = tpu.memref_slice %arg5[%dma_start3A_345, %dma_start3A_346, %dma_start3A_352] : memref<2x2x128xi32, #tpu.memory_space<vmem>> -> memref<1x1x128xi32, #tpu.memory_space<vmem>>
        %dma_start3A_354 = tpu.memref_squeeze %dma_start3A_353 : memref<1x1x128xi32, #tpu.memory_space<vmem>> -> memref<128xi32, #tpu.memory_space<vmem>>
        %dma_start3A_355 = arith.constant 0 : i32
        %dma_start3A_356 = arith.constant 0 : i32
        %dma_start3A_357 = tpu.memref_slice %arg3[%dma_start3A_355, %dma_start3A_356] : memref<1000000x64xf32, #tpu.memory_space<hbm>> -> memref<1000000x64xf32, #tpu.memory_space<hbm>>
        tpu.enqueue_indirect_dma source(%dma_start3A_357 : memref<1000000x64xf32, #tpu.memory_space<hbm>>) target(%dma_start3A_351 : memref<128x64xf32, #tpu.memory_space<vmem>>) offsets(%dma_start3A_354 : memref<128xi32, #tpu.memory_space<vmem>>) semaphore(%arg10 : memref<!tpu.dma_semaphore, #tpu.memory_space<semaphore_mem>>)
        %dma_start3A_358 = arith.constant 0 : i32
        %dma_start3A_359 = arith.constant 1 : i32
        %dma_start3A_360 = arith.constant 0 : i32
        %dma_start3A_361 = arith.constant 128 : i32
        %dma_start3A_362 = arith.constant 0 : i32
        %dma_start3A_363 = tpu.memref_slice %arg6[%dma_start3A_360, %dma_start3A_361, %dma_start3A_362] : memref<2x256x64xf32, #tpu.memory_space<vmem>> -> memref<1x128x64xf32, #tpu.memory_space<vmem>>
        %dma_start3A_364 = tpu.memref_squeeze %dma_start3A_363 : memref<1x128x64xf32, #tpu.memory_space<vmem>> -> memref<128x64xf32, #tpu.memory_space<vmem>>
        %dma_start3A_365 = arith.constant 0 : i32
        %dma_start3A_366 = tpu.memref_slice %arg5[%dma_start3A_358, %dma_start3A_359, %dma_start3A_365] : memref<2x2x128xi32, #tpu.memory_space<vmem>> -> memref<1x1x128xi32, #tpu.memory_space<vmem>>
        %dma_start3A_367 = tpu.memref_squeeze %dma_start3A_366 : memref<1x1x128xi32, #tpu.memory_space<vmem>> -> memref<128xi32, #tpu.memory_space<vmem>>
        %dma_start3A_368 = arith.constant 0 : i32
        %dma_start3A_369 = arith.constant 0 : i32
        %dma_start3A_370 = tpu.memref_slice %arg3[%dma_start3A_368, %dma_start3A_369] : memref<1000000x64xf32, #tpu.memory_space<hbm>> -> memref<1000000x64xf32, #tpu.memory_space<hbm>>
        tpu.enqueue_indirect_dma source(%dma_start3A_370 : memref<1000000x64xf32, #tpu.memory_space<hbm>>) target(%dma_start3A_364 : memref<128x64xf32, #tpu.memory_space<vmem>>) offsets(%dma_start3A_367 : memref<128xi32, #tpu.memory_space<vmem>>) semaphore(%arg10 : memref<!tpu.dma_semaphore, #tpu.memory_space<semaphore_mem>>)
      } else {
      }
      %ge3A_257 = arith.constant 2 : i32
      %ge3A_258 = arith.cmpi sge, %add3A_249, %ge3A_257 : i32
      %convert_element_type3A_259 = arith.extui %ge3A_258 : i1 to i32
      %cond3A_260 = arith.constant 0 : i32
      %cond3A_261 = arith.cmpi ne, %convert_element_type3A_259, %cond3A_260 : i32
      scf.if %cond3A_261 {
        %sub3A = arith.constant 2 : i32
        %sub3A_330 = arith.subi %add3A_249, %sub3A : i32
        %mul3A_331 = arith.constant 2 : i32
        %mul3A_332 = arith.muli %sub3A_330, %mul3A_331 : i32
        %dma_wait3A_333 = arith.constant 1 : i32
        %dma_wait3A_334 = arith.constant 0 : i32
        %dma_wait3A_335 = arith.constant 0 : i32
        %dma_wait3A_336 = arith.constant 0 : i32
        %dma_wait3A_337 = arith.constant 0 : i32
        %dma_wait3A_338 = tpu.memref_slice %arg7[%dma_wait3A_333, %dma_wait3A_334, %dma_wait3A_335, %dma_wait3A_336, %dma_wait3A_337] : memref<2x2x8x8x129xf32, #tpu.memory_space<vmem>> -> memref<1x2x8x8x128xf32, #tpu.memory_space<vmem>>
        %dma_wait3A_339 = tpu.memref_squeeze %dma_wait3A_338 : memref<1x2x8x8x128xf32, #tpu.memory_space<vmem>> -> memref<2x8x8x128xf32, #tpu.memory_space<vmem>>
        %dma_wait3A_340 = arith.constant 0 : i32
        %dma_wait3A_341 = arith.constant 0 : i32
        %dma_wait3A_342 = arith.constant 0 : i32
        %dma_wait3A_343 = tpu.memref_slice %arg4[%mul3A_332, %dma_wait3A_340, %add3A, %dma_wait3A_341, %dma_wait3A_342] : memref<200x8x32x8x128xf32, #tpu.memory_space<hbm>> -> memref<2x8x1x8x128xf32, #tpu.memory_space<hbm>>
        %dma_wait3A_344 = tpu.memref_squeeze %dma_wait3A_343 : memref<2x8x1x8x128xf32, #tpu.memory_space<hbm>> -> memref<2x8x8x128xf32, #tpu.memory_space<hbm>>
        %dma_wait3A_345 = arith.constant 0 : i32
        %dma_wait3A_346 = arith.constant 0 : i32
        %dma_wait3A_347 = arith.constant 0 : i32
        %dma_wait3A_348 = tpu.memref_slice %arg4[%mul3A_332, %dma_wait3A_345, %add3A, %dma_wait3A_346, %dma_wait3A_347] : memref<200x8x32x8x128xf32, #tpu.memory_space<hbm>> -> memref<2x8x1x8x128xf32, #tpu.memory_space<hbm>>
        %dma_wait3A_349 = tpu.memref_squeeze %dma_wait3A_348 : memref<2x8x1x8x128xf32, #tpu.memory_space<hbm>> -> memref<2x8x8x128xf32, #tpu.memory_space<hbm>>
        %dma_wait3A_350 = arith.constant 0 : i32
        %dma_wait3A_351 = arith.constant 0 : i32
        %dma_wait3A_352 = arith.constant 0 : i32
        %dma_wait3A_353 = arith.constant 0 : i32
        %dma_wait3A_354 = tpu.memref_slice %arg7[%dma_wait3A_333, %dma_wait3A_350, %dma_wait3A_351, %dma_wait3A_352, %dma_wait3A_353] : memref<2x2x8x8x129xf32, #tpu.memory_space<vmem>> -> memref<1x2x8x8x128xf32, #tpu.memory_space<vmem>>
        %dma_wait3A_355 = tpu.memref_squeeze %dma_wait3A_354 : memref<1x2x8x8x128xf32, #tpu.memory_space<vmem>> -> memref<2x8x8x128xf32, #tpu.memory_space<vmem>>
        tpu.wait_dma2 semaphore(%arg13 : memref<!tpu.dma_semaphore, #tpu.memory_space<semaphore_mem>>) src(%dma_wait3A_355 : memref<2x8x8x128xf32, #tpu.memory_space<vmem>>) dst(%dma_wait3A_349 : memref<2x8x8x128xf32, #tpu.memory_space<hbm>>)
      } else {
      }
      %dma_wait3A_262 = arith.constant 1 : i32
      %dma_wait3A_263 = arith.constant 0 : i32
      %dma_wait3A_264 = arith.constant 1 : i32
      %dma_wait3A_265 = arith.constant 0 : i32
      %dma_wait3A_266 = arith.constant 0 : i32
      %dma_wait3A_267 = tpu.memref_slice %arg6[%dma_wait3A_264, %dma_wait3A_265, %dma_wait3A_266] : memref<2x256x64xf32, #tpu.memory_space<vmem>> -> memref<1x128x64xf32, #tpu.memory_space<vmem>>
      %dma_wait3A_268 = tpu.memref_squeeze %dma_wait3A_267 : memref<1x128x64xf32, #tpu.memory_space<vmem>> -> memref<128x64xf32, #tpu.memory_space<vmem>>
      %dma_wait3A_269 = arith.constant 0 : i32
      %dma_wait3A_270 = tpu.memref_slice %arg5[%dma_wait3A_262, %dma_wait3A_263, %dma_wait3A_269] : memref<2x2x128xi32, #tpu.memory_space<vmem>> -> memref<1x1x128xi32, #tpu.memory_space<vmem>>
      %dma_wait3A_271 = tpu.memref_squeeze %dma_wait3A_270 : memref<1x1x128xi32, #tpu.memory_space<vmem>> -> memref<128xi32, #tpu.memory_space<vmem>>
      %dma_wait3A_272 = arith.constant 0 : i32
      %dma_wait3A_273 = arith.constant 0 : i32
      %dma_wait3A_274 = tpu.memref_slice %arg3[%dma_wait3A_272, %dma_wait3A_273] : memref<1000000x64xf32, #tpu.memory_space<hbm>> -> memref<1000000x64xf32, #tpu.memory_space<hbm>>
      tpu.wait_indirect_dma semaphore(%arg11 : memref<!tpu.dma_semaphore, #tpu.memory_space<semaphore_mem>>) src(%dma_wait3A_274 : memref<1000000x64xf32, #tpu.memory_space<hbm>>) dst(%dma_wait3A_268 : memref<128x64xf32, #tpu.memory_space<vmem>>)
      %dma_wait3A_275 = arith.constant 1 : i32
      %dma_wait3A_276 = arith.constant 1 : i32
      %dma_wait3A_277 = arith.constant 1 : i32
      %dma_wait3A_278 = arith.constant 128 : i32
      %dma_wait3A_279 = arith.constant 0 : i32
      %dma_wait3A_280 = tpu.memref_slice %arg6[%dma_wait3A_277, %dma_wait3A_278, %dma_wait3A_279] : memref<2x256x64xf32, #tpu.memory_space<vmem>> -> memref<1x128x64xf32, #tpu.memory_space<vmem>>
      %dma_wait3A_281 = tpu.memref_squeeze %dma_wait3A_280 : memref<1x128x64xf32, #tpu.memory_space<vmem>> -> memref<128x64xf32, #tpu.memory_space<vmem>>
      %dma_wait3A_282 = arith.constant 0 : i32
      %dma_wait3A_283 = tpu.memref_slice %arg5[%dma_wait3A_275, %dma_wait3A_276, %dma_wait3A_282] : memref<2x2x128xi32, #tpu.memory_space<vmem>> -> memref<1x1x128xi32, #tpu.memory_space<vmem>>
      %dma_wait3A_284 = tpu.memref_squeeze %dma_wait3A_283 : memref<1x1x128xi32, #tpu.memory_space<vmem>> -> memref<128xi32, #tpu.memory_space<vmem>>
      %dma_wait3A_285 = arith.constant 0 : i32
      %dma_wait3A_286 = arith.constant 0 : i32
      %dma_wait3A_287 = tpu.memref_slice %arg3[%dma_wait3A_285, %dma_wait3A_286] : memref<1000000x64xf32, #tpu.memory_space<hbm>> -> memref<1000000x64xf32, #tpu.memory_space<hbm>>
      tpu.wait_indirect_dma semaphore(%arg11 : memref<!tpu.dma_semaphore, #tpu.memory_space<semaphore_mem>>) src(%dma_wait3A_287 : memref<1000000x64xf32, #tpu.memory_space<hbm>>) dst(%dma_wait3A_281 : memref<128x64xf32, #tpu.memory_space<vmem>>)
      %add3A_288 = arith.constant 2 : i32
      %add3A_289 = arith.addi %add3A_249, %add3A_288 : i32
      %lt3A_290 = arith.constant 100 : i32
      %lt3A_291 = arith.cmpi slt, %add3A_289, %lt3A_290 : i32
      %convert_element_type3A_292 = arith.extui %lt3A_291 : i1 to i32
      %cond3A_293 = arith.constant 0 : i32
      %cond3A_294 = arith.cmpi ne, %convert_element_type3A_292, %cond3A_293 : i32
      scf.if %cond3A_294 {
        %add3A_330 = arith.constant 2 : i32
        %add3A_331 = arith.addi %add3A_249, %add3A_330 : i32
        %mul3A_332 = arith.constant 2 : i32
        %mul3A_333 = arith.muli %add3A_331, %mul3A_332 : i32
        %dma_start3A_334 = arith.constant 1 : i32
        %dma_start3A_335 = arith.constant 0 : i32
        %dma_start3A_336 = arith.constant 0 : i32
        %dma_start3A_337 = tpu.memref_slice %arg5[%dma_start3A_334, %dma_start3A_335, %dma_start3A_336] : memref<2x2x128xi32, #tpu.memory_space<vmem>> -> memref<1x2x128xi32, #tpu.memory_space<vmem>>
        %dma_start3A_338 = tpu.memref_squeeze %dma_start3A_337 : memref<1x2x128xi32, #tpu.memory_space<vmem>> -> memref<2x128xi32, #tpu.memory_space<vmem>>
        %dma_start3A_339 = tpu.memref_slice %arg2[%mul3A_333, %mul3A_2] : memref<200x4096xi32, #tpu.memory_space<hbm>> -> memref<2x128xi32, #tpu.memory_space<hbm>>
        %dma_start3A_340 = arith.constant 0 : i32
        %dma_start3A_341 = arith.constant 0 : i32
        %dma_start3A_342 = tpu.memref_slice %arg5[%dma_start3A_334, %dma_start3A_340, %dma_start3A_341] : memref<2x2x128xi32, #tpu.memory_space<vmem>> -> memref<1x2x128xi32, #tpu.memory_space<vmem>>
        %dma_start3A_343 = tpu.memref_squeeze %dma_start3A_342 : memref<1x2x128xi32, #tpu.memory_space<vmem>> -> memref<2x128xi32, #tpu.memory_space<vmem>>
        %dma_start3A_344 = tpu.memref_slice %arg2[%mul3A_333, %mul3A_2] : memref<200x4096xi32, #tpu.memory_space<hbm>> -> memref<2x128xi32, #tpu.memory_space<hbm>>
        tpu.enqueue_dma source(%dma_start3A_344 : memref<2x128xi32, #tpu.memory_space<hbm>>) target(%dma_start3A_343 : memref<2x128xi32, #tpu.memory_space<vmem>>) target_semaphore(%arg9 : memref<!tpu.dma_semaphore, #tpu.memory_space<semaphore_mem>>)
      } else {
      }
      %parallel_loop3A_295 = arith.constant 0 : i32
      %parallel_loop3A_296 = arith.constant 128 : i32
      %parallel_loop3A_297 = arith.constant 1 : i32
      %parallel_loop3A_298 = arith.constant 1 : i32
      %parallel_loop3A_299 = arith.constant 0 : i32
      scf.for %parallel_loop3A_330 = %parallel_loop3A_295 to %parallel_loop3A_296 step %parallel_loop3A_297  : i32 {
        %parallel_loop3A_331 = arith.constant 0 : i32
        %parallel_loop3A_332 = vector.broadcast %parallel_loop3A_331 : i32 to vector<16xi32>
        %parallel_loop3A_333 = vector.broadcast %parallel_loop3A_330 : i32 to vector<16xi32>
        %parallel_loop3A_334 = arith.addi %parallel_loop3A_332, %parallel_loop3A_333 : vector<16xi32>
        %parallel_loop3A_335 = arith.constant 0 : i32
        %parallel_loop3A_336 = arith.addi %parallel_loop3A_335, %parallel_loop3A_330 : i32
        %parallel_loop3A_337 = arith.constant 1 : i32
        %parallel_loop3A_338 = arith.index_cast %parallel_loop3A_337 : i32 to index
        %parallel_loop3A_339 = arith.index_cast %parallel_loop3A_336 : i32 to index
        %parallel_loop3A_340 = arith.constant 0 : index
        %parallel_loop3A_341 = tpu.vector_load %arg6[%parallel_loop3A_338, %parallel_loop3A_339, %parallel_loop3A_340] {strides = array<i32>} : memref<2x256x64xf32, #tpu.memory_space<vmem>>, vector<16xf32>,
        %parallel_loop3A_342 = arith.constant 8.000000e+00 : f32
        %parallel_loop3A_343 = vector.broadcast %parallel_loop3A_342 : f32 to vector<16xf32>
        %parallel_loop3A_344 = arith.mulf %parallel_loop3A_341, %parallel_loop3A_343 : vector<16xf32>
        %parallel_loop3A_345 = arith.constant 0 : i32
        %parallel_loop3A_346 = arith.constant 0 : i32
        %parallel_loop3A_347 = arith.constant 0 : i32
        %parallel_loop3A_348 = tpu.memref_slice %arg7[%parallel_loop3A_298, %parallel_loop3A_299, %parallel_loop3A_345, %parallel_loop3A_346, %parallel_loop3A_347] : memref<2x2x8x8x129xf32, #tpu.memory_space<vmem>> -> memref<1x1x8x8x129xf32, #tpu.memory_space<vmem>>
        %parallel_loop3A_349 = tpu.memref_squeeze %parallel_loop3A_348 : memref<1x1x8x8x129xf32, #tpu.memory_space<vmem>> -> memref<8x8x129xf32, #tpu.memory_space<vmem>>
        tpu.vector_store_idx %parallel_loop3A_349[%shift_right_arithmetic3A_7, %and3A_30, %parallel_loop3A_334], %parallel_loop3A_344 : memref<8x8x129xf32, #tpu.memory_space<vmem>>[vector<16xi32>, vector<16xi32>, vector<16xi32>], vector<16xf32>,
        %parallel_loop3A_350 = arith.constant 0 : i32
        %parallel_loop3A_351 = arith.addi %parallel_loop3A_350, %parallel_loop3A_330 : i32
        %parallel_loop3A_352 = arith.constant 1 : i32
        %parallel_loop3A_353 = arith.index_cast %parallel_loop3A_352 : i32 to index
        %parallel_loop3A_354 = arith.index_cast %parallel_loop3A_351 : i32 to index
        %parallel_loop3A_355 = arith.constant 16 : index
        %parallel_loop3A_356 = tpu.vector_load %arg6[%parallel_loop3A_353, %parallel_loop3A_354, %parallel_loop3A_355] {strides = array<i32>} : memref<2x256x64xf32, #tpu.memory_space<vmem>>, vector<16xf32>,
        %parallel_loop3A_357 = arith.constant 8.000000e+00 : f32
        %parallel_loop3A_358 = vector.broadcast %parallel_loop3A_357 : f32 to vector<16xf32>
        %parallel_loop3A_359 = arith.mulf %parallel_loop3A_356, %parallel_loop3A_358 : vector<16xf32>
        %parallel_loop3A_360 = arith.constant 0 : i32
        %parallel_loop3A_361 = arith.constant 0 : i32
        %parallel_loop3A_362 = arith.constant 0 : i32
        %parallel_loop3A_363 = tpu.memref_slice %arg7[%parallel_loop3A_298, %parallel_loop3A_299, %parallel_loop3A_360, %parallel_loop3A_361, %parallel_loop3A_362] : memref<2x2x8x8x129xf32, #tpu.memory_space<vmem>> -> memref<1x1x8x8x129xf32, #tpu.memory_space<vmem>>
        %parallel_loop3A_364 = tpu.memref_squeeze %parallel_loop3A_363 : memref<1x1x8x8x129xf32, #tpu.memory_space<vmem>> -> memref<8x8x129xf32, #tpu.memory_space<vmem>>
        tpu.vector_store_idx %parallel_loop3A_364[%shift_right_arithmetic3A_13, %and3A_36, %parallel_loop3A_334], %parallel_loop3A_359 : memref<8x8x129xf32, #tpu.memory_space<vmem>>[vector<16xi32>, vector<16xi32>, vector<16xi32>], vector<16xf32>,
        %parallel_loop3A_365 = arith.constant 0 : i32
        %parallel_loop3A_366 = arith.addi %parallel_loop3A_365, %parallel_loop3A_330 : i32
        %parallel_loop3A_367 = arith.constant 1 : i32
        %parallel_loop3A_368 = arith.index_cast %parallel_loop3A_367 : i32 to index
        %parallel_loop3A_369 = arith.index_cast %parallel_loop3A_366 : i32 to index
        %parallel_loop3A_370 = arith.constant 32 : index
        %parallel_loop3A_371 = tpu.vector_load %arg6[%parallel_loop3A_368, %parallel_loop3A_369, %parallel_loop3A_370] {strides = array<i32>} : memref<2x256x64xf32, #tpu.memory_space<vmem>>, vector<16xf32>,
        %parallel_loop3A_372 = arith.constant 8.000000e+00 : f32
        %parallel_loop3A_373 = vector.broadcast %parallel_loop3A_372 : f32 to vector<16xf32>
        %parallel_loop3A_374 = arith.mulf %parallel_loop3A_371, %parallel_loop3A_373 : vector<16xf32>
        %parallel_loop3A_375 = arith.constant 0 : i32
        %parallel_loop3A_376 = arith.constant 0 : i32
        %parallel_loop3A_377 = arith.constant 0 : i32
        %parallel_loop3A_378 = tpu.memref_slice %arg7[%parallel_loop3A_298, %parallel_loop3A_299, %parallel_loop3A_375, %parallel_loop3A_376, %parallel_loop3A_377] : memref<2x2x8x8x129xf32, #tpu.memory_space<vmem>> -> memref<1x1x8x8x129xf32, #tpu.memory_space<vmem>>
        %parallel_loop3A_379 = tpu.memref_squeeze %parallel_loop3A_378 : memref<1x1x8x8x129xf32, #tpu.memory_space<vmem>> -> memref<8x8x129xf32, #tpu.memory_space<vmem>>
        tpu.vector_store_idx %parallel_loop3A_379[%shift_right_arithmetic3A_19, %and3A_42, %parallel_loop3A_334], %parallel_loop3A_374 : memref<8x8x129xf32, #tpu.memory_space<vmem>>[vector<16xi32>, vector<16xi32>, vector<16xi32>], vector<16xf32>,
        %parallel_loop3A_380 = arith.constant 0 : i32
        %parallel_loop3A_381 = arith.addi %parallel_loop3A_380, %parallel_loop3A_330 : i32
        %parallel_loop3A_382 = arith.constant 1 : i32
        %parallel_loop3A_383 = arith.index_cast %parallel_loop3A_382 : i32 to index
        %parallel_loop3A_384 = arith.index_cast %parallel_loop3A_381 : i32 to index
        %parallel_loop3A_385 = arith.constant 48 : index
        %parallel_loop3A_386 = tpu.vector_load %arg6[%parallel_loop3A_383, %parallel_loop3A_384, %parallel_loop3A_385] {strides = array<i32>} : memref<2x256x64xf32, #tpu.memory_space<vmem>>, vector<16xf32>,
        %parallel_loop3A_387 = arith.constant 8.000000e+00 : f32
        %parallel_loop3A_388 = vector.broadcast %parallel_loop3A_387 : f32 to vector<16xf32>
        %parallel_loop3A_389 = arith.mulf %parallel_loop3A_386, %parallel_loop3A_388 : vector<16xf32>
        %parallel_loop3A_390 = arith.constant 0 : i32
        %parallel_loop3A_391 = arith.constant 0 : i32
        %parallel_loop3A_392 = arith.constant 0 : i32
        %parallel_loop3A_393 = tpu.memref_slice %arg7[%parallel_loop3A_298, %parallel_loop3A_299, %parallel_loop3A_390, %parallel_loop3A_391, %parallel_loop3A_392] : memref<2x2x8x8x129xf32, #tpu.memory_space<vmem>> -> memref<1x1x8x8x129xf32, #tpu.memory_space<vmem>>
        %parallel_loop3A_394 = tpu.memref_squeeze %parallel_loop3A_393 : memref<1x1x8x8x129xf32, #tpu.memory_space<vmem>> -> memref<8x8x129xf32, #tpu.memory_space<vmem>>
        tpu.vector_store_idx %parallel_loop3A_394[%shift_right_arithmetic3A_25, %and3A_48, %parallel_loop3A_334], %parallel_loop3A_389 : memref<8x8x129xf32, #tpu.memory_space<vmem>>[vector<16xi32>, vector<16xi32>, vector<16xi32>], vector<16xf32>,
      } {sc.loop_unroll_factor = 8 : i64, sc.parallel_access}
      %parallel_loop3A_300 = arith.constant 0 : i32
      %parallel_loop3A_301 = arith.constant 128 : i32
      %parallel_loop3A_302 = arith.constant 1 : i32
      %parallel_loop3A_303 = arith.constant 1 : i32
      %parallel_loop3A_304 = arith.constant 1 : i32
      scf.for %parallel_loop3A_330 = %parallel_loop3A_300 to %parallel_loop3A_301 step %parallel_loop3A_302  : i32 {
        %parallel_loop3A_331 = arith.constant 0 : i32
        %parallel_loop3A_332 = vector.broadcast %parallel_loop3A_331 : i32 to vector<16xi32>
        %parallel_loop3A_333 = vector.broadcast %parallel_loop3A_330 : i32 to vector<16xi32>
        %parallel_loop3A_334 = arith.addi %parallel_loop3A_332, %parallel_loop3A_333 : vector<16xi32>
        %parallel_loop3A_335 = arith.constant 128 : i32
        %parallel_loop3A_336 = arith.addi %parallel_loop3A_335, %parallel_loop3A_330 : i32
        %parallel_loop3A_337 = arith.constant 1 : i32
        %parallel_loop3A_338 = arith.index_cast %parallel_loop3A_337 : i32 to index
        %parallel_loop3A_339 = arith.index_cast %parallel_loop3A_336 : i32 to index
        %parallel_loop3A_340 = arith.constant 0 : index
        %parallel_loop3A_341 = tpu.vector_load %arg6[%parallel_loop3A_338, %parallel_loop3A_339, %parallel_loop3A_340] {strides = array<i32>} : memref<2x256x64xf32, #tpu.memory_space<vmem>>, vector<16xf32>,
        %parallel_loop3A_342 = arith.constant 8.000000e+00 : f32
        %parallel_loop3A_343 = vector.broadcast %parallel_loop3A_342 : f32 to vector<16xf32>
        %parallel_loop3A_344 = arith.mulf %parallel_loop3A_341, %parallel_loop3A_343 : vector<16xf32>
        %parallel_loop3A_345 = arith.constant 0 : i32
        %parallel_loop3A_346 = arith.constant 0 : i32
        %parallel_loop3A_347 = arith.constant 0 : i32
        %parallel_loop3A_348 = tpu.memref_slice %arg7[%parallel_loop3A_303, %parallel_loop3A_304, %parallel_loop3A_345, %parallel_loop3A_346, %parallel_loop3A_347] : memref<2x2x8x8x129xf32, #tpu.memory_space<vmem>> -> memref<1x1x8x8x129xf32, #tpu.memory_space<vmem>>
        %parallel_loop3A_349 = tpu.memref_squeeze %parallel_loop3A_348 : memref<1x1x8x8x129xf32, #tpu.memory_space<vmem>> -> memref<8x8x129xf32, #tpu.memory_space<vmem>>
        tpu.vector_store_idx %parallel_loop3A_349[%shift_right_arithmetic3A_7, %and3A_30, %parallel_loop3A_334], %parallel_loop3A_344 : memref<8x8x129xf32, #tpu.memory_space<vmem>>[vector<16xi32>, vector<16xi32>, vector<16xi32>], vector<16xf32>,
        %parallel_loop3A_350 = arith.constant 128 : i32
        %parallel_loop3A_351 = arith.addi %parallel_loop3A_350, %parallel_loop3A_330 : i32
        %parallel_loop3A_352 = arith.constant 1 : i32
        %parallel_loop3A_353 = arith.index_cast %parallel_loop3A_352 : i32 to index
        %parallel_loop3A_354 = arith.index_cast %parallel_loop3A_351 : i32 to index
        %parallel_loop3A_355 = arith.constant 16 : index
        %parallel_loop3A_356 = tpu.vector_load %arg6[%parallel_loop3A_353, %parallel_loop3A_354, %parallel_loop3A_355] {strides = array<i32>} : memref<2x256x64xf32, #tpu.memory_space<vmem>>, vector<16xf32>,
        %parallel_loop3A_357 = arith.constant 8.000000e+00 : f32
        %parallel_loop3A_358 = vector.broadcast %parallel_loop3A_357 : f32 to vector<16xf32>
        %parallel_loop3A_359 = arith.mulf %parallel_loop3A_356, %parallel_loop3A_358 : vector<16xf32>
        %parallel_loop3A_360 = arith.constant 0 : i32
        %parallel_loop3A_361 = arith.constant 0 : i32
        %parallel_loop3A_362 = arith.constant 0 : i32
        %parallel_loop3A_363 = tpu.memref_slice %arg7[%parallel_loop3A_303, %parallel_loop3A_304, %parallel_loop3A_360, %parallel_loop3A_361, %parallel_loop3A_362] : memref<2x2x8x8x129xf32, #tpu.memory_space<vmem>> -> memref<1x1x8x8x129xf32, #tpu.memory_space<vmem>>
        %parallel_loop3A_364 = tpu.memref_squeeze %parallel_loop3A_363 : memref<1x1x8x8x129xf32, #tpu.memory_space<vmem>> -> memref<8x8x129xf32, #tpu.memory_space<vmem>>
        tpu.vector_store_idx %parallel_loop3A_364[%shift_right_arithmetic3A_13, %and3A_36, %parallel_loop3A_334], %parallel_loop3A_359 : memref<8x8x129xf32, #tpu.memory_space<vmem>>[vector<16xi32>, vector<16xi32>, vector<16xi32>], vector<16xf32>,
        %parallel_loop3A_365 = arith.constant 128 : i32
        %parallel_loop3A_366 = arith.addi %parallel_loop3A_365, %parallel_loop3A_330 : i32
        %parallel_loop3A_367 = arith.constant 1 : i32
        %parallel_loop3A_368 = arith.index_cast %parallel_loop3A_367 : i32 to index
        %parallel_loop3A_369 = arith.index_cast %parallel_loop3A_366 : i32 to index
        %parallel_loop3A_370 = arith.constant 32 : index
        %parallel_loop3A_371 = tpu.vector_load %arg6[%parallel_loop3A_368, %parallel_loop3A_369, %parallel_loop3A_370] {strides = array<i32>} : memref<2x256x64xf32, #tpu.memory_space<vmem>>, vector<16xf32>,
        %parallel_loop3A_372 = arith.constant 8.000000e+00 : f32
        %parallel_loop3A_373 = vector.broadcast %parallel_loop3A_372 : f32 to vector<16xf32>
        %parallel_loop3A_374 = arith.mulf %parallel_loop3A_371, %parallel_loop3A_373 : vector<16xf32>
        %parallel_loop3A_375 = arith.constant 0 : i32
        %parallel_loop3A_376 = arith.constant 0 : i32
        %parallel_loop3A_377 = arith.constant 0 : i32
        %parallel_loop3A_378 = tpu.memref_slice %arg7[%parallel_loop3A_303, %parallel_loop3A_304, %parallel_loop3A_375, %parallel_loop3A_376, %parallel_loop3A_377] : memref<2x2x8x8x129xf32, #tpu.memory_space<vmem>> -> memref<1x1x8x8x129xf32, #tpu.memory_space<vmem>>
        %parallel_loop3A_379 = tpu.memref_squeeze %parallel_loop3A_378 : memref<1x1x8x8x129xf32, #tpu.memory_space<vmem>> -> memref<8x8x129xf32, #tpu.memory_space<vmem>>
        tpu.vector_store_idx %parallel_loop3A_379[%shift_right_arithmetic3A_19, %and3A_42, %parallel_loop3A_334], %parallel_loop3A_374 : memref<8x8x129xf32, #tpu.memory_space<vmem>>[vector<16xi32>, vector<16xi32>, vector<16xi32>], vector<16xf32>,
        %parallel_loop3A_380 = arith.constant 128 : i32
        %parallel_loop3A_381 = arith.addi %parallel_loop3A_380, %parallel_loop3A_330 : i32
        %parallel_loop3A_382 = arith.constant 1 : i32
        %parallel_loop3A_383 = arith.index_cast %parallel_loop3A_382 : i32 to index
        %parallel_loop3A_384 = arith.index_cast %parallel_loop3A_381 : i32 to index
        %parallel_loop3A_385 = arith.constant 48 : index
        %parallel_loop3A_386 = tpu.vector_load %arg6[%parallel_loop3A_383, %parallel_loop3A_384, %parallel_loop3A_385] {strides = array<i32>} : memref<2x256x64xf32, #tpu.memory_space<vmem>>, vector<16xf32>,
        %parallel_loop3A_387 = arith.constant 8.000000e+00 : f32
        %parallel_loop3A_388 = vector.broadcast %parallel_loop3A_387 : f32 to vector<16xf32>
        %parallel_loop3A_389 = arith.mulf %parallel_loop3A_386, %parallel_loop3A_388 : vector<16xf32>
        %parallel_loop3A_390 = arith.constant 0 : i32
        %parallel_loop3A_391 = arith.constant 0 : i32
        %parallel_loop3A_392 = arith.constant 0 : i32
        %parallel_loop3A_393 = tpu.memref_slice %arg7[%parallel_loop3A_303, %parallel_loop3A_304, %parallel_loop3A_390, %parallel_loop3A_391, %parallel_loop3A_392] : memref<2x2x8x8x129xf32, #tpu.memory_space<vmem>> -> memref<1x1x8x8x129xf32, #tpu.memory_space<vmem>>
        %parallel_loop3A_394 = tpu.memref_squeeze %parallel_loop3A_393 : memref<1x1x8x8x129xf32, #tpu.memory_space<vmem>> -> memref<8x8x129xf32, #tpu.memory_space<vmem>>
        tpu.vector_store_idx %parallel_loop3A_394[%shift_right_arithmetic3A_25, %and3A_48, %parallel_loop3A_334], %parallel_loop3A_389 : memref<8x8x129xf32, #tpu.memory_space<vmem>>[vector<16xi32>, vector<16xi32>, vector<16xi32>], vector<16xf32>,
      } {sc.loop_unroll_factor = 8 : i64, sc.parallel_access}
      %mul3A_305 = arith.constant 2 : i32
      %mul3A_306 = arith.muli %add3A_249, %mul3A_305 : i32
      %dma_start3A_307 = arith.constant 1 : i32
      %dma_start3A_308 = arith.constant 0 : i32
      %dma_start3A_309 = arith.constant 0 : i32
      %dma_start3A_310 = arith.constant 0 : i32
      %dma_start3A_311 = arith.constant 0 : i32
      %dma_start3A_312 = tpu.memref_slice %arg7[%dma_start3A_307, %dma_start3A_308, %dma_start3A_309, %dma_start3A_310, %dma_start3A_311] : memref<2x2x8x8x129xf32, #tpu.memory_space<vmem>> -> memref<1x2x8x8x128xf32, #tpu.memory_space<vmem>>
      %dma_start3A_313 = tpu.memref_squeeze %dma_start3A_312 : memref<1x2x8x8x128xf32, #tpu.memory_space<vmem>> -> memref<2x8x8x128xf32, #tpu.memory_space<vmem>>
      %dma_start3A_314 = arith.constant 0 : i32
      %dma_start3A_315 = arith.constant 0 : i32
      %dma_start3A_316 = arith.constant 0 : i32
      %dma_start3A_317 = tpu.memref_slice %arg4[%mul3A_306, %dma_start3A_314, %add3A, %dma_start3A_315, %dma_start3A_316] : memref<200x8x32x8x128xf32, #tpu.memory_space<hbm>> -> memref<2x8x1x8x128xf32, #tpu.memory_space<hbm>>
      %dma_start3A_318 = tpu.memref_squeeze %dma_start3A_317 : memref<2x8x1x8x128xf32, #tpu.memory_space<hbm>> -> memref<2x8x8x128xf32, #tpu.memory_space<hbm>>
      %dma_start3A_319 = arith.constant 0 : i32
      %dma_start3A_320 = arith.constant 0 : i32
      %dma_start3A_321 = arith.constant 0 : i32
      %dma_start3A_322 = tpu.memref_slice %arg4[%mul3A_306, %dma_start3A_319, %add3A, %dma_start3A_320, %dma_start3A_321] : memref<200x8x32x8x128xf32, #tpu.memory_space<hbm>> -> memref<2x8x1x8x128xf32, #tpu.memory_space<hbm>>
      %dma_start3A_323 = tpu.memref_squeeze %dma_start3A_322 : memref<2x8x1x8x128xf32, #tpu.memory_space<hbm>> -> memref<2x8x8x128xf32, #tpu.memory_space<hbm>>
      %dma_start3A_324 = arith.constant 0 : i32
      %dma_start3A_325 = arith.constant 0 : i32
      %dma_start3A_326 = arith.constant 0 : i32
      %dma_start3A_327 = arith.constant 0 : i32
      %dma_start3A_328 = tpu.memref_slice %arg7[%dma_start3A_307, %dma_start3A_324, %dma_start3A_325, %dma_start3A_326, %dma_start3A_327] : memref<2x2x8x8x129xf32, #tpu.memory_space<vmem>> -> memref<1x2x8x8x128xf32, #tpu.memory_space<vmem>>
      %dma_start3A_329 = tpu.memref_squeeze %dma_start3A_328 : memref<1x2x8x8x128xf32, #tpu.memory_space<vmem>> -> memref<2x8x8x128xf32, #tpu.memory_space<vmem>>
      tpu.enqueue_dma source(%dma_start3A_329 : memref<2x8x8x128xf32, #tpu.memory_space<vmem>>) target(%dma_start3A_323 : memref<2x8x8x128xf32, #tpu.memory_space<hbm>>) target_semaphore(%arg13 : memref<!tpu.dma_semaphore, #tpu.memory_space<semaphore_mem>>)
    }
    %scan3A_115 = arith.constant 50 : i32
    %dma_wait3A_116 = arith.constant 0 : i32
    %dma_wait3A_117 = arith.constant 0 : i32
    %dma_wait3A_118 = arith.constant 0 : i32
    %dma_wait3A_119 = arith.constant 0 : i32
    %dma_wait3A_120 = arith.constant 0 : i32
    %dma_wait3A_121 = tpu.memref_slice %arg7[%dma_wait3A_116, %dma_wait3A_117, %dma_wait3A_118, %dma_wait3A_119, %dma_wait3A_120] : memref<2x2x8x8x129xf32, #tpu.memory_space<vmem>> -> memref<1x2x8x8x128xf32, #tpu.memory_space<vmem>>
    %dma_wait3A_122 = tpu.memref_squeeze %dma_wait3A_121 : memref<1x2x8x8x128xf32, #tpu.memory_space<vmem>> -> memref<2x8x8x128xf32, #tpu.memory_space<vmem>>
    %dma_wait3A_123 = arith.constant 196 : i32
    %dma_wait3A_124 = arith.constant 0 : i32
    %dma_wait3A_125 = arith.constant 0 : i32
    %dma_wait3A_126 = arith.constant 0 : i32
    %dma_wait3A_127 = tpu.memref_slice %arg4[%dma_wait3A_123, %dma_wait3A_124, %add3A, %dma_wait3A_125, %dma_wait3A_126] : memref<200x8x32x8x128xf32, #tpu.memory_space<hbm>> -> memref<2x8x1x8x128xf32, #tpu.memory_space<hbm>>
    %dma_wait3A_128 = tpu.memref_squeeze %dma_wait3A_127 : memref<2x8x1x8x128xf32, #tpu.memory_space<hbm>> -> memref<2x8x8x128xf32, #tpu.memory_space<hbm>>
    %dma_wait3A_129 = arith.constant 196 : i32
    %dma_wait3A_130 = arith.constant 0 : i32
    %dma_wait3A_131 = arith.constant 0 : i32
    %dma_wait3A_132 = arith.constant 0 : i32
    %dma_wait3A_133 = tpu.memref_slice %arg4[%dma_wait3A_129, %dma_wait3A_130, %add3A, %dma_wait3A_131, %dma_wait3A_132] : memref<200x8x32x8x128xf32, #tpu.memory_space<hbm>> -> memref<2x8x1x8x128xf32, #tpu.memory_space<hbm>>
    %dma_wait3A_134 = tpu.memref_squeeze %dma_wait3A_133 : memref<2x8x1x8x128xf32, #tpu.memory_space<hbm>> -> memref<2x8x8x128xf32, #tpu.memory_space<hbm>>
    %dma_wait3A_135 = arith.constant 0 : i32
    %dma_wait3A_136 = arith.constant 0 : i32
    %dma_wait3A_137 = arith.constant 0 : i32
    %dma_wait3A_138 = arith.constant 0 : i32
    %dma_wait3A_139 = tpu.memref_slice %arg7[%dma_wait3A_116, %dma_wait3A_135, %dma_wait3A_136, %dma_wait3A_137, %dma_wait3A_138] : memref<2x2x8x8x129xf32, #tpu.memory_space<vmem>> -> memref<1x2x8x8x128xf32, #tpu.memory_space<vmem>>
    %dma_wait3A_140 = tpu.memref_squeeze %dma_wait3A_139 : memref<1x2x8x8x128xf32, #tpu.memory_space<vmem>> -> memref<2x8x8x128xf32, #tpu.memory_space<vmem>>
    tpu.wait_dma2 semaphore(%arg12 : memref<!tpu.dma_semaphore, #tpu.memory_space<semaphore_mem>>) src(%dma_wait3A_140 : memref<2x8x8x128xf32, #tpu.memory_space<vmem>>) dst(%dma_wait3A_134 : memref<2x8x8x128xf32, #tpu.memory_space<hbm>>)
    %dma_wait3A_141 = arith.constant 1 : i32
    %dma_wait3A_142 = arith.constant 0 : i32
    %dma_wait3A_143 = arith.constant 0 : i32
    %dma_wait3A_144 = arith.constant 0 : i32
    %dma_wait3A_145 = arith.constant 0 : i32
    %dma_wait3A_146 = tpu.memref_slice %arg7[%dma_wait3A_141, %dma_wait3A_142, %dma_wait3A_143, %dma_wait3A_144, %dma_wait3A_145] : memref<2x2x8x8x129xf32, #tpu.memory_space<vmem>> -> memref<1x2x8x8x128xf32, #tpu.memory_space<vmem>>
    %dma_wait3A_147 = tpu.memref_squeeze %dma_wait3A_146 : memref<1x2x8x8x128xf32, #tpu.memory_space<vmem>> -> memref<2x8x8x128xf32, #tpu.memory_space<vmem>>
    %dma_wait3A_148 = arith.constant 198 : i32
    %dma_wait3A_149 = arith.constant 0 : i32
    %dma_wait3A_150 = arith.constant 0 : i32
    %dma_wait3A_151 = arith.constant 0 : i32
    %dma_wait3A_152 = tpu.memref_slice %arg4[%dma_wait3A_148, %dma_wait3A_149, %add3A, %dma_wait3A_150, %dma_wait3A_151] : memref<200x8x32x8x128xf32, #tpu.memory_space<hbm>> -> memref<2x8x1x8x128xf32, #tpu.memory_space<hbm>>
    %dma_wait3A_153 = tpu.memref_squeeze %dma_wait3A_152 : memref<2x8x1x8x128xf32, #tpu.memory_space<hbm>> -> memref<2x8x8x128xf32, #tpu.memory_space<hbm>>
    %dma_wait3A_154 = arith.constant 198 : i32
    %dma_wait3A_155 = arith.constant 0 : i32
    %dma_wait3A_156 = arith.constant 0 : i32
    %dma_wait3A_157 = arith.constant 0 : i32
    %dma_wait3A_158 = tpu.memref_slice %arg4[%dma_wait3A_154, %dma_wait3A_155, %add3A, %dma_wait3A_156, %dma_wait3A_157] : memref<200x8x32x8x128xf32, #tpu.memory_space<hbm>> -> memref<2x8x1x8x128xf32, #tpu.memory_space<hbm>>
    %dma_wait3A_159 = tpu.memref_squeeze %dma_wait3A_158 : memref<2x8x1x8x128xf32, #tpu.memory_space<hbm>> -> memref<2x8x8x128xf32, #tpu.memory_space<hbm>>
    %dma_wait3A_160 = arith.constant 0 : i32
    %dma_wait3A_161 = arith.constant 0 : i32
    %dma_wait3A_162 = arith.constant 0 : i32
    %dma_wait3A_163 = arith.constant 0 : i32
    %dma_wait3A_164 = tpu.memref_slice %arg7[%dma_wait3A_141, %dma_wait3A_160, %dma_wait3A_161, %dma_wait3A_162, %dma_wait3A_163] : memref<2x2x8x8x129xf32, #tpu.memory_space<vmem>> -> memref<1x2x8x8x128xf32, #tpu.memory_space<vmem>>
    %dma_wait3A_165 = tpu.memref_squeeze %dma_wait3A_164 : memref<1x2x8x8x128xf32, #tpu.memory_space<vmem>> -> memref<2x8x8x128xf32, #tpu.memory_space<vmem>>
    tpu.wait_dma2 semaphore(%arg13 : memref<!tpu.dma_semaphore, #tpu.memory_space<semaphore_mem>>) src(%dma_wait3A_165 : memref<2x8x8x128xf32, #tpu.memory_space<vmem>>) dst(%dma_wait3A_159 : memref<2x8x8x128xf32, #tpu.memory_space<hbm>>)
    return
  }
}

</mosaic_0001>

<sc_bundles>
// kernel: kernel.3.cloned.1.call-start
scs
__scs_entry_jumppad:
0x0: {  	(pc) =	sbr.rel $0x88, $3  }
0x1: {  	(tag) =	ssettag $0x0;
	lr =	simm.s32 $0x1  }
0x2: {  	[smem:$0x3F9F] =	sst lr;
	_ =	strace $0xD0000000  }
0x3: {  	_ = 	snop  }
0x4: {  	_ = 	snop  }
0x5: {  	_ = 	snop  }
0x6: {  	_ = 	snop  }
0x7: {  	_ = 	snop  }
__scs_overlays_trampoline_lowered:
0x8: {  	[smem:$0x3FAE] =	sst s0  }
0x9: {  	[smem:$0x3FAF] =	sst s1  }
0xa: {  	[smem:$0x3FB0] =	sst s2  }
0xb: {  	[smem:$0x3FB1] =	sst s3  }
0xc: {  	[smem:$0x3FB2] =	sst s4  }
0xd: {  	[smem:$0x3FB3] =	sst s5  }
0xe: {  	[smem:$0x3FB4] =	sst s6  }
0xf: {  	[smem:$0x3FB5] =	sst s7  }
0x10: {  	[smem:$0x3FB6] =	sst s8  }
0x11: {  	[smem:$0x3FB7] =	sst s9;
	s0 =	simm.s32 @!p0 $0x0  }
0x12: {  	s1 =	sld [smem:$0x3F9D];
	s0 =	simm.s32 @p0 $0x1  }
0x13: {  	[smem:$0x3FB8] =	sst s0;
	s0 =	simm.s32 @!p1 $0x0  }
0x14: {  	s2 =	sld [smem:$0x3F9C];
	s0 =	simm.s32 @p1 $0x1  }
0x15: {  	[smem:$0x3FB9] =	sst s0;
	s0 =	simm.s32 @!p2 $0x0  }
0x16: {  	s3 =	sld [smem:$0x3FDB];
	s0 =	simm.s32 @p2 $0x1  }
0x17: {  	s4 =	simm.s32 $0x1BF5;
	[smem:$0x3FBB] =	sst s0  }
0x18: {  	s0 =	sld [smem:$0x3F9E];
	_ =	swait.ge [sflag:s4], $0x0  }
0x19: {  	s7 =	sld [smem:$0x3F9F]  }
0x1a: {  	s8 =	sadd.s32 $0xFFFFE003, lr  }
0x1b: {  	s9 =	sadd.s32 $0xFFFFFEF7, lr;
	s5 =	simm.s32 $0xFFFFFFFF;
	p2 =	slt.u32 s8, $0xFFFFF086  }
0x1c: {  	p1 =	slt.u32 s9, $0xF7A;
	s5 =	simm.s32 @!p2 $0x0  }
0x1d: {  	s5 =	simm.s32 @p1 $0x1;
	p0 =	seq.s32 s7, s2  }
0x1e: {  	s7 =	smul.u32 @!p0 $0xF7A, s2;
	p2 =	seq.s32 @!p0 s5, $0x0  }
0x1f: {  	s9 =	smul.u32 $0xF7A, s1;
	s8 =	simm.s32 @!p0 $0x1BF5;
	p2 =	por !p2, p0  }
0x20: {  	[sflag:s8] =	ssyncset.s32 @!p0 $0xFFFFF086;
	s6 =	sadd.s32 @!p0 s3, s7;
	s7 =	simm.s32 @!p0 $0x108  }
0x21: {  	s3 =	sadd.s32 s3, s9;
	s6 =	sadd.s32 @!p0 $0x88, s6;
	s7 =	simm.s32 @p2 $0x1082  }
0x22: {  	[simem:s7], [sflag:s8] =	dma.local @!p0 [hbm:s6], $0xF7A  }
0x23: {  	s9 =	sor.u32 $0xD0000000, s2;
	s6 =	simm.s32 $0x108;
	_ =	swait.ge @!p0 [sflag:s8], $0x0  }
0x24: {  	s3 =	sadd.s32 $0x88, s3;
	s6 =	simm.s32 @!p1 $0x1082;
	[sflag:s4] =	ssyncset.s32 $0xFFFFF086  }
0x25: {  	[simem:s6], [sflag:s4] =	dma.local [hbm:s3], $0xF7A  }
0x26: {  	[smem:$0x3F9F] =	sst s1;
	(tag) =	ssettag s2;
	_ =	strace s9  }
0x27: {  	s1 =	sld [smem:$0x3FAF]  }
0x28: {  	s2 =	sld [smem:$0x3FB0]  }
0x29: {  	s4 =	sld [smem:$0x3FB2]  }
0x2a: {  	p0 =	seq.s32 s5, $0x0;
	s5 =	sld [smem:$0x3FB3]  }
0x2b: {  	s6 =	sld [smem:$0x3FB4]  }
0x2c: {  	s7 =	sld [smem:$0x3FB5]  }
0x2d: {  	s3 =	simm.s32 $0x108;
	s8 =	sld [smem:$0x3FB6]  }
0x2e: {  	s3 =	simm.s32 @!p0 $0x1082;
	s9 =	sld [smem:$0x3FB7]  }
0x2f: {  	lr =	sadd.s32 s0, s3;
	s0 =	sld [smem:$0x3FAE]  }
0x30: {  	s3 =	sld [smem:$0x3FB1]  }
0x31: {  	[smem:$0x3FBA] =	sst s10  }
0x32: {  	s10 =	sld [smem:$0x3FB8];
	_ =	sdelay $0x3  }
0x33: {  	p0 =	seq.s32 s10, $0x1;
	s10 =	sld [smem:$0x3FBA];
	_ =	sdelay $0x3  }
0x34: {  	[smem:$0x3FBA] =	sst s10  }
0x35: {  	s10 =	sld [smem:$0x3FB9];
	_ =	sdelay $0x3  }
0x36: {  	p1 =	seq.s32 s10, $0x1;
	s10 =	sld [smem:$0x3FBA];
	_ =	sdelay $0x3  }
0x37: {  	[smem:$0x3FBA] =	sst s10  }
0x38: {  	s10 =	sld [smem:$0x3FBB]  }
0x39: {  	_ = 	snop;
	(pc) =	sbr.ind lr, $3  }
0x3a: {  	_ = 	snop  }
0x3b: {  	_ = 	snop  }
0x3c: {  	p2 =	seq.s32 s10, $0x1;
	s10 =	sld [smem:$0x3FBA]  }
0x3d: {  	_ =	shalt  }
0x3e: {  	_ =	shalt  }
0x3f: {  	_ =	shalt  }
0x40: {  	_ =	shalt  }
0x41: {  	_ =	shalt  }
0x42: {  	_ =	shalt  }
0x43: {  	_ =	shalt  }
0x44: {  	_ =	shalt  }
0x45: {  	_ =	shalt  }
0x46: {  	_ =	shalt  }
0x47: {  	_ =	shalt  }
0x48: {  	_ =	shalt  }
0x49: {  	_ =	shalt  }
0x4a: {  	_ =	shalt  }
0x4b: {  	_ =	shalt  }
0x4c: {  	_ =	shalt  }
0x4d: {  	_ =	shalt  }
0x4e: {  	_ =	shalt  }
0x4f: {  	_ =	shalt  }
0x50: {  	_ =	shalt  }
0x51: {  	_ =	shalt  }
0x52: {  	_ =	shalt  }
0x53: {  	_ =	shalt  }
0x54: {  	_ =	shalt  }
0x55: {  	_ =	shalt  }
0x56: {  	_ =	shalt  }
0x57: {  	_ =	shalt  }
0x58: {  	_ =	shalt  }
0x59: {  	_ =	shalt  }
0x5a: {  	_ =	shalt  }
0x5b: {  	_ =	shalt  }
0x5c: {  	_ =	shalt  }
0x5d: {  	_ =	shalt  }
0x5e: {  	_ =	shalt  }
0x5f: {  	_ =	shalt  }
0x60: {  	_ =	shalt  }
0x61: {  	_ =	shalt  }
0x62: {  	_ =	shalt  }
0x63: {  	_ =	shalt  }
0x64: {  	_ =	shalt  }
0x65: {  	_ =	shalt  }
0x66: {  	_ =	shalt  }
0x67: {  	_ =	shalt  }
0x68: {  	_ =	shalt  }
0x69: {  	_ =	shalt  }
0x6a: {  	_ =	shalt  }
0x6b: {  	_ =	shalt  }
0x6c: {  	_ =	shalt  }
0x6d: {  	_ =	shalt  }
0x6e: {  	_ =	shalt  }
0x6f: {  	_ =	shalt  }
0x70: {  	_ =	shalt  }
0x71: {  	_ =	shalt  }
0x72: {  	_ =	shalt  }
0x73: {  	_ =	shalt  }
0x74: {  	_ =	shalt  }
0x75: {  	_ =	shalt  }
0x76: {  	_ =	shalt  }
0x77: {  	_ =	shalt  }
0x78: {  	_ =	shalt  }
0x79: {  	_ =	shalt  }
0x7a: {  	_ =	shalt  }
0x7b: {  	_ =	shalt  }
0x7c: {  	_ =	shalt  }
0x7d: {  	_ =	shalt  }
0x7e: {  	_ =	shalt  }
0x7f: {  	_ =	shalt  }
0x80: {  	_ =	shalt  }
0x81: {  	_ =	shalt  }
0x82: {  	_ =	shalt  }
0x83: {  	_ =	shalt  }
0x84: {  	_ =	shalt  }
0x85: {  	_ =	shalt  }
0x86: {  	_ =	shalt  }
0x87: {  	_ =	shalt  }
.Lfunc_end0:
.L_simem_size_0:
called_computation_lowered:
.L_overlay_start_0:
0x88: {  	s2 =	sld [smem:$0x3FD9]  }
0x89: {  	s3 =	sld [smem:$0x3FFE];
	_ =	sdelay $0x1  }
0x8a: {  	s1 =	srdreg.scid  }
0x8b: {  	s0 =	sand.u32 $0x1, s1  }
0x8c: {  	s17 =	sshll.u32 s0, $0xA;
	s2 =	sadd.s32 s3, s2  }
0x8d: {  	s2 =	sadd.s32 s2, s17  }
0x8e: {  	[smem:$0x3FC6] =	sst s2  }
0x8f: {  	_ = 	snop  }
0x90: {  	s2 =	sld [smem:$0x3FD0];
	(tm) =	ssettm $0x1  }
0x91: {  	s18 =	sld [smem:$0x3FFB];
	_ =	sdelay $0x3  }
0x92: {  	_ =	strace s18  }
0x93: {  	s3 =	sld [smem:$0x3FFC];
	_ =	sdelay $0x3  }
0x94: {  	_ =	strace s3  }
0x95: {  	s3 =	sld [smem:$0x3FFD];
	_ =	sdelay $0x3  }
0x96: {  	_ =	strace s3  }
0x97: {  	_ =	strace $0x8FFFFFFF  }
0x98: {  	s19 =	sld [smem:$0x3FDB];
	_ =	sdelay $0x1  }
0x99: {  	s4 =	simm.s32 $_scs_section_size  }
0x9a: {  	s5 =	simm.s32 $_size__tile_overlayer_lowered;
	s6 =	simm.s32 $_tile_overlayer_lowered  }
0x9b: {  	s22 =	simm.s32 $0x1BFF;
	s21 =	sshll.u32 s6, $0x1;
	s3 =	sadd.s32 s4, s19  }
0x9c: {  	s7 =	simm.s32 $0x0;
	s20 =	sshll.u32 s5, $0x1;
	s5 =	sadd.s32 s21, s3  }
0x9d: {  	[timem:s7], [sflag:s22] =	dma.local [hbm:s5], s20  }
0x9e: {  	_ =	swait.ge [sflag:s22], s20  }
0x9f: {  	s4 =	ssub.s32 $0x0, s20;
	[sflag:s22] =	ssyncset.done $0x0  }
0xa0: {  	[sflag:s22] =	ssyncadd.s32 s4;
	_ =	sdelay $0x1  }
0xa1: {  	s23 =	simm.s32 $0x1B8B  }
0xa2: {  	_ =	swait.ge [sflag:s23], $0x1  }
0xa3: {  	[sflag:s23] =	ssyncset.done $0x0  }
0xa4: {  	s25 =	simm.s32 $0x1B8E;
	s24 =	sld [smem:$0x3FFE];
	[sflag:s23] =	ssyncadd.s32 $0xFFFFFFFF  }
0xa5: {  	s26 =	simm.s32 $execute0_lowered;
	[smem:$0x3FD2] =	sst s25  }
0xa6: {  	s5 =	sshll.u32 s26, $0x1;
	_ =	strace $0x80000046;
	[dreg:$0x1] =	wrdreg $0xFFFFFFFF  }
0xa7: {  	s28 =	simm.s32 $_size_execute0_lowered;
	s3 =	sadd.s32 s3, s5;
	[dreg:$0x0] =	wrdreg $0x0  }
0xa8: {  	s5 =	sshll.u32 s28, $0x1;
	[dreg:$0x2] =	wrdreg s3  }
0xa9: {  	[dreg:$0x3] =	wrdreg s5  }
0xaa: {  	[dreg:$0x4] =	wrdreg $0xC0  }
0xab: {  	_ =	task [dreg:s7], $0x5FFFF  }
0xac: {  	[dreg:$0x1] =	wrdreg $0xFFFFFFFF  }
0xad: {  	[dreg:$0x0] =	wrdreg $0x60  }
0xae: {  	[dreg:$0x2] =	wrdreg s24  }
0xaf: {  	[dreg:$0x3] =	wrdreg s2  }
0xb0: {  	[dreg:$0x4] =	wrdreg $0x9  }
0xb1: {  	_ =	task.clear_ibuf [dreg:s7], $0x5FFFF;
	_ =	strace $0x90000046  }
0xb2: {  	s29 =	simm.s32 $0x9;
	_ =	strace $0x80000048  }
0xb3: {  	_ =	swait.ge [sflag:s29], $0x1  }
0xb4: {  	[sflag:s29] =	ssyncadd.s32 $0xFFFFFFFF  }
0xb5: {  	_ =	strace $0x90000048  }
0xb6: {  	_ =	sfence  }
0xb7: {  	s30 =	sld [smem:$0x0];
	_ =	sdelay $0x2  }
0xb8: {  	s31 =	sshll.u32 s1, $0xD;
	s1 =	sshrl.u32 s1, $0x2  }
0xb9: {  	s3 =	sand.u32 $0x4000, s31;
	s1 =	sadd.s32 s1, s30  }
0xba: {  	s0 =	sor.u32 s3, s0;
	s1 =	sshll.u32 s1, $0x11  }
0xbb: {  	s0 =	sor.u32 s1, s0  }
0xbc: {  	s0 =	sadd.s32 $0x8F2B, s0  }
0xbd: {  	[sflag:s0] =	ssyncadd.remote.s32 $0x1  }
0xbe: {  	_ =	sfence.sel $0xFFFF  }
0xbf: {  	[dreg:$0x0] =	wrdreg $0xFFFFFFFF;
	(pc) =	sbr.abs _section_cstart, $3  }
0xc0: {  	[dreg:$0x1] =	wrdreg $0xFFFFFFFF  }
0xc1: {  	_ =	task.clear_ibuf [dreg:s7], $0x2FFFF;
	_ =	strace $0x9FFFFFFF  }
0xc2: {  	(tm) =	ssettm $0x7FFFFFFF  }
0xc3: {  	_ =	shalt  }
tec
execute0_lowered:
.L_overlay_start_1:
0x0: {  	(tag) =	ssettag $0x1  }
0x1: {  	v0 =	vlaneseq.u32  }
0x2: {  	v6 =	vmul.u32 $0x88, v0  }
0x3: {  	s0 =	rddreg [dreg:$0x0];
	s3 =	simm.s32 $0x0  }
0x4: {  	[smem:$0x7FF] =	sst s3;
	v0 =	vadd.s32 $0x1980, v6  }
0x5: {  	s1 =	rddreg [dreg:$0x1];
	_ =	strace $0x80000047;
	v20 =	vadd.s32 $0x1984, v6;
	[tilespmem:$0x1FEF0] =	vst v0  }
0x6: {  	v12 =	vadd.s32 $0x1982, v6;
	[tilespmem:$0x1FF40] =	vst v20  }
0x7: {  	v27 =	vadd.s32 $0x1105, v6;
	[tilespmem:$0x1FF50] =	vst v12  }
0x8: {  	v24 =	vadd.s32 $0x1985, v6;
	[tilespmem:$0x1FF60] =	vst v27  }
0x9: {  	v28 =	vadd.s32 $0x1986, v6;
	[tilespmem:$0x1FF70] =	vst v24  }
0xa: {  	s2 =	srdreg.scid;
	s4 =	stileid.u32;
	v60 =	vadd.s32 $0x881, v6;
	[tilespmem:$0x1FF80] =	vst v28  }
0xb: {  	s13 =	simm.s32 $0x80;
	s18 =	simm.s32 $0x100;
	s19 =	simm.s32 $0x2;
	v62 =	vadd.s32 $0x1100, v6;
	[tilespmem:$0x1FF90] =	vst v60  }
0xc: {  	s20 =	simm.s32 $0x4200;
	s21 =	simm.s32 $0x180;
	s22 =	simm.s32 $0x6200;
	v16 =	vadd.s32 $0x1983, v6;
	[tilespmem:$0x1FFA0] =	vst v62  }
0xd: {  	s23 =	simm.s32 $0x3;
	s24 =	simm.s32 $0x8200;
	s25 =	simm.s32 $0xA400;
	v13 =	vor.u32 $0x3, v6;
	[tilespmem:$0x1FFB0] =	vst v16  }
0xe: {  	v1 =	vimm.s32 $0x0;
	vm0 =	vcmask $0x300;
	s28 =	simm.s32 $0xC600;
	s29 =	simm.s32 $0xE800;
	s31 =	simm.s32 $0x6;
	v21 =	vor.u32 $0x5, v6;
	[tilespmem:$0x1FFC0] =	vst v13  }
0xf: {  	s2 =	sand.u32 $0x1, s2;
	s5 =	sshll.u32 s4, $0x1;
	s4 =	sadd.s32 $0x600, s0;
	v1 =	vsel vm0, $0x3, v1;
	v8 =	vadd.s32 $0x880, v6;
	v14 =	vadd.s32 $0x883, v6;
	[tilespmem:$0x1FFD0] =	vst v21  }
0x10: {  	s11 =	sadd.s32 $0x10000, s1;
	s6 =	ssub.s32 $0x2, s2;
	s2 =	sor.u32 s2, s5;
	v58 =	vor.u32 $0x1, v6;
	v63 =	vadd.s32 $0x1101, v6;
	v22 =	vadd.s32 $0x885, v6;
	[tilespmem:$0x1FFE0] =	vst v14  }
0x11: {  	s5 =	sadd.s32 $0xF42A00, s0;
	s26 =	sshrl.u32 s6, $0x1;
	s7 =	sshll.u32 s2, $0x4;
	v61 =	vor.u32 $0x2, v6;
	v10 =	vadd.s32 $0x882, v6;
	v0 =	vadd.s32 $0x1981, v6;
	[tilespmem:$0x1FFF0] =	vst v22  }
0x12: {  	v11 =	vadd.s32 $0x1102, v6;
	v15 =	vadd.s32 $0x1103, v6;
	s0 =	ssub.s32 s6, s26;
	s6 =	sshll.u32 s2, $0x7;
	s30 =	sadd.s32 s4, s7;
	[tilespmem:$0x1FF00] =	vst v0;
	v0 =	vadd.s32 $0x1104, v6  }
0x13: {  	v17 =	vor.u32 $0x4, v6;
	v18 =	vadd.s32 $0x884, v6;
	s26 =	simm.s32 $0x4;
	[dreg:$0x3] =	wrdreg s30;
	s2 =	sadd.s32 $0x400, s30;
	[tilespmem:$0x1FF10] =	vst v0;
	v0 =	vadd.s32 $0x1106, v6  }
0x14: {  	v25 =	vor.u32 $0x6, v6;
	v26 =	vadd.s32 $0x886, v6;
	s9 =	sor.u32 $0x4000, s6;
	s0 =	smax.u32 s0, $0x1;
	[dreg:$0x4] =	wrdreg s2;
	[tilespmem:$0x1FF20] =	vst v0;
	v0 =	vadd.s32 $0x1987, v6  }
0x15: {  	v29 =	vor.u32 $0x7, v6;
	v30 =	vadd.s32 $0x887, v6;
	v31 =	vadd.s32 $0x1107, v6;
	s10 =	sor.u32 $0x6000, s6;
	[dreg:$0x5] =	wrdreg s0;
	s0 =	simm.s32 $0x0;
	[tilespmem:$0x1FF30] =	vst v0  }
.LBB2_1:
0x16: {  	s2 =	rddreg [dreg:$0x3];
	s7 =	simm.s32 $0x1000;
	s15 =	simm.s32 $0x1  }
0x17: {  	[tilespmem:s3], [sflag:$0x1] =	stream.strided.gather [hbm4b:s2+s13], $0x100, s7, s13, $0x38;
	[tilespmem:$0x10A00] =	vst v63  }
0x18: {  	_ =	swait.ge [sflag:s15], $0x100  }
0x19: {  	[sflag:s15] =	ssyncset.done $0x0  }
0x1a: {  	s16 =	simm.s32 $0x200;
	[sflag:s15] =	ssyncadd.s32 $0xFFFFFF00  }
0x1b: {  	[tilespmem:s16], [sflag:$0x3] =	stream.indirect.gather [hbm4b:s5+s13], $0x40, s3, s13, $0xb8;
	[tilespmem:$0x10A00] =	vst v63  }
0x1c: {  	s17 =	simm.s32 $0x2200  }
0x1d: {  	[tilespmem:s17], [sflag:$0x3] =	stream.indirect.gather [hbm4b:s5+s13], $0x40, s13, s13, $0xb8;
	[tilespmem:$0x10A00] =	vst v63  }
0x1e: {  	s2 =	simm.s32 $0x0;
	s30 =	rddreg [dreg:$0x4]  }
0x1f: {  	[tilespmem:s18], [sflag:$0x2] =	stream.strided.gather [hbm4b:s30+s13], $0x100, s7, s13, $0x38;
	[tilespmem:$0x10A00] =	vst v63  }
.LBB2_2:
0x20: {  	_ =	swait.ge [sflag:s19], $0x100  }
0x21: {  	[sflag:s19] =	ssyncset.done $0x0  }
0x22: {  	p0 =	seq.s32 s2, $0x0;
	[sflag:s19] =	ssyncadd.s32 $0xFFFFFF00  }
0x23: {  	[tilespmem:s20], [sflag:$0x4] =	stream.indirect.gather [hbm4b:s5+s13], $0x40, s18, s13, $0xb8;
	[tilespmem:$0x10A00] =	vst v63  }
0x24: {  	s7 =	simm.s32 @!p0 $0x5  }
0x25: {  	[tilespmem:s22], [sflag:$0x4] =	stream.indirect.gather [hbm4b:s5+s13], $0x40, s21, s13, $0xb8;
	[tilespmem:$0x10A00] =	vst v63  }
0x26: {  	s8 =	simm.s32 $0x0;
	_ =	swait.ge @!p0 [sflag:s7], $0x4000  }
0x27: {  	s30 =	simm.s32 $0x1;
	s12 =	simm.s32 $0x2;
	[sflag:s7] =	ssyncset.done @!p0 $0x0  }
0x28: {  	s14 =	simm.s32 $0x3;
	s15 =	simm.s32 $0x5;
	[sflag:s7] =	ssyncadd.s32 @!p0 $0xFFFFC000  }
0x29: {  	s17 =	simm.s32 $0x6;
	v36 =	vmov s14;
	s14 =	simm.s32 $0x4;
	_ =	swait.ge [sflag:s23], $0x2000  }
0x2a: {  	v34 =	vmov s30;
	s30 =	simm.s32 $0x7;
	p0 =	seq.s32 s2, $0x31;
	[sflag:s23] =	ssyncset.done $0x0  }
0x2b: {  	v33 =	vmov s8;
	v35 =	vmov s12;
	v38 =	vmov s15;
	s8 =	simm.s32 $0x300;
	s16 =	sshll.u32 @!p0 s2, $0xE;
	[sflag:s23] =	ssyncadd.s32 $0xFFFFE000  }
0x2c: {  	v39 =	vmov s17;
	v33 =	vshrl.u32 v33, $0x3;
	v37 =	vmov s14;
	s12 =	simm.s32 @!p0 $0x80;
	s7 =	sadd.s32 @!p0 s9, s16;
	_ =	swait.ge [sflag:s23], $0x2000  }
0x2d: {  	v34 =	vshrl.u32 v34, $0x3;
	v40 =	vmov s30;
	v35 =	vshrl.u32 v35, $0x3;
	s14 =	simm.s32 @!p0 $0x1000;
	s7 =	sshrl.u32 @!p0 s7, $0x3;
	[sflag:s23] =	ssyncset.done $0x0  }
0x2e: {  	v36 =	vshrl.u32 v36, $0x3;
	v38 =	vshrl.u32 v38, $0x3;
	v40 =	vshrl.u32 v40, $0x3;
	s15 =	simm.s32 @!p0 $0x0;
	s7 =	sadd.s32 @!p0 s4, s7;
	[sflag:s23] =	ssyncadd.s32 $0xFFFFE000  }
0x2f: {  	v42 =	vshrl.u32 v39, $0x3;
	v33 =	vshll.u32 v33, v1;
	v40 =	vshll.u32 v40, v1;
	[tilespmem:s15], [sflag:$0x1] =	stream.strided.gather @!p0 [hbm4b:s7+s12], $0x100, s14, s12, $0x38;
	[tilespmem:$0x10A00] =	vst v63  }
0x30: {  	v37 =	vshrl.u32 v37, $0x3;
	v34 =	vshll.u32 v34, v1;
	v4 =	vbroadcast v40, $0x0;
	v56 =	vld [tilespmem:s8+$0xC0]  }
0x31: {  	v35 =	vshll.u32 v35, v1;
	v36 =	vshll.u32 v36, v1;
	v3 =	vbroadcast v33, $0x0;
	v43 =	vld [tilespmem:s8+$0xFFFFFF00]  }
0x32: {  	v57 =	vshll.u32 v38, v1;
	v7 =	vbroadcast v34, $0x0;
	v46 =	vadd.s32 v29, v4;
	v45 =	vld [tilespmem:s8+$0xFFFFFF40]  }
0x33: {  	v44 =	vshll.u32 v37, v1;
	v37 =	vbroadcast v35, $0x0;
	v59 =	vadd.s32 v6, v3;
	v47 =	vld [tilespmem:s8+$0xFFFFFF80]  }
0x34: {  	v42 =	vshll.u32 v42, v1;
	v36 =	vbroadcast v36, $0x0;
	v48 =	vadd.s32 v58, v7;
	v49 =	vld [tilespmem:s8+$0xFFFFFFC0]  }
0x35: {  	v35 =	vbroadcast v44, $0x0;
	v50 =	vadd.s32 v61, v37;
	v51 =	vld [tilespmem:s8+$0x0];
	v39 =	vmul.f32 $8.000000000e+00, v56  }
0x36: {  	v33 =	vbroadcast v57, $0x0;
	v52 =	vadd.s32 v13, v36;
	v53 =	vld [tilespmem:s8+$0x40];
	v43 =	vmul.f32 $8.000000000e+00, v43  }
0x37: {  	v34 =	vbroadcast v42, $0x0;
	v54 =	vadd.s32 v17, v35;
	v55 =	vld [tilespmem:s8+$0x80];
	v45 =	vmul.f32 $8.000000000e+00, v45;
	[tilespmem:v46+s24+$0x0] =	vst.idx.msk $0xffff, v39  }
0x38: {  	[tilespmem:v59+s24+$0x0] =	vst.idx.msk $0xffff, v43;
	v59 =	vmul.f32 $8.000000000e+00, v47;
	v43 =	vadd.s32 v21, v33;
	v44 =	vld [tilespmem:s8+$0xD0]  }
0x39: {  	s17 =	simm.s32 $0x8;
	v32 =	vmul.f32 $8.000000000e+00, v49;
	[tilespmem:v48+s24+$0x0] =	vst.idx.msk $0xffff, v45;
	v47 =	vadd.s32 v25, v34;
	v46 =	vld [tilespmem:s8+$0xFFFFFF10]  }
0x3a: {  	v57 =	vmov s17;
	v40 =	vmul.f32 $8.000000000e+00, v51;
	v49 =	vld [tilespmem:s8+$0xFFFFFF50];
	[tilespmem:v50+s24+$0x0] =	vst.idx.msk $0xffff, v59;
	v50 =	vadd.s32 v30, v4  }
0x3b: {  	v42 =	vshrl.u32 v57, $0x3;
	v56 =	vadd.s32 v8, v3;
	v41 =	vmul.f32 $8.000000000e+00, v53;
	[tilespmem:v52+s24+$0x0] =	vst.idx.msk $0xffff, v32;
	v57 =	vld [tilespmem:s8+$0xFFFFFF90]  }
0x3c: {  	v5 =	vmov v58;
	v53 =	vadd.s32 v60, v7;
	[tilespmem:v54+s24+$0x0] =	vst.idx.msk $0xffff, v40;
	v32 =	vmul.f32 $8.000000000e+00, v55;
	v58 =	vld [tilespmem:s8+$0xFFFFFFD0]  }
0x3d: {  	v55 =	vadd.s32 v10, v37;
	v59 =	vld [tilespmem:s8+$0x10];
	[tilespmem:v43+s24+$0x0] =	vst.idx.msk $0xffff, v41;
	v43 =	vmul.f32 $8.000000000e+00, v44  }
0x3e: {  	[tilespmem:v47+s24+$0x0] =	vst.idx.msk $0xffff, v32;
	v45 =	vmul.f32 $8.000000000e+00, v46;
	v46 =	vadd.s32 v14, v36;
	v60 =	vld [tilespmem:s8+$0x50]  }
0x3f: {  	v32 =	vmul.f32 $8.000000000e+00, v49;
	v49 =	vadd.s32 v18, v35;
	v0 =	vld [tilespmem:s8+$0x90];
	[tilespmem:v50+s24+$0x0] =	vst.idx.msk $0xffff, v43  }
0x40: {  	[tilespmem:v56+s24+$0x0] =	vst.idx.msk $0xffff, v45;
	v39 =	vmul.f32 $8.000000000e+00, v57;
	v45 =	vadd.s32 v22, v33  }
0x41: {  	[tilespmem:v53+s24+$0x0] =	vst.idx.msk $0xffff, v32;
	v32 =	vmul.f32 $8.000000000e+00, v58;
	v53 =	vadd.s32 v26, v34  }
0x42: {  	v50 =	vld [tilespmem:s8+$0xE0];
	[tilespmem:v55+s24+$0x0] =	vst.idx.msk $0xffff, v39;
	v39 =	vmul.f32 $8.000000000e+00, v59  }
0x43: {  	v56 =	vld [tilespmem:s8+$0xFFFFFF20];
	[tilespmem:v46+s24+$0x0] =	vst.idx.msk $0xffff, v32;
	v32 =	vmul.f32 $8.000000000e+00, v60  }
0x44: {  	v57 =	vld [tilespmem:s8+$0xFFFFFF60];
	v55 =	vadd.s32 v31, v4;
	v47 =	vmul.f32 $8.000000000e+00, v0;
	[tilespmem:v49+s24+$0x0] =	vst.idx.msk $0xffff, v39  }
0x45: {  	v58 =	vadd.s32 v62, v3;
	[tilespmem:v45+s24+$0x0] =	vst.idx.msk $0xffff, v32  }
0x46: {  	s30 =	simm.s32 $0x9;
	v60 =	vadd.s32 v63, v7;
	[tilespmem:v53+s24+$0x0] =	vst.idx.msk $0xffff, v47  }
0x47: {  	v48 =	vmov s30;
	s30 =	simm.s32 $0xE;
	v32 =	vmul.f32 $8.000000000e+00, v50;
	v0 =	vld [tilespmem:$0x1FF10]  }
0x48: {  	v38 =	vmov s30;
	v43 =	vshll.u32 v42, v1;
	v50 =	vmul.f32 $8.000000000e+00, v56  }
0x49: {  	v42 =	vshrl.u32 v38, $0x3;
	v38 =	vbroadcast v43, $0x0;
	v59 =	vld [tilespmem:s8+$0xFFFFFFA0];
	v43 =	vmul.f32 $8.000000000e+00, v57;
	[tilespmem:v55+s24+$0x0] =	vst.idx.msk $0xffff, v32  }
0x4a: {  	[tilespmem:v58+s24+$0x0] =	vst.idx.msk $0xffff, v50  }
0x4b: {  	v49 =	vadd.s32 v11, v37;
	[tilespmem:v60+s24+$0x0] =	vst.idx.msk $0xffff, v43  }
0x4c: {  	v57 =	vadd.s32 v0, v35;
	v0 =	vld [tilespmem:$0x1FF20];
	_ =	sdelay $0x1  }
0x4d: {  	s12 =	simm.s32 $0xA;
	v32 =	vmul.f32 $8.000000000e+00, v59  }
0x4e: {  	s17 =	simm.s32 $0xD;
	v51 =	vmov s12  }
0x4f: {  	v51 =	vshrl.u32 v51, $0x3;
	v44 =	vmov s17;
	[tilespmem:v49+s24+$0x0] =	vst.idx.msk $0xffff, v32  }
0x50: {  	v41 =	vshrl.u32 v44, $0x3;
	v44 =	vshll.u32 v51, v1;
	v23 =	vmovc v0;
	v51 =	vadd.s32 v0, v34;
	v0 =	vld [tilespmem:$0x1FF30];
	_ =	sdelay $0x1  }
0x51: {  	v62 =	vld [tilespmem:s8+$0xFFFFFFE0];
	_ =	sdelay $0x1  }
0x52: {  	v39 =	vadd.s32 v15, v36  }
0x53: {  	v32 =	vmov v0;
	v53 =	vadd.s32 v0, v4;
	v0 =	vld [tilespmem:$0x1FEF0];
	_ =	sdelay $0x1  }
0x54: {  	v19 =	vmov v63;
	v63 =	vld [tilespmem:s8+$0x20];
	v62 =	vmul.f32 $8.000000000e+00, v62  }
0x55: {  	v40 =	vld [tilespmem:s8+$0x60]  }
0x56: {  	v48 =	vshrl.u32 v48, $0x3;
	v2 =	vld [tilespmem:s8+$0xA0];
	[tilespmem:v39+s24+$0x0] =	vst.idx.msk $0xffff, v62  }
0x57: {  	s14 =	simm.s32 $0xB;
	s15 =	simm.s32 $0xC;
	v47 =	vshll.u32 v48, v1;
	v48 =	vadd.s32 v0, v3;
	v0 =	vld [tilespmem:$0x1FF00]  }
0x58: {  	v52 =	vmov s14;
	v54 =	vmov s15;
	v56 =	vld [tilespmem:s8+$0xF0]  }
0x59: {  	v52 =	vshrl.u32 v52, $0x3;
	v54 =	vshrl.u32 v54, $0x3;
	v50 =	vld [tilespmem:s8+$0xFFFFFF30]  }
0x5a: {  	v46 =	vshll.u32 v54, v1;
	v45 =	vshll.u32 v52, v1;
	v52 =	vld [tilespmem:s8+$0xFFFFFF70];
	v63 =	vmul.f32 $8.000000000e+00, v63  }
0x5b: {  	v55 =	vadd.s32 v27, v33;
	v43 =	vshll.u32 v41, v1;
	v49 =	vld [tilespmem:s8+$0xFFFFFFB0];
	v39 =	vmul.f32 $8.000000000e+00, v40  }
0x5c: {  	s7 =	simm.s32 $0xF;
	s12 =	simm.s32 $0x10;
	s17 =	sshll.u32 s2, $0x11;
	v4 =	vmovc v61;
	v40 =	vmul.f32 $8.000000000e+00, v2;
	v54 =	vld [tilespmem:s8+$0xFFFFFFF0];
	[tilespmem:v57+s24+$0x0] =	vst.idx.msk $0xffff, v63;
	v9 =	vmov v0;
	v41 =	vadd.s32 v0, v7  }
.LBB2_3:
0x5d: {  	v58 =	vld [tilespmem:s8+$0x30]  }
0x5e: {  	v0 =	vld [tilespmem:$0x1FF90]  }
0x5f: {  	v57 =	vmov s7;
	v3 =	vld [tilespmem:$0x1FF10]  }
0x60: {  	v37 =	vadd.s32 v12, v37;
	v36 =	vadd.s32 v16, v36;
	v7 =	vld [tilespmem:$0x1FEF0];
	[tilespmem:v55+s24+$0x0] =	vst.idx.msk $0xffff, v39;
	v60 =	vmul.f32 $8.000000000e+00, v56  }
0x61: {  	v35 =	vadd.s32 v20, v35;
	v61 =	vshrl.u32 v57, $0x3;
	[tilespmem:v51+s24+$0x0] =	vst.idx.msk $0xffff, v40;
	v62 =	vld [tilespmem:s8+$0x70];
	v50 =	vmul.f32 $8.000000000e+00, v50  }
0x62: {  	v39 =	vmov v38;
	v38 =	vshll.u32 v61, v1;
	v63 =	vmul.f32 $8.000000000e+00, v52;
	v52 =	vld [tilespmem:s8+$0xB0];
	s8 =	sadd.s32 $0x200, s8;
	[tilespmem:v53+s24+$0x0] =	vst.idx.msk $0xffff, v60  }
0x63: {  	v33 =	vadd.s32 v24, v33;
	v40 =	vbroadcast v38, $0x0;
	v55 =	vmul.f32 $8.000000000e+00, v49;
	[tilespmem:v48+s24+$0x0] =	vst.idx.msk $0xffff, v50;
	v53 =	vld [tilespmem:s8+$0xC0]  }
0x64: {  	v34 =	vadd.s32 v28, v34;
	[tilespmem:v41+s24+$0x0] =	vst.idx.msk $0xffff, v63;
	v60 =	vmul.f32 $8.000000000e+00, v58;
	v48 =	vld [tilespmem:s8+$0xFFFFFF00]  }
0x65: {  	v57 =	vmul.f32 $8.000000000e+00, v54;
	v41 =	vbroadcast v47, $0x0;
	v47 =	vadd.s32 v29, v40;
	[tilespmem:v37+s24+$0x0] =	vst.idx.msk $0xffff, v55;
	v59 =	vld [tilespmem:s8+$0xFFFFFF40]  }
0x66: {  	v51 =	vadd.s32 v6, v39;
	v37 =	vbroadcast v44, $0x0;
	v61 =	vld [tilespmem:s8+$0xFFFFFF80];
	v62 =	vmul.f32 $8.000000000e+00, v62;
	[tilespmem:v35+s24+$0x0] =	vst.idx.msk $0xffff, v60  }
0x67: {  	[tilespmem:v36+s24+$0x0] =	vst.idx.msk $0xffff, v57;
	v49 =	vadd.s32 v5, v41;
	v35 =	vbroadcast v46, $0x0;
	v56 =	vmul.f32 $8.000000000e+00, v52;
	v52 =	vld [tilespmem:s8+$0x0]  }
0x68: {  	v36 =	vbroadcast v45, $0x0;
	v63 =	vld [tilespmem:s8+$0xFFFFFFC0];
	v45 =	vadd.s32 v4, v37;
	[tilespmem:v33+s24+$0x0] =	vst.idx.msk $0xffff, v62;
	v57 =	vmul.f32 $8.000000000e+00, v53  }
0x69: {  	v33 =	vbroadcast v43, $0x0;
	v43 =	vadd.s32 v17, v35;
	[tilespmem:v34+s24+$0x0] =	vst.idx.msk $0xffff, v56;
	v58 =	vmul.f32 $8.000000000e+00, v48;
	v53 =	vld [tilespmem:s8+$0x40]  }
0x6a: {  	v42 =	vshll.u32 v42, v1;
	v48 =	vadd.s32 v13, v36;
	v59 =	vmul.f32 $8.000000000e+00, v59;
	v50 =	vld [tilespmem:s8+$0x80];
	[tilespmem:v47+s24+$0x0] =	vst.idx.msk $0xffff, v57  }
0x6b: {  	v60 =	vmov s12;
	v34 =	vbroadcast v42, $0x0;
	v61 =	vmul.f32 $8.000000000e+00, v61;
	[tilespmem:v51+s24+$0x0] =	vst.idx.msk $0xffff, v58;
	v47 =	vld [tilespmem:s8+$0xD0]  }
0x6c: {  	v62 =	vadd.s32 v21, v33;
	v42 =	vshrl.u32 v60, $0x3;
	[tilespmem:v49+s24+$0x0] =	vst.idx.msk $0xffff, v59;
	v60 =	vmul.f32 $8.000000000e+00, v52;
	v51 =	vld [tilespmem:s8+$0xFFFFFF10]  }
0x6d: {  	s15 =	sadd.s32 $0x1, s12;
	v63 =	vmul.f32 $8.000000000e+00, v63;
	v49 =	vadd.s32 v25, v34;
	[tilespmem:v45+s24+$0x0] =	vst.idx.msk $0xffff, v61;
	v55 =	vld [tilespmem:s8+$0xFFFFFF50]  }
0x6e: {  	v54 =	vmov s15;
	v45 =	vadd.s32 v30, v40;
	v57 =	vld [tilespmem:s8+$0xFFFFFF90];
	[tilespmem:v43+s24+$0x0] =	vst.idx.msk $0xffff, v60  }
0x6f: {  	s30 =	sadd.s32 $0x2, s12;
	v54 =	vshrl.u32 v54, $0x3;
	v56 =	vadd.s32 v8, v39;
	[tilespmem:v48+s24+$0x0] =	vst.idx.msk $0xffff, v63;
	v61 =	vmul.f32 $8.000000000e+00, v53;
	v59 =	vld [tilespmem:s8+$0x10]  }
0x70: {  	v52 =	vmov s30;
	s30 =	sadd.s32 $0x4, s12;
	v53 =	vadd.s32 v0, v41;
	v43 =	vmul.f32 $8.000000000e+00, v50;
	v58 =	vld [tilespmem:s8+$0xFFFFFFD0]  }
0x71: {  	v44 =	vmov s30;
	v50 =	vadd.s32 v10, v37;
	v0 =	vld [tilespmem:$0x1FFA0];
	[tilespmem:v62+s24+$0x0] =	vst.idx.msk $0xffff, v61;
	v38 =	vmul.f32 $8.000000000e+00, v47  }
0x72: {  	s15 =	sadd.s32 $0x3, s12;
	v52 =	vshrl.u32 v52, $0x3;
	[tilespmem:v49+s24+$0x0] =	vst.idx.msk $0xffff, v43;
	v47 =	vmul.f32 $8.000000000e+00, v51;
	v51 =	vadd.s32 v14, v36;
	v60 =	vld [tilespmem:s8+$0x50]  }
0x73: {  	v48 =	vmov s15;
	s15 =	sadd.s32 $0x5, s12;
	v49 =	vmul.f32 $8.000000000e+00, v55;
	v55 =	vadd.s32 v18, v35;
	v61 =	vld [tilespmem:s8+$0x90];
	[tilespmem:v45+s24+$0x0] =	vst.idx.msk $0xffff, v38  }
0x74: {  	v46 =	vmov s15;
	v62 =	vmul.f32 $8.000000000e+00, v57;
	[tilespmem:v56+s24+$0x0] =	vst.idx.msk $0xffff, v47;
	v45 =	vadd.s32 v22, v33;
	v47 =	vld [tilespmem:s8+$0xE0]  }
0x75: {  	v48 =	vshrl.u32 v48, $0x3;
	[tilespmem:v53+s24+$0x0] =	vst.idx.msk $0xffff, v49;
	v53 =	vadd.s32 v26, v34;
	v56 =	vld [tilespmem:s8+$0xFFFFFF20];
	v63 =	vmul.f32 $8.000000000e+00, v58  }
0x76: {  	s30 =	sadd.s32 $0x6, s12;
	v38 =	vshll.u32 v42, v1;
	[tilespmem:v50+s24+$0x0] =	vst.idx.msk $0xffff, v62;
	v42 =	vmul.f32 $8.000000000e+00, v59;
	v50 =	vadd.s32 v31, v40;
	v57 =	vld [tilespmem:s8+$0xFFFFFF60]  }
0x77: {  	v43 =	vmov s30;
	v58 =	vadd.s32 v0, v39;
	v59 =	vld [tilespmem:s8+$0xFFFFFFA0];
	[tilespmem:v51+s24+$0x0] =	vst.idx.msk $0xffff, v63;
	v49 =	vmul.f32 $8.000000000e+00, v60  }
0x78: {  	v60 =	vshrl.u32 v44, $0x3;
	v51 =	vadd.s32 v19, v41;
	[tilespmem:v55+s24+$0x0] =	vst.idx.msk $0xffff, v42;
	v44 =	vmul.f32 $8.000000000e+00, v61;
	v62 =	vld [tilespmem:s8+$0xFFFFFFE0]  }
0x79: {  	v61 =	vshrl.u32 v46, $0x3;
	v46 =	vadd.s32 v11, v37;
	v63 =	vld [tilespmem:s8+$0x20];
	[tilespmem:v45+s24+$0x0] =	vst.idx.msk $0xffff, v49;
	v45 =	vmul.f32 $8.000000000e+00, v47  }
0x7a: {  	v0 =	vadd.s32 v15, v36;
	v42 =	vshrl.u32 v43, $0x3;
	[tilespmem:v53+s24+$0x0] =	vst.idx.msk $0xffff, v44;
	v55 =	vmul.f32 $8.000000000e+00, v56;
	v2 =	vld [tilespmem:s8+$0x60]  }
0x7b: {  	p1 =	slt.u32 s12, $0x78;
	v41 =	vadd.s32 v9, v41;
	v49 =	vmul.f32 $8.000000000e+00, v57;
	v57 =	vadd.s32 v3, v35;
	v3 =	vld [tilespmem:s8+$0xA0];
	[tilespmem:v50+s24+$0x0] =	vst.idx.msk $0xffff, v45  }
.Ltmp0:
0x7c: {  	v44 =	vshll.u32 v52, v1;
	v53 =	vadd.s32 v32, v40;
	v43 =	vmul.f32 $8.000000000e+00, v59;
	[tilespmem:v58+s24+$0x0] =	vst.idx.msk $0xffff, v55;
	v56 =	vld [tilespmem:s8+$0xF0];
	(pc) =	sbr.rel @p1 .LBB2_3-.Ltmp0, $4  }
0x7d: {  	v47 =	vshll.u32 v54, v1;
	v55 =	vadd.s32 v27, v33;
	[tilespmem:v51+s24+$0x0] =	vst.idx.msk $0xffff, v49;
	v50 =	vld [tilespmem:s8+$0xFFFFFF30];
	v62 =	vmul.f32 $8.000000000e+00, v62  }
0x7e: {  	v51 =	vadd.s32 v23, v34;
	v45 =	vshll.u32 v48, v1;
	[tilespmem:v46+s24+$0x0] =	vst.idx.msk $0xffff, v43;
	v52 =	vld [tilespmem:s8+$0xFFFFFF70];
	v63 =	vmul.f32 $8.000000000e+00, v63  }
0x7f: {  	v38 =	vbroadcast v38, $0x0;
	v46 =	vshll.u32 v60, v1;
	v48 =	vadd.s32 v7, v39;
	v49 =	vld [tilespmem:s8+$0xFFFFFFB0];
	[tilespmem:v0+s24+$0x0] =	vst.idx.msk $0xffff, v62  }
0x80: {  	s14 =	simm.s32 $0x23F0;
	s7 =	sadd.s32 $0x7, s12;
	s12 =	sadd.s32 $0x8, s12;
	v43 =	vshll.u32 v61, v1;
	v39 =	vmul.f32 $8.000000000e+00, v2;
	[tilespmem:v57+s24+$0x0] =	vst.idx.msk $0xffff, v63;
	v40 =	vmul.f32 $8.000000000e+00, v3;
	v54 =	vld [tilespmem:s8+$0xFFFFFFF0]  }
0x81: {  	_ =	sdelay $0x3  }
0x82: {  	v0 =	vmov s7;
	v2 =	vadd.s32 v12, v37;
	v3 =	vld [tilespmem:s8+$0x30];
	v60 =	vmul.f32 $8.000000000e+00, v56;
	[tilespmem:v55+s24+$0x0] =	vst.idx.msk $0xffff, v39  }
0x83: {  	v36 =	vadd.s32 v16, v36;
	v0 =	vshrl.u32 v0, $0x3;
	v61 =	vmul.f32 $8.000000000e+00, v50;
	[tilespmem:v51+s24+$0x0] =	vst.idx.msk $0xffff, v40;
	v62 =	vld [tilespmem:s8+$0x70]  }
0x84: {  	v35 =	vadd.s32 v20, v35;
	s15 =	sadd.s32 $0x200, s8;
	v0 =	vshll.u32 v0, v1;
	v63 =	vmul.f32 $8.000000000e+00, v52;
	v51 =	vld [tilespmem:s8+$0xB0];
	[tilespmem:v53+s24+$0x0] =	vst.idx.msk $0xffff, v60  }
0x85: {  	v33 =	vadd.s32 v24, v33;
	v37 =	vld [tilespmem:s15+$0xC0];
	v0 =	vbroadcast v0, $0x0;
	[tilespmem:v48+s24+$0x0] =	vst.idx.msk $0xffff, v61;
	v52 =	vmul.f32 $8.000000000e+00, v49  }
0x86: {  	v34 =	vadd.s32 v28, v34;
	v55 =	vld [tilespmem:s15+$0xFFFFFF00];
	[tilespmem:v41+s24+$0x0] =	vst.idx.msk $0xffff, v63;
	v53 =	vmul.f32 $8.000000000e+00, v54  }
0x87: {  	v47 =	vbroadcast v47, $0x0;
	v41 =	vld [tilespmem:s15+$0xFFFFFF40];
	v49 =	vadd.s32 v29, v0;
	[tilespmem:v2+s24+$0x0] =	vst.idx.msk $0xffff, v52;
	v2 =	vmul.f32 $8.000000000e+00, v3  }
0x88: {  	v44 =	vbroadcast v44, $0x0;
	v54 =	vld [tilespmem:s15+$0xFFFFFF80];
	v3 =	vadd.s32 v6, v38;
	[tilespmem:v36+s24+$0x0] =	vst.idx.msk $0xffff, v53;
	v56 =	vmul.f32 $8.000000000e+00, v62  }
0x89: {  	v45 =	vbroadcast v45, $0x0;
	v60 =	vadd.s32 v5, v47;
	v61 =	vld [tilespmem:s15+$0xFFFFFFC0];
	[tilespmem:v35+s24+$0x0] =	vst.idx.msk $0xffff, v2;
	v2 =	vmul.f32 $8.000000000e+00, v51  }
0x8a: {  	v37 =	vmul.f32 $8.000000000e+00, v37;
	v62 =	vadd.s32 v4, v44;
	[tilespmem:v33+s24+$0x0] =	vst.idx.msk $0xffff, v56  }
0x8b: {  	v55 =	vmul.f32 $8.000000000e+00, v55;
	v36 =	vadd.s32 v13, v45;
	[tilespmem:v34+s24+$0x0] =	vst.idx.msk $0xffff, v2  }
0x8c: {  	v2 =	vmul.f32 $8.000000000e+00, v41;
	[tilespmem:v49+s24+$0x0] =	vst.idx.msk $0xffff, v37  }
0x8d: {  	[tilespmem:v3+s24+$0x0] =	vst.idx.msk $0xffff, v55;
	v3 =	vmul.f32 $8.000000000e+00, v54  }
0x8e: {  	v63 =	vld [tilespmem:s15+$0x0];
	[tilespmem:v60+s24+$0x0] =	vst.idx.msk $0xffff, v2;
	v2 =	vmul.f32 $8.000000000e+00, v61  }
0x8f: {  	v46 =	vbroadcast v46, $0x0;
	v56 =	vld [tilespmem:s15+$0x40];
	[tilespmem:v62+s24+$0x0] =	vst.idx.msk $0xffff, v3  }
0x90: {  	v42 =	vshll.u32 v42, v1;
	v43 =	vbroadcast v43, $0x0;
	v41 =	vld [tilespmem:s15+$0x80];
	[tilespmem:v36+s24+$0x0] =	vst.idx.msk $0xffff, v2  }
0x91: {  	v42 =	vbroadcast v42, $0x0;
	v50 =	vadd.s32 v8, v38;
	v34 =	vadd.s32 v17, v46;
	v61 =	vmovc v8;
	v8 =	vld [tilespmem:$0x1FF90]  }
0x92: {  	v33 =	vadd.s32 v21, v43;
	v37 =	vld [tilespmem:s15+$0xD0]  }
0x93: {  	v40 =	vadd.s32 v25, v42;
	v39 =	vld [tilespmem:s15+$0xFFFFFF10]  }
0x94: {  	v35 =	vadd.s32 v30, v0;
	v54 =	vld [tilespmem:s15+$0xFFFFFF50];
	v3 =	vmul.f32 $8.000000000e+00, v63  }
0x95: {  	v55 =	vld [tilespmem:s15+$0xFFFFFF90];
	v2 =	vmul.f32 $8.000000000e+00, v56  }
0x96: {  	v56 =	vld [tilespmem:s15+$0xFFFFFFD0];
	[tilespmem:v34+s24+$0x0] =	vst.idx.msk $0xffff, v3;
	v3 =	vmul.f32 $8.000000000e+00, v41;
	v36 =	vadd.s32 v8, v47  }
0x97: {  	v52 =	vadd.s32 v10, v44;
	v53 =	vld [tilespmem:s15+$0x10];
	[tilespmem:v33+s24+$0x0] =	vst.idx.msk $0xffff, v2;
	v2 =	vmul.f32 $8.000000000e+00, v37  }
0x98: {  	v62 =	vadd.s32 v14, v45;
	v60 =	vmul.f32 $8.000000000e+00, v39;
	[tilespmem:v40+s24+$0x0] =	vst.idx.msk $0xffff, v3;
	v63 =	vld [tilespmem:s15+$0x50]  }
0x99: {  	v40 =	vadd.s32 v18, v46;
	v3 =	vmul.f32 $8.000000000e+00, v54;
	v54 =	vld [tilespmem:s15+$0x90];
	[tilespmem:v35+s24+$0x0] =	vst.idx.msk $0xffff, v2  }
0x9a: {  	[tilespmem:v50+s24+$0x0] =	vst.idx.msk $0xffff, v60;
	v2 =	vmul.f32 $8.000000000e+00, v55;
	v55 =	vadd.s32 v22, v43  }
0x9b: {  	[tilespmem:v36+s24+$0x0] =	vst.idx.msk $0xffff, v3;
	v3 =	vmul.f32 $8.000000000e+00, v56;
	v36 =	vadd.s32 v26, v42  }
0x9c: {  	[tilespmem:v52+s24+$0x0] =	vst.idx.msk $0xffff, v2;
	v2 =	vmul.f32 $8.000000000e+00, v53  }
0x9d: {  	v59 =	vmov v6;
	v6 =	vld [tilespmem:$0x1FFA0];
	[tilespmem:v62+s24+$0x0] =	vst.idx.msk $0xffff, v3;
	v3 =	vmul.f32 $8.000000000e+00, v63  }
0x9e: {  	v35 =	vld [tilespmem:s15+$0xE0];
	[tilespmem:v40+s24+$0x0] =	vst.idx.msk $0xffff, v2;
	v2 =	vmul.f32 $8.000000000e+00, v54  }
0x9f: {  	v51 =	vld [tilespmem:s15+$0xFFFFFFA0];
	[tilespmem:v55+s24+$0x0] =	vst.idx.msk $0xffff, v3  }
0xa0: {  	v56 =	vld [tilespmem:s15+$0xFFFFFF60];
	[tilespmem:v36+s24+$0x0] =	vst.idx.msk $0xffff, v2  }
0xa1: {  	v34 =	vadd.s32 v31, v0;
	v37 =	vadd.s32 v19, v47;
	v63 =	vmov v19;
	v19 =	vld [tilespmem:$0x1FF10]  }
0xa2: {  	v39 =	vld [tilespmem:s15+$0xFFFFFFE0]  }
0xa3: {  	v50 =	vld [tilespmem:s15+$0xFFFFFF20];
	v40 =	vadd.s32 v11, v44  }
0xa4: {  	v54 =	vadd.s32 v15, v45;
	v52 =	vld [tilespmem:s15+$0x20];
	v3 =	vmul.f32 $8.000000000e+00, v35  }
0xa5: {  	v41 =	vadd.s32 v6, v38;
	v2 =	vmul.f32 $8.000000000e+00, v56  }
0xa6: {  	[tilespmem:v34+s24+$0x0] =	vst.idx.msk $0xffff, v3;
	v3 =	vmul.f32 $8.000000000e+00, v51;
	v56 =	vadd.s32 v19, v46  }
0xa7: {  	[tilespmem:v37+s24+$0x0] =	vst.idx.msk $0xffff, v2;
	v2 =	vmul.f32 $8.000000000e+00, v39  }
0xa8: {  	v53 =	vmul.f32 $8.000000000e+00, v50;
	[tilespmem:v40+s24+$0x0] =	vst.idx.msk $0xffff, v3  }
0xa9: {  	v55 =	vld [tilespmem:s15+$0x60];
	v3 =	vmul.f32 $8.000000000e+00, v52;
	[tilespmem:v54+s24+$0x0] =	vst.idx.msk $0xffff, v2  }
0xaa: {  	v60 =	vld [tilespmem:s15+$0xA0];
	[tilespmem:v41+s24+$0x0] =	vst.idx.msk $0xffff, v53  }
0xab: {  	v34 =	vld [tilespmem:s15+$0xF0];
	[tilespmem:v56+s24+$0x0] =	vst.idx.msk $0xffff, v3  }
0xac: {  	v57 =	vmovc v24;
	v24 =	vmov v28;
	v28 =	vmov v13;
	v62 =	vadd.s32 v27, v43;
	v13 =	vld [tilespmem:$0x1FF50]  }
0xad: {  	v37 =	vadd.s32 v23, v42;
	v41 =	vld [tilespmem:s15+$0xFFFFFF30]  }
0xae: {  	v0 =	vadd.s32 v32, v0;
	v51 =	vld [tilespmem:s15+$0xFFFFFF70]  }
0xaf: {  	v52 =	vadd.s32 v7, v38;
	v40 =	vld [tilespmem:s15+$0xFFFFFFB0];
	v2 =	vmul.f32 $8.000000000e+00, v55  }
0xb0: {  	v53 =	vadd.s32 v9, v47;
	v54 =	vld [tilespmem:s15+$0xFFFFFFF0];
	v3 =	vmul.f32 $8.000000000e+00, v60  }
0xb1: {  	v58 =	vmov v16;
	v56 =	vld [tilespmem:s15+$0x30];
	[tilespmem:v62+s24+$0x0] =	vst.idx.msk $0xffff, v2;
	v2 =	vmul.f32 $8.000000000e+00, v34;
	v55 =	vadd.s32 v13, v44  }
0xb2: {  	v16 =	vmov v20;
	v60 =	vmul.f32 $8.000000000e+00, v41;
	v62 =	vadd.s32 v58, v45;
	v45 =	vld [tilespmem:s15+$0x70];
	[tilespmem:v37+s24+$0x0] =	vst.idx.msk $0xffff, v3  }
0xb3: {  	v46 =	vadd.s32 v16, v46;
	v3 =	vmul.f32 $8.000000000e+00, v51;
	v48 =	vld [tilespmem:s15+$0xB0];
	[tilespmem:v0+s24+$0x0] =	vst.idx.msk $0xffff, v2  }
0xb4: {  	[tilespmem:v52+s24+$0x0] =	vst.idx.msk $0xffff, v60;
	v0 =	vmul.f32 $8.000000000e+00, v40;
	v2 =	vadd.s32 v57, v43  }
0xb5: {  	v49 =	vadd.s32 v24, v42;
	[tilespmem:v53+s24+$0x0] =	vst.idx.msk $0xffff, v3;
	v3 =	vmul.f32 $8.000000000e+00, v54  }
0xb6: {  	[tilespmem:v55+s24+$0x0] =	vst.idx.msk $0xffff, v0;
	v0 =	vmul.f32 $8.000000000e+00, v56  }
0xb7: {  	s30 =	simm.s32 $0x0;
	[tilespmem:v62+s24+$0x0] =	vst.idx.msk $0xffff, v3;
	v3 =	vmul.f32 $8.000000000e+00, v45  }
0xb8: {  	v50 =	vmov s30;
	[tilespmem:v46+s24+$0x0] =	vst.idx.msk $0xffff, v0;
	v0 =	vmul.f32 $8.000000000e+00, v48  }
0xb9: {  	[tilespmem:v2+s24+$0x0] =	vst.idx.msk $0xffff, v3;
	v2 =	vshrl.u32 v50, $0x3  }
0xba: {  	[tilespmem:v49+s24+$0x0] =	vst.idx.msk $0xffff, v0;
	v0 =	vshll.u32 v2, $0x3  }
0xbb: {  	v2 =	vld [tilespmem:s14+$0xFFFFFE90];
	v38 =	vbroadcast v0, $0x0  }
0xbc: {  	v0 =	vld [tilespmem:s14+$0xFFFFFF10]  }
0xbd: {  	v3 =	vadd.s32 v4, v38  }
0xbe: {  	v35 =	vld [tilespmem:s14+$0xFFFFFED0];
	v51 =	vadd.s32 v17, v38  }
0xbf: {  	v33 =	vld [tilespmem:s14+$0xFFFFFE10]  }
0xc0: {  	v54 =	vld [tilespmem:s14+$0xFFFFFFD0];
	v53 =	vadd.s32 v28, v38;
	v2 =	vmul.f32 $8.000000000e+00, v2  }
0xc1: {  	v36 =	vld [tilespmem:s14+$0xFFFFFF90];
	v52 =	vadd.s32 v59, v38;
	v0 =	vmul.f32 $8.000000000e+00, v0  }
0xc2: {  	v56 =	vadd.s32 v29, v38;
	[tilespmem:v3+s25+$0x0] =	vst.idx.msk $0xffff, v2  }
0xc3: {  	v2 =	vadd.s32 v25, v38;
	[tilespmem:v51+s25+$0x0] =	vst.idx.msk $0xffff, v0;
	v0 =	vmul.f32 $8.000000000e+00, v35;
	v3 =	vld [tilespmem:s14+$0xFFFFFEA0]  }
0xc4: {  	v55 =	vld [tilespmem:s14+$0xFFFFFE50];
	v33 =	vmul.f32 $8.000000000e+00, v33  }
0xc5: {  	v48 =	vld [tilespmem:s14+$0xFFFFFF50];
	v60 =	vadd.s32 v10, v38;
	[tilespmem:v53+s25+$0x0] =	vst.idx.msk $0xffff, v0;
	v0 =	vmul.f32 $8.000000000e+00, v54  }
0xc6: {  	s12 =	simm.s32 $0x8;
	s8 =	simm.s32 $0x25F0;
	v49 =	vadd.s32 v5, v38;
	v50 =	vmul.f32 $8.000000000e+00, v36;
	[tilespmem:v52+s25+$0x0] =	vst.idx.msk $0xffff, v33;
	v62 =	vld [tilespmem:s14+$0xFFFFFF20]  }
0xc7: {  	v41 =	vld [tilespmem:s8+$0xFFFFFE50];
	[tilespmem:v56+s25+$0x0] =	vst.idx.msk $0xffff, v0;
	v56 =	vmov s12  }
0xc8: {  	v42 =	vld [tilespmem:s8+$0xFFFFFF50];
	v52 =	vadd.s32 v18, v38;
	[tilespmem:v2+s25+$0x0] =	vst.idx.msk $0xffff, v50;
	v33 =	vshrl.u32 v56, $0x3;
	v2 =	vmul.f32 $8.000000000e+00, v3  }
0xc9: {  	v51 =	vld [tilespmem:s14+$0xFFFFFE20];
	v3 =	vmul.f32 $8.000000000e+00, v55;
	v33 =	vshll.u32 v33, $0x3  }
0xca: {  	v45 =	vld [tilespmem:s8+$0xFFFFFF10];
	v33 =	vbroadcast v33, $0x0;
	[tilespmem:v60+s25+$0x0] =	vst.idx.msk $0xffff, v2  }
0xcb: {  	v47 =	vld [tilespmem:s8+$0xFFFFFE90];
	v55 =	vadd.s32 v61, v38;
	v2 =	vmul.f32 $8.000000000e+00, v62;
	[tilespmem:v49+s25+$0x0] =	vst.idx.msk $0xffff, v3  }
0xcc: {  	v20 =	vmov v21;
	v53 =	vld [tilespmem:s14+$0xFFFFFE60];
	v56 =	vadd.s32 v5, v33  }
0xcd: {  	v3 =	vld [tilespmem:s14+$0xFFFFFEB0];
	[tilespmem:v52+s25+$0x0] =	vst.idx.msk $0xffff, v2;
	v2 =	vadd.s32 v20, v38  }
0xce: {  	v36 =	vmul.f32 $8.000000000e+00, v51;
	v60 =	vadd.s32 v8, v38;
	v54 =	vld [tilespmem:s14+$0xFFFFFF30]  }
0xcf: {  	v41 =	vmul.f32 $8.000000000e+00, v41;
	v39 =	vld [tilespmem:s14+$0xFFFFFEE0];
	v52 =	vadd.s32 v11, v38  }
0xd0: {  	v43 =	vmul.f32 $8.000000000e+00, v48;
	v0 =	vld [tilespmem:s14+$0xFFFFFFE0];
	v62 =	vadd.s32 v19, v38;
	[tilespmem:v55+s25+$0x0] =	vst.idx.msk $0xffff, v36  }
0xd1: {  	v40 =	vld [tilespmem:s14+$0xFFFFFFA0];
	v34 =	vmul.f32 $8.000000000e+00, v53;
	v53 =	vadd.s32 v14, v38;
	[tilespmem:v56+s25+$0x0] =	vst.idx.msk $0xffff, v41  }
0xd2: {  	v36 =	vld [tilespmem:s8+$0xFFFFFF90];
	v3 =	vmul.f32 $8.000000000e+00, v3;
	v41 =	vadd.s32 v17, v33;
	[tilespmem:v2+s25+$0x0] =	vst.idx.msk $0xffff, v43  }
0xd3: {  	v2 =	vld [tilespmem:s8+$0xFFFFFE10];
	v43 =	vadd.s32 v30, v38;
	v35 =	vmul.f32 $8.000000000e+00, v54;
	[tilespmem:v60+s25+$0x0] =	vst.idx.msk $0xffff, v34  }
0xd4: {  	v55 =	vld [tilespmem:s14+$0xFFFFFF60];
	[tilespmem:v52+s25+$0x0] =	vst.idx.msk $0xffff, v3;
	v3 =	vmul.f32 $8.000000000e+00, v39;
	v52 =	vadd.s32 v26, v38  }
0xd5: {  	v56 =	vmul.f32 $8.000000000e+00, v45;
	v54 =	vadd.s32 v59, v33;
	v60 =	vld [tilespmem:s8+$0xFFFFFED0];
	[tilespmem:v62+s25+$0x0] =	vst.idx.msk $0xffff, v35  }
0xd6: {  	v0 =	vmul.f32 $8.000000000e+00, v0;
	v46 =	vld [tilespmem:s14+$0xFFFFFE70];
	[tilespmem:v53+s25+$0x0] =	vst.idx.msk $0xffff, v3  }
0xd7: {  	v40 =	vmul.f32 $8.000000000e+00, v40;
	v62 =	vadd.s32 v22, v38;
	v48 =	vld [tilespmem:s14+$0xFFFFFF40];
	[tilespmem:v41+s25+$0x0] =	vst.idx.msk $0xffff, v56  }
0xd8: {  	v3 =	vadd.s32 v28, v33;
	v2 =	vmul.f32 $8.000000000e+00, v2;
	[tilespmem:v43+s25+$0x0] =	vst.idx.msk $0xffff, v0;
	v43 =	vld [tilespmem:s8+$0xFFFFFFD0]  }
0xd9: {  	v0 =	vadd.s32 v4, v33;
	[tilespmem:v52+s25+$0x0] =	vst.idx.msk $0xffff, v40;
	v40 =	vld [tilespmem:s8+$0xFFFFFF20]  }
0xda: {  	v37 =	vadd.s32 v20, v33;
	v34 =	vmul.f32 $8.000000000e+00, v55;
	[tilespmem:v54+s25+$0x0] =	vst.idx.msk $0xffff, v2;
	v2 =	vld [tilespmem:s14+$0xFFFFFEF0]  }
0xdb: {  	v39 =	vadd.s32 v25, v33;
	v54 =	vmul.f32 $8.000000000e+00, v60;
	v49 =	vld [tilespmem:s8+$0xFFFFFE20]  }
0xdc: {  	v53 =	vmul.f32 $8.000000000e+00, v47;
	v60 =	vadd.s32 v29, v33;
	[tilespmem:v62+s25+$0x0] =	vst.idx.msk $0xffff, v34;
	v34 =	vld [tilespmem:s14+$0xFFFFFFF0]  }
0xdd: {  	v47 =	vadd.s32 v15, v38;
	v55 =	vmul.f32 $8.000000000e+00, v42;
	v50 =	vld [tilespmem:s14+$0xFFFFFF70];
	[tilespmem:v3+s25+$0x0] =	vst.idx.msk $0xffff, v54  }
0xde: {  	v41 =	vadd.s32 v63, v38;
	v3 =	vld [tilespmem:s14+$0xFFFFFEC0];
	[tilespmem:v0+s25+$0x0] =	vst.idx.msk $0xffff, v53;
	v53 =	vmul.f32 $8.000000000e+00, v36  }
0xdf: {  	v44 =	vadd.s32 v31, v38;
	[tilespmem:v37+s25+$0x0] =	vst.idx.msk $0xffff, v55;
	v0 =	vld [tilespmem:s14+$0xFFFFFFB0];
	v55 =	vmul.f32 $8.000000000e+00, v43  }
0xe0: {  	v52 =	vadd.s32 v61, v33;
	v62 =	vld [tilespmem:s8+$0xFFFFFEA0];
	v2 =	vmul.f32 $8.000000000e+00, v2;
	[tilespmem:v39+s25+$0x0] =	vst.idx.msk $0xffff, v53  }
0xe1: {  	v45 =	vadd.s32 v13, v38;
	v36 =	vld [tilespmem:s14+$0xFFFFFE30];
	[tilespmem:v60+s25+$0x0] =	vst.idx.msk $0xffff, v55;
	v60 =	vmul.f32 $8.000000000e+00, v46  }
0xe2: {  	v54 =	vmul.f32 $8.000000000e+00, v34;
	v34 =	vld [tilespmem:s8+$0xFFFFFEE0];
	[tilespmem:v47+s25+$0x0] =	vst.idx.msk $0xffff, v2;
	v2 =	vadd.s32 v10, v33  }
0xe3: {  	v56 =	vmul.f32 $8.000000000e+00, v49;
	v35 =	vld [tilespmem:s8+$0xFFFFFFA0];
	v47 =	vadd.s32 v23, v38;
	[tilespmem:v41+s25+$0x0] =	vst.idx.msk $0xffff, v60  }
0xe4: {  	v12 =	vmovc v4;
	v21 =	vmov v27;
	v42 =	vadd.s32 v6, v38;
	v55 =	vld [tilespmem:s8+$0xFFFFFFE0];
	v3 =	vmul.f32 $8.000000000e+00, v3;
	[tilespmem:v44+s25+$0x0] =	vst.idx.msk $0xffff, v54  }
0xe5: {  	v27 =	vmovc v23;
	v51 =	vadd.s32 v32, v38;
	v4 =	vmov v5;
	[tilespmem:v52+s25+$0x0] =	vst.idx.msk $0xffff, v56;
	v44 =	vld [tilespmem:s14+$0xFFFFFE80];
	v62 =	vmul.f32 $8.000000000e+00, v62  }
0xe6: {  	v5 =	vmovc v8;
	v8 =	vmov v9;
	v49 =	vadd.s32 v21, v38;
	v43 =	vld [tilespmem:s14+$0xFFFFFF00];
	v0 =	vmul.f32 $8.000000000e+00, v0;
	[tilespmem:v45+s25+$0x0] =	vst.idx.msk $0xffff, v3  }
0xe7: {  	v37 =	vadd.s32 v26, v33;
	v41 =	vadd.s32 v18, v33;
	v52 =	vld [tilespmem:s14+$0x0];
	[tilespmem:v2+s25+$0x0] =	vst.idx.msk $0xffff, v62;
	v2 =	vmul.f32 $8.000000000e+00, v36  }
0xe8: {  	v60 =	vadd.s32 v16, v38;
	v23 =	vmovc v16;
	v16 =	vmov v17;
	[tilespmem:v47+s25+$0x0] =	vst.idx.msk $0xffff, v0;
	v0 =	vmul.f32 $8.000000000e+00, v48;
	v39 =	vld [tilespmem:s8+$0xFFFFFEB0]  }
0xe9: {  	v36 =	vadd.s32 v14, v33;
	v62 =	vmul.f32 $8.000000000e+00, v50;
	v47 =	vadd.s32 v9, v38;
	v50 =	vld [tilespmem:s14+$0xFFFFFFC0];
	[tilespmem:v42+s25+$0x0] =	vst.idx.msk $0xffff, v2  }
0xea: {  	v48 =	vadd.s32 v7, v38;
	v9 =	vmovc v12;
	v12 =	vmovc v13;
	v53 =	vmul.f32 $8.000000000e+00, v44;
	v2 =	vmul.f32 $8.000000000e+00, v40;
	v46 =	vld [tilespmem:s14+$0xFFFFFE40]  }
0xeb: {  	v44 =	vadd.s32 v57, v38;
	v40 =	vmul.f32 $8.000000000e+00, v43;
	v43 =	vld [tilespmem:s8+$0xFFFFFE60];
	[tilespmem:v49+s25+$0x0] =	vst.idx.msk $0xffff, v62;
	v49 =	vadd.s32 v24, v38  }
0xec: {  	v13 =	vmovc v28;
	v54 =	vmul.f32 $8.000000000e+00, v52;
	v42 =	vmul.f32 $8.000000000e+00, v55;
	v52 =	vadd.s32 v58, v38;
	v45 =	vld [tilespmem:s14+$0xFFFFFF80];
	[tilespmem:v41+s25+$0x0] =	vst.idx.msk $0xffff, v2  }
0xed: {  	[tilespmem:v60+s25+$0x0] =	vst.idx.msk $0xffff, v0;
	v60 =	vmovc v22;
	v22 =	vmovc v57;
	s14 =	simm.s32 $0x27F0;
	v62 =	vmov v15;
	v15 =	vmov v23;
	v23 =	vmov v24;
	v41 =	vld [tilespmem:s8+$0xFFFFFF30]  }
.LBB2_5:
0xee: {  	s12 =	sadd.s32 $0x8, s12;
	v0 =	vld [tilespmem:s14+$0xFFFFFE50];
	v2 =	vmul.f32 $8.000000000e+00, v50;
	[tilespmem:v51+s25+$0x0] =	vst.idx.msk $0xffff, v54;
	v38 =	vmov v33  }
0xef: {  	v3 =	vmov s12;
	v50 =	vld [tilespmem:s14+$0xFFFFFF50];
	p1 =	slt.u32 s12, $0x78;
	v51 =	vadd.s32 v5, v38;
	v33 =	vmul.f32 $8.000000000e+00, v46;
	[tilespmem:v47+s25+$0x0] =	vst.idx.msk $0xffff, v53  }
0xf0: {  	v39 =	vmul.f32 $8.000000000e+00, v39;
	v47 =	vadd.s32 v19, v38;
	v3 =	vshrl.u32 v3, $0x3;
	v46 =	vld [tilespmem:s14+$0xFFFFFF10];
	[tilespmem:v49+s25+$0x0] =	vst.idx.msk $0xffff, v2  }
0xf1: {  	v49 =	vadd.s32 v11, v38;
	v2 =	vshll.u32 v3, $0x3;
	v3 =	vld [tilespmem:s14+$0xFFFFFE90];
	[tilespmem:v48+s25+$0x0] =	vst.idx.msk $0xffff, v33;
	v45 =	vmul.f32 $8.000000000e+00, v45  }
0xf2: {  	v48 =	vld [tilespmem:s14+$0xFFFFFE10];
	v33 =	vbroadcast v2, $0x0;
	v2 =	vmul.f32 $8.000000000e+00, v43;
	v43 =	vadd.s32 v30, v38;
	[tilespmem:v52+s25+$0x0] =	vst.idx.msk $0xffff, v40  }
0xf3: {  	v41 =	vmul.f32 $8.000000000e+00, v41;
	v40 =	vld [tilespmem:s14+$0xFFFFFF90];
	[tilespmem:v44+s25+$0x0] =	vst.idx.msk $0xffff, v45  }
0xf4: {  	v44 =	vadd.s32 v59, v33;
	[tilespmem:v51+s25+$0x0] =	vst.idx.msk $0xffff, v2;
	v2 =	vld [tilespmem:s8+$0xFFFFFF60]  }
0xf5: {  	v45 =	vadd.s32 v4, v33;
	v51 =	vld [tilespmem:s14+$0xFFFFFED0];
	[tilespmem:v47+s25+$0x0] =	vst.idx.msk $0xffff, v41  }
0xf6: {  	v34 =	vmul.f32 $8.000000000e+00, v34;
	v41 =	vadd.s32 v9, v33;
	v47 =	vld [tilespmem:s8+$0xFFFFFE70];
	[tilespmem:v49+s25+$0x0] =	vst.idx.msk $0xffff, v39;
	v39 =	vadd.s32 v60, v38  }
0xf7: {  	v49 =	vadd.s32 v13, v33;
	v48 =	vmul.f32 $8.000000000e+00, v48;
	v52 =	vld [tilespmem:s8+$0xFFFFFF40];
	[tilespmem:v43+s25+$0x0] =	vst.idx.msk $0xffff, v42  }
0xf8: {  	v0 =	vmul.f32 $8.000000000e+00, v0;
	v42 =	vadd.s32 v16, v33;
	v43 =	vld [tilespmem:s14+$0xFFFFFFD0];
	[tilespmem:v36+s25+$0x0] =	vst.idx.msk $0xffff, v34  }
0xf9: {  	v3 =	vmul.f32 $8.000000000e+00, v3;
	v34 =	vadd.s32 v20, v33;
	[tilespmem:v44+s25+$0x0] =	vst.idx.msk $0xffff, v48;
	v36 =	vld [tilespmem:s8+$0xFFFFFEF0];
	v2 =	vmul.f32 $8.000000000e+00, v2  }
0xfa: {  	v35 =	vmul.f32 $8.000000000e+00, v35;
	v44 =	vld [tilespmem:s14+$0xFFFFFE20];
	[tilespmem:v45+s25+$0x0] =	vst.idx.msk $0xffff, v0;
	v0 =	vmul.f32 $8.000000000e+00, v51;
	v45 =	vadd.s32 v25, v33  }
0xfb: {  	v46 =	vmul.f32 $8.000000000e+00, v46;
	[tilespmem:v39+s25+$0x0] =	vst.idx.msk $0xffff, v2;
	v2 =	vld [tilespmem:s8+$0xFFFFFFF0]  }
0xfc: {  	v48 =	vadd.s32 v29, v33;
	v39 =	vmul.f32 $8.000000000e+00, v50;
	v50 =	vadd.s32 v62, v38;
	v51 =	vld [tilespmem:s8+$0xFFFFFF70];
	[tilespmem:v37+s25+$0x0] =	vst.idx.msk $0xffff, v35  }
0xfd: {  	v53 =	vadd.s32 v61, v33;
	[tilespmem:v41+s25+$0x0] =	vst.idx.msk $0xffff, v3;
	v3 =	vmul.f32 $8.000000000e+00, v40;
	v40 =	vld [tilespmem:s8+$0xFFFFFFB0];
	v41 =	vadd.s32 v31, v38  }
0xfe: {  	v54 =	vadd.s32 v10, v33;
	v55 =	vmul.f32 $8.000000000e+00, v52;
	[tilespmem:v49+s25+$0x0] =	vst.idx.msk $0xffff, v0;
	v0 =	vld [tilespmem:s8+$0xFFFFFEC0];
	v35 =	vmul.f32 $8.000000000e+00, v36  }
0xff: {  	v36 =	vadd.s32 v14, v33;
	v49 =	vld [tilespmem:s14+$0xFFFFFEA0];
	[tilespmem:v34+s25+$0x0] =	vst.idx.msk $0xffff, v39;
	v39 =	vmul.f32 $8.000000000e+00, v43  }
0x100: {  	v43 =	vmul.f32 $8.000000000e+00, v44;
	[tilespmem:v42+s25+$0x0] =	vst.idx.msk $0xffff, v46;
	v42 =	vadd.s32 v18, v33;
	v44 =	vld [tilespmem:s8+$0xFFFFFE30];
	v2 =	vmul.f32 $8.000000000e+00, v2  }
0x101: {  	v46 =	vadd.s32 v63, v38;
	v34 =	vld [tilespmem:s14+$0xFFFFFEE0];
	[tilespmem:v50+s25+$0x0] =	vst.idx.msk $0xffff, v35  }
0x102: {  	v37 =	vadd.s32 v26, v33;
	[tilespmem:v45+s25+$0x0] =	vst.idx.msk $0xffff, v3;
	v3 =	vld [tilespmem:s8+$0xFFFFFF00]  }
0x103: {  	v45 =	vadd.s32 v27, v38;
	v35 =	vld [tilespmem:s14+$0xFFFFFFA0];
	[tilespmem:v41+s25+$0x0] =	vst.idx.msk $0xffff, v2  }
0x104: {  	v41 =	vadd.s32 v6, v38;
	v2 =	vld [tilespmem:s14+$0xFFFFFF20];
	[tilespmem:v48+s25+$0x0] =	vst.idx.msk $0xffff, v39;
	v39 =	vmul.f32 $8.000000000e+00, v47  }
0x105: {  	v48 =	vadd.s32 v12, v38;
	[tilespmem:v53+s25+$0x0] =	vst.idx.msk $0xffff, v43;
	v43 =	vmul.f32 $8.000000000e+00, v49;
	v49 =	vadd.s32 v21, v38;
	v52 =	vld [tilespmem:s8+$0x0]  }
0x106: {  	v40 =	vmul.f32 $8.000000000e+00, v40;
	v53 =	vmul.f32 $8.000000000e+00, v51;
	v56 =	vld [tilespmem:s14+$0xFFFFFFE0];
	[tilespmem:v46+s25+$0x0] =	vst.idx.msk $0xffff, v39  }
0x107: {  	[tilespmem:v54+s25+$0x0] =	vst.idx.msk $0xffff, v43;
	v43 =	vmul.f32 $8.000000000e+00, v44;
	v44 =	vld [tilespmem:s8+$0xFFFFFE80]  }
0x108: {  	v57 =	vadd.s32 v15, v38;
	v0 =	vmul.f32 $8.000000000e+00, v0;
	v39 =	vld [tilespmem:s14+$0xFFFFFEB0];
	[tilespmem:v45+s25+$0x0] =	vst.idx.msk $0xffff, v40  }
.Ltmp1:
0x109: {  	v51 =	vadd.s32 v32, v38;
	v40 =	vmul.f32 $8.000000000e+00, v3;
	[tilespmem:v41+s25+$0x0] =	vst.idx.msk $0xffff, v43;
	v50 =	vld [tilespmem:s8+$0xFFFFFFC0];
	(pc) =	sbr.rel @p1 .LBB2_5-.Ltmp1, $4  }
0x10a: {  	v47 =	vadd.s32 v8, v38;
	v2 =	vmul.f32 $8.000000000e+00, v2;
	v46 =	vld [tilespmem:s8+$0xFFFFFE40];
	[tilespmem:v48+s25+$0x0] =	vst.idx.msk $0xffff, v0  }
0x10b: {  	v43 =	vld [tilespmem:s14+$0xFFFFFE60];
	[tilespmem:v49+s25+$0x0] =	vst.idx.msk $0xffff, v53;
	v49 =	vadd.s32 v23, v38  }
0x10c: {  	v48 =	vadd.s32 v7, v38;
	v54 =	vmul.f32 $8.000000000e+00, v52;
	[tilespmem:v42+s25+$0x0] =	vst.idx.msk $0xffff, v2;
	v53 =	vmul.f32 $8.000000000e+00, v44;
	v45 =	vld [tilespmem:s8+$0xFFFFFF80];
	s8 =	smov.u32 s14  }
0x10d: {  	v52 =	vadd.s32 v58, v38;
	v42 =	vmul.f32 $8.000000000e+00, v56;
	s14 =	sadd.s32 $0x200, s14;
	v44 =	vadd.s32 v22, v38;
	v41 =	vld [tilespmem:s8+$0xFFFFFF30];
	[tilespmem:v57+s25+$0x0] =	vst.idx.msk $0xffff, v55  }
0x10e: {  	_ =	sdelay $0x3  }
0x10f: {  	[tilespmem:v51+s25+$0x0] =	vst.idx.msk $0xffff, v54  }
0x110: {  	v0 =	vmul.f32 $8.000000000e+00, v50;
	v2 =	vadd.s32 v30, v33;
	[tilespmem:v47+s25+$0x0] =	vst.idx.msk $0xffff, v53  }
0x111: {  	v3 =	vadd.s32 v5, v33;
	[tilespmem:v52+s25+$0x0] =	vst.idx.msk $0xffff, v40;
	v34 =	vmul.f32 $8.000000000e+00, v34  }
0x112: {  	v38 =	vmul.f32 $8.000000000e+00, v46;
	[tilespmem:v49+s25+$0x0] =	vst.idx.msk $0xffff, v0  }
0x113: {  	v0 =	vld [tilespmem:s8+$0xFFFFFF60];
	[tilespmem:v36+s25+$0x0] =	vst.idx.msk $0xffff, v34  }
0x114: {  	v51 =	vadd.s32 v11, v33;
	v49 =	vmul.f32 $8.000000000e+00, v43;
	[tilespmem:v48+s25+$0x0] =	vst.idx.msk $0xffff, v38  }
0x115: {  	v50 =	vadd.s32 v60, v33;
	v34 =	vld [tilespmem:s8+$0xFFFFFE30];
	v52 =	vmul.f32 $8.000000000e+00, v45;
	[tilespmem:v2+s25+$0x0] =	vst.idx.msk $0xffff, v42  }
0x116: {  	v53 =	vadd.s32 v19, v33;
	v2 =	vmul.f32 $8.000000000e+00, v35;
	[tilespmem:v3+s25+$0x0] =	vst.idx.msk $0xffff, v49;
	v3 =	vld [tilespmem:s8+$0xFFFFFFF0]  }
0x117: {  	v39 =	vmul.f32 $8.000000000e+00, v39;
	[tilespmem:v44+s25+$0x0] =	vst.idx.msk $0xffff, v52;
	v49 =	vadd.s32 v6, v33;
	v54 =	vld [tilespmem:s8+$0xFFFFFE70]  }
0x118: {  	v56 =	vadd.s32 v31, v33;
	v57 =	vld [tilespmem:s8+$0xFFFFFEF0];
	[tilespmem:v37+s25+$0x0] =	vst.idx.msk $0xffff, v2;
	v0 =	vmul.f32 $8.000000000e+00, v0  }
0x119: {  	v36 =	vadd.s32 v63, v33;
	v41 =	vmul.f32 $8.000000000e+00, v41;
	[tilespmem:v51+s25+$0x0] =	vst.idx.msk $0xffff, v39;
	v2 =	vld [tilespmem:s8+$0xFFFFFFB0]  }
0x11a: {  	v51 =	vld [tilespmem:s8+$0xFFFFFEC0];
	v34 =	vmul.f32 $8.000000000e+00, v34;
	[tilespmem:v50+s25+$0x0] =	vst.idx.msk $0xffff, v0;
	v50 =	vadd.s32 v62, v33  }
0x11b: {  	[tilespmem:v53+s25+$0x0] =	vst.idx.msk $0xffff, v41;
	v0 =	vadd.s32 v27, v33;
	v48 =	vld [tilespmem:s8+$0xFFFFFF70];
	v3 =	vmul.f32 $8.000000000e+00, v3  }
0x11c: {  	[tilespmem:v49+s25+$0x0] =	vst.idx.msk $0xffff, v34;
	v52 =	vmul.f32 $8.000000000e+00, v54;
	v54 =	vadd.s32 v12, v33  }
0x11d: {  	v53 =	vld [tilespmem:s8+$0xFFFFFF40];
	v57 =	vmul.f32 $8.000000000e+00, v57;
	[tilespmem:v56+s25+$0x0] =	vst.idx.msk $0xffff, v3;
	v3 =	vadd.s32 v21, v33  }
0x11e: {  	v2 =	vmul.f32 $8.000000000e+00, v2;
	[tilespmem:v36+s25+$0x0] =	vst.idx.msk $0xffff, v52;
	v56 =	vld [tilespmem:s8+$0x0]  }
0x11f: {  	v45 =	vadd.s32 v15, v33;
	v47 =	vmul.f32 $8.000000000e+00, v51;
	v41 =	vld [tilespmem:s8+$0xFFFFFE80];
	[tilespmem:v50+s25+$0x0] =	vst.idx.msk $0xffff, v57  }
0x120: {  	v46 =	vadd.s32 v32, v33;
	[tilespmem:v0+s25+$0x0] =	vst.idx.msk $0xffff, v2;
	v0 =	vmul.f32 $8.000000000e+00, v48;
	v51 =	vld [tilespmem:s8+$0xFFFFFF00]  }
0x121: {  	v49 =	vadd.s32 v8, v33;
	v2 =	vld [tilespmem:s8+$0xFFFFFFC0];
	[tilespmem:v54+s25+$0x0] =	vst.idx.msk $0xffff, v47  }
0x122: {  	v50 =	vmul.f32 $8.000000000e+00, v53;
	v48 =	vld [tilespmem:s8+$0xFFFFFE40];
	v54 =	vadd.s32 v58, v33;
	[tilespmem:v3+s25+$0x0] =	vst.idx.msk $0xffff, v0  }
0x123: {  	v0 =	vadd.s32 v23, v33;
	v52 =	vld [tilespmem:s8+$0xFFFFFF80];
	v53 =	vmul.f32 $8.000000000e+00, v56  }
0x124: {  	[tilespmem:v45+s25+$0x0] =	vst.idx.msk $0xffff, v50;
	v3 =	vadd.s32 v7, v33;
	v41 =	vmul.f32 $8.000000000e+00, v41  }
0x125: {  	v56 =	vadd.s32 v22, v33;
	v58 =	vmul.f32 $8.000000000e+00, v51;
	[tilespmem:v46+s25+$0x0] =	vst.idx.msk $0xffff, v53  }
0x126: {  	v2 =	vmul.f32 $8.000000000e+00, v2;
	[tilespmem:v49+s25+$0x0] =	vst.idx.msk $0xffff, v41  }
0x127: {  	v57 =	vmul.f32 $8.000000000e+00, v48;
	[tilespmem:v54+s25+$0x0] =	vst.idx.msk $0xffff, v58  }
0x128: {  	[tilespmem:v0+s25+$0x0] =	vst.idx.msk $0xffff, v2;
	v0 =	vmul.f32 $8.000000000e+00, v52  }
0x129: {  	s17 =	sor.u32 s6, s17;
	[tilespmem:v3+s25+$0x0] =	vst.idx.msk $0xffff, v57  }
0x12a: {  	s7 =	simm.s32 $0x8200;
	s12 =	sadd.s32 s1, s17;
	[tilespmem:v56+s25+$0x0] =	vst.idx.msk $0xffff, v0  }
0x12b: {  	[hbm4b:s12+s3] =	stream.linear.scatter [tilespmem:s7], [sflag:$0x5], $0x80, $0x38;
	[tilespmem:$0x10A00] =	vst v63  }
0x12c: {  	s14 =	sadd.s32 $0x10, s12;
	s8 =	simm.s32 $0x8288  }
0x12d: {  	[hbm4b:s14+s3] =	stream.linear.scatter [tilespmem:s8], [sflag:$0x5], $0x80, $0x38;
	[tilespmem:$0x10A00] =	vst v63  }
0x12e: {  	s15 =	simm.s32 $0x8310;
	s30 =	sadd.s32 $0x20, s12  }
0x12f: {  	[hbm4b:s30+s3] =	stream.linear.scatter [tilespmem:s15], [sflag:$0x5], $0x80, $0x38;
	[tilespmem:$0x10A00] =	vst v63  }
0x130: {  	s8 =	simm.s32 $0x8398;
	s14 =	sadd.s32 $0x30, s12  }
0x131: {  	[hbm4b:s14+s3] =	stream.linear.scatter [tilespmem:s8], [sflag:$0x5], $0x80, $0x38;
	[tilespmem:$0x10A00] =	vst v63  }
0x132: {  	s15 =	simm.s32 $0x8420;
	s30 =	sadd.s32 $0x40, s12  }
0x133: {  	[hbm4b:s30+s3] =	stream.linear.scatter [tilespmem:s15], [sflag:$0x5], $0x80, $0x38;
	[tilespmem:$0x10A00] =	vst v63  }
0x134: {  	s7 =	simm.s32 $0x85B8;
	s8 =	simm.s32 $0x84A8;
	s14 =	sadd.s32 $0x50, s12  }
0x135: {  	[hbm4b:s14+s3] =	stream.linear.scatter [tilespmem:s8], [sflag:$0x5], $0x80, $0x38;
	[tilespmem:$0x10A00] =	vst v63  }
0x136: {  	s15 =	simm.s32 $0x8530;
	s30 =	sadd.s32 $0x60, s12;
	s8 =	simm.s32 $0x440  }
0x137: {  	[hbm4b:s30+s3] =	stream.linear.scatter [tilespmem:s15], [sflag:$0x5], $0x80, $0x38;
	[tilespmem:$0x10A00] =	vst v63  }
0x138: {  	v55 =	vmov v13;
	s14 =	simm.s32 $0x2200;
	s15 =	sadd.s32 $0x70, s12;
	s12 =	sadd.s32 $0x1000, s12  }
.LBB2_7:
0x139: {  	[hbm4b:s15+s3] =	stream.linear.scatter [tilespmem:s7], [sflag:$0x5], $0x80, $0x38;
	[tilespmem:$0x10A00] =	vst v63  }
0x13a: {  	s7 =	smov.u32 s8;
	s8 =	smov.u32 s14  }
0x13b: {  	s30 =	sadd.s32 $0x1100, s14;
	s8 =	sshra.s32 s8, $0x2;
	s15 =	sadd.s32 $0x8200, s7  }
0x13c: {  	[hbm4b:s12+s3] =	stream.linear.scatter [tilespmem:s15], [sflag:$0x5], $0x80, $0x38;
	[tilespmem:$0x10A00] =	vst v63  }
0x13d: {  	p1 =	sne.s32 s14, $0xFF00;
	s14 =	sadd.s32 $0x8288, s7;
	s15 =	sadd.s32 $0x10, s12  }
0x13e: {  	[hbm4b:s15+s3] =	stream.linear.scatter [tilespmem:s14], [sflag:$0x5], $0x80, $0x38;
	[tilespmem:$0x10A00] =	vst v63  }
0x13f: {  	s14 =	sadd.s32 $0x8310, s7;
	s15 =	sadd.s32 $0x20, s12  }
0x140: {  	[hbm4b:s15+s3] =	stream.linear.scatter [tilespmem:s14], [sflag:$0x5], $0x80, $0x38;
	[tilespmem:$0x10A00] =	vst v63  }
0x141: {  	s14 =	sadd.s32 $0x8398, s7;
	s15 =	sadd.s32 $0x30, s12  }
0x142: {  	[hbm4b:s15+s3] =	stream.linear.scatter [tilespmem:s14], [sflag:$0x5], $0x80, $0x38;
	[tilespmem:$0x10A00] =	vst v63  }
0x143: {  	s14 =	sadd.s32 $0x8420, s7;
	s15 =	sadd.s32 $0x40, s12  }
0x144: {  	[hbm4b:s15+s3] =	stream.linear.scatter [tilespmem:s14], [sflag:$0x5], $0x80, $0x38;
	[tilespmem:$0x10A00] =	vst v63  }
.Ltmp2:
0x145: {  	s14 =	sadd.s32 $0x84A8, s7;
	s15 =	sadd.s32 $0x50, s12;
	(pc) =	sbr.rel @p1 .LBB2_7-.Ltmp2, $4  }
0x146: {  	[hbm4b:s15+s3] =	stream.linear.scatter [tilespmem:s14], [sflag:$0x5], $0x80, $0x38;
	[tilespmem:$0x10A00] =	vst v63  }
0x147: {  	s14 =	sadd.s32 $0x8530, s7;
	s15 =	sadd.s32 $0x60, s12;
	s7 =	sadd.s32 $0x85B8, s7  }
0x148: {  	[hbm4b:s15+s3] =	stream.linear.scatter [tilespmem:s14], [sflag:$0x5], $0x80, $0x38;
	[tilespmem:$0x10A00] =	vst v63  }
0x149: {  	s15 =	sadd.s32 $0x70, s12;
	s12 =	sadd.s32 $0x1000, s12;
	s14 =	smov.u32 s30  }
0x14a: {  	[hbm4b:s15+s3] =	stream.linear.scatter [tilespmem:s7], [sflag:$0x5], $0x80, $0x38;
	[tilespmem:$0x10A00] =	vst v63  }
0x14b: {  	s15 =	sadd.s32 $0x8200, s8  }
0x14c: {  	[hbm4b:s12+s3] =	stream.linear.scatter [tilespmem:s15], [sflag:$0x5], $0x80, $0x38;
	[tilespmem:$0x10A00] =	vst v63  }
0x14d: {  	s30 =	sadd.s32 $0x8288, s8;
	s14 =	sadd.s32 $0x10, s12  }
0x14e: {  	[hbm4b:s14+s3] =	stream.linear.scatter [tilespmem:s30], [sflag:$0x5], $0x80, $0x38;
	[tilespmem:$0x10A00] =	vst v63  }
0x14f: {  	s15 =	sadd.s32 $0x8310, s8;
	s30 =	sadd.s32 $0x20, s12  }
0x150: {  	[hbm4b:s30+s3] =	stream.linear.scatter [tilespmem:s15], [sflag:$0x5], $0x80, $0x38;
	[tilespmem:$0x10A00] =	vst v63  }
0x151: {  	s15 =	sadd.s32 $0x8398, s8;
	s30 =	sadd.s32 $0x30, s12  }
0x152: {  	[hbm4b:s30+s3] =	stream.linear.scatter [tilespmem:s15], [sflag:$0x5], $0x80, $0x38;
	[tilespmem:$0x10A00] =	vst v63  }
0x153: {  	s15 =	sadd.s32 $0x8420, s8;
	s30 =	sadd.s32 $0x40, s12  }
0x154: {  	[hbm4b:s30+s3] =	stream.linear.scatter [tilespmem:s15], [sflag:$0x5], $0x80, $0x38;
	[tilespmem:$0x10A00] =	vst v63  }
0x155: {  	s15 =	sadd.s32 $0x84A8, s8;
	s30 =	sadd.s32 $0x50, s12  }
0x156: {  	[hbm4b:s30+s3] =	stream.linear.scatter [tilespmem:s15], [sflag:$0x5], $0x80, $0x38;
	[tilespmem:$0x10A00] =	vst v63  }
0x157: {  	s15 =	sadd.s32 $0x8530, s8;
	s30 =	sadd.s32 $0x60, s12  }
0x158: {  	[hbm4b:s30+s3] =	stream.linear.scatter [tilespmem:s15], [sflag:$0x5], $0x80, $0x38;
	[tilespmem:$0x10A00] =	vst v63  }
0x159: {  	s7 =	simm.s32 @!p0 $0x1;
	s14 =	sadd.s32 $0x70, s12;
	s8 =	sadd.s32 $0x85B8, s8  }
0x15a: {  	[hbm4b:s14+s3] =	stream.linear.scatter [tilespmem:s8], [sflag:$0x5], $0x80, $0x38;
	[tilespmem:$0x10A00] =	vst v63  }
0x15b: {  	_ =	swait.ge @!p0 [sflag:s7], $0x100  }
0x15c: {  	p1 =	seq.s32 @!p0 s2, $0x0;
	s12 =	simm.s32 @!p0 $0x200;
	[sflag:s7] =	ssyncset.done @!p0 $0x0  }
0x15d: {  	s8 =	simm.s32 @!p0 $0x80;
	[sflag:s7] =	ssyncadd.s32 @!p0 $0xFFFFFF00;
	s7 =	simm.s32 @!p0 $0x0  }
0x15e: {  	[tilespmem:s12], [sflag:$0x3] =	stream.indirect.gather @!p0 [hbm4b:s5+s8], $0x40, s7, s8, $0xb8;
	[tilespmem:$0x10A00] =	vst v63  }
0x15f: {  	p1 =	por p0, !p1;
	s7 =	simm.s32 @!p0 $0x2200  }
0x160: {  	[tilespmem:s7], [sflag:$0x3] =	stream.indirect.gather @!p0 [hbm4b:s5+s8], $0x40, s8, s8, $0xb8;
	[tilespmem:$0x10A00] =	vst v63  }
0x161: {  	_ =	swait.ge @p1 [sflag:s31], $0x4000  }
0x162: {  	[sflag:s31] =	ssyncset.done @p1 $0x0  }
0x163: {  	[sflag:s31] =	ssyncadd.s32 @p1 $0xFFFFC000  }
0x164: {  	s15 =	simm.s32 $0x0;
	s30 =	simm.s32 $0x1;
	_ =	swait.ge [sflag:s26], $0x2000  }
0x165: {  	v0 =	vmov s15;
	v2 =	vmov s30;
	s15 =	simm.s32 $0x4;
	s30 =	simm.s32 $0x6;
	[sflag:s26] =	ssyncset.done $0x0  }
0x166: {  	s14 =	simm.s32 $0x3;
	v34 =	vmov s15;
	s15 =	simm.s32 $0x7;
	[sflag:s26] =	ssyncadd.s32 $0xFFFFE000  }
0x167: {  	v0 =	vshrl.u32 v0, $0x3;
	v33 =	vmov s14;
	s14 =	simm.s32 @!p0 $0x1000;
	s7 =	sadd.s32 @!p0 s10, s16;
	_ =	swait.ge [sflag:s26], $0x2000  }
0x168: {  	v36 =	vmov s30;
	v2 =	vshrl.u32 v2, $0x3;
	v37 =	vmov s15;
	s12 =	simm.s32 $0x2;
	s7 =	sshrl.u32 @!p0 s7, $0x3;
	[sflag:s26] =	ssyncset.done $0x0  }
0x169: {  	v0 =	vshll.u32 v0, v1;
	v34 =	vshrl.u32 v34, $0x3;
	v3 =	vmov s12;
	s12 =	simm.s32 @!p0 $0x100;
	s7 =	sadd.s32 @!p0 s4, s7;
	[sflag:s26] =	ssyncadd.s32 $0xFFFFE000  }
0x16a: {  	v36 =	vshrl.u32 v36, $0x3;
	v2 =	vshll.u32 v2, v1;
	v37 =	vshrl.u32 v37, $0x3;
	[tilespmem:s12], [sflag:$0x2] =	stream.strided.gather @!p0 [hbm4b:s7+s8], $0x100, s14, s8, $0x38;
	[tilespmem:$0x10A00] =	vst v63  }
0x16b: {  	v33 =	vshrl.u32 v33, $0x3;
	v39 =	vbroadcast v0, $0x0;
	v37 =	vshll.u32 v37, v1;
	s8 =	simm.s32 $0x43F0  }
0x16c: {  	v40 =	vmovc v14;
	v34 =	vshll.u32 v34, v1;
	v14 =	vbroadcast v2, $0x0;
	v41 =	vbroadcast v37, $0x0;
	v0 =	vld [tilespmem:s8+$0xFFFFFFD0]  }
0x16d: {  	v33 =	vshll.u32 v33, v1;
	v44 =	vadd.s32 v59, v39;
	s16 =	simm.s32 $0x5;
	v3 =	vshrl.u32 v3, $0x3;
	v38 =	vld [tilespmem:s8+$0xFFFFFE10]  }
0x16e: {  	v2 =	vadd.s32 v29, v41;
	v35 =	vmov s16;
	v3 =	vshll.u32 v3, v1;
	v42 =	vld [tilespmem:s8+$0xFFFFFE50]  }
0x16f: {  	v46 =	vadd.s32 v4, v14;
	v35 =	vshrl.u32 v35, $0x3;
	v37 =	vbroadcast v3, $0x0;
	v45 =	vld [tilespmem:s8+$0xFFFFFE90]  }
0x170: {  	v3 =	vshll.u32 v36, v1;
	v36 =	vbroadcast v33, $0x0;
	v43 =	vshll.u32 v35, v1;
	v47 =	vld [tilespmem:s8+$0xFFFFFED0]  }
0x171: {  	v35 =	vbroadcast v34, $0x0;
	v48 =	vadd.s32 v9, v37;
	v49 =	vld [tilespmem:s8+$0xFFFFFF10];
	v0 =	vmul.f32 $8.000000000e+00, v0  }
0x172: {  	v50 =	vadd.s32 v55, v36;
	v33 =	vbroadcast v43, $0x0;
	v51 =	vld [tilespmem:s8+$0xFFFFFF50];
	v38 =	vmul.f32 $8.000000000e+00, v38  }
0x173: {  	v53 =	vmovc v20;
	v34 =	vbroadcast v3, $0x0;
	v57 =	vadd.s32 v16, v35;
	v52 =	vld [tilespmem:s8+$0xFFFFFF90];
	v42 =	vmul.f32 $8.000000000e+00, v42;
	[tilespmem:v2+s28+$0x0] =	vst.idx.msk $0xffff, v0  }
0x174: {  	v3 =	vadd.s32 v53, v33;
	[tilespmem:v44+s28+$0x0] =	vst.idx.msk $0xffff, v38;
	v2 =	vmul.f32 $8.000000000e+00, v45;
	v38 =	vld [tilespmem:s8+$0xFFFFFFE0]  }
0x175: {  	v58 =	vmul.f32 $8.000000000e+00, v47;
	[tilespmem:v46+s28+$0x0] =	vst.idx.msk $0xffff, v42;
	v45 =	vadd.s32 v25, v34;
	v44 =	vld [tilespmem:s8+$0xFFFFFE20]  }
0x176: {  	v47 =	vld [tilespmem:s8+$0xFFFFFE60];
	[tilespmem:v48+s28+$0x0] =	vst.idx.msk $0xffff, v2;
	v2 =	vmul.f32 $8.000000000e+00, v49;
	v48 =	vadd.s32 v30, v41  }
0x177: {  	v53 =	vadd.s32 v61, v39;
	[tilespmem:v50+s28+$0x0] =	vst.idx.msk $0xffff, v58;
	v42 =	vmul.f32 $8.000000000e+00, v51;
	v54 =	vld [tilespmem:s8+$0xFFFFFEA0]  }
0x178: {  	v51 =	vadd.s32 v5, v14;
	v55 =	vld [tilespmem:s8+$0xFFFFFEE0];
	[tilespmem:v57+s28+$0x0] =	vst.idx.msk $0xffff, v2;
	v2 =	vmul.f32 $8.000000000e+00, v52  }
0x179: {  	[tilespmem:v3+s28+$0x0] =	vst.idx.msk $0xffff, v42;
	v52 =	vadd.s32 v10, v37;
	v56 =	vld [tilespmem:s8+$0xFFFFFF20];
	v3 =	vmul.f32 $8.000000000e+00, v38  }
0x17a: {  	v57 =	vld [tilespmem:s8+$0xFFFFFF60];
	v42 =	vmul.f32 $8.000000000e+00, v44;
	v44 =	vadd.s32 v40, v36;
	[tilespmem:v45+s28+$0x0] =	vst.idx.msk $0xffff, v2  }
0x17b: {  	v45 =	vmul.f32 $8.000000000e+00, v47;
	v47 =	vadd.s32 v18, v35;
	v58 =	vld [tilespmem:s8+$0xFFFFFFA0];
	[tilespmem:v48+s28+$0x0] =	vst.idx.msk $0xffff, v3  }
0x17c: {  	[tilespmem:v53+s28+$0x0] =	vst.idx.msk $0xffff, v42;
	v3 =	vmul.f32 $8.000000000e+00, v54;
	v42 =	vadd.s32 v60, v33;
	v48 =	vld [tilespmem:s8+$0xFFFFFFF0]  }
0x17d: {  	v7 =	vmovc v11;
	v11 =	vmov v10;
	s14 =	simm.s32 $0xB;
	v40 =	vmul.f32 $8.000000000e+00, v55;
	[tilespmem:v51+s28+$0x0] =	vst.idx.msk $0xffff, v45;
	v51 =	vadd.s32 v26, v34;
	v53 =	vld [tilespmem:s8+$0xFFFFFE30]  }
0x17e: {  	v50 =	vmov s14;
	v10 =	vmovc v9;
	v9 =	vmovc v4;
	[tilespmem:v52+s28+$0x0] =	vst.idx.msk $0xffff, v3;
	v3 =	vmul.f32 $8.000000000e+00, v56;
	v52 =	vadd.s32 v31, v41  }
0x17f: {  	s30 =	simm.s32 $0x9;
	s16 =	simm.s32 $0x8;
	v4 =	vmovc v59;
	v59 =	vshrl.u32 v50, $0x3;
	v50 =	vadd.s32 v6, v39;
	v54 =	vld [tilespmem:s8+$0xFFFFFE70];
	[tilespmem:v44+s28+$0x0] =	vst.idx.msk $0xffff, v40;
	v44 =	vmul.f32 $8.000000000e+00, v57  }
0x180: {  	v0 =	vmov s16;
	v46 =	vmov s30;
	s30 =	simm.s32 $0xE;
	v55 =	vld [tilespmem:s8+$0xFFFFFEB0];
	[tilespmem:v47+s28+$0x0] =	vst.idx.msk $0xffff, v3;
	v3 =	vmul.f32 $8.000000000e+00, v58  }
0x181: {  	v12 =	vmovc v7;
	v2 =	vmov s30;
	v45 =	vadd.s32 v63, v14;
	v57 =	vld [tilespmem:s8+$0xFFFFFEF0];
	[tilespmem:v42+s28+$0x0] =	vst.idx.msk $0xffff, v44;
	v56 =	vmul.f32 $8.000000000e+00, v48  }
0x182: {  	v60 =	vadd.s32 v7, v37;
	v7 =	vmovc v61;
	v61 =	vld [tilespmem:s8+$0xFFFFFF30];
	v42 =	vshrl.u32 v2, $0x3;
	v2 =	vmul.f32 $8.000000000e+00, v53;
	[tilespmem:v51+s28+$0x0] =	vst.idx.msk $0xffff, v3  }
0x183: {  	v24 =	vmov v63;
	s16 =	simm.s32 $0xD;
	v0 =	vshrl.u32 v0, $0x3;
	v63 =	vld [tilespmem:s8+$0xFFFFFF70];
	[tilespmem:v52+s28+$0x0] =	vst.idx.msk $0xffff, v56  }
0x184: {  	v15 =	vmovc v62;
	v62 =	vadd.s32 v62, v36;
	v0 =	vshll.u32 v0, v1;
	v38 =	vmov s16;
	v40 =	vld [tilespmem:s8+$0xFFFFFFB0];
	[tilespmem:v50+s28+$0x0] =	vst.idx.msk $0xffff, v2  }
0x185: {  	v20 =	vmovc v5;
	v58 =	vshrl.u32 v38, $0x3;
	v38 =	vbroadcast v0, $0x0;
	v0 =	vmul.f32 $8.000000000e+00, v54;
	v5 =	vld [tilespmem:$0x1FF60]  }
0x186: {  	v3 =	vadd.s32 v19, v35;
	v2 =	vmul.f32 $8.000000000e+00, v55;
	v56 =	vld [tilespmem:s8+$0x0]  }
0x187: {  	s12 =	simm.s32 $0xA;
	v50 =	vld [tilespmem:s8+$0xFFFFFE40];
	[tilespmem:v45+s28+$0x0] =	vst.idx.msk $0xffff, v0  }
0x188: {  	v49 =	vmov s12;
	v0 =	vmul.f32 $8.000000000e+00, v57;
	v52 =	vld [tilespmem:s8+$0xFFFFFE80];
	[tilespmem:v60+s28+$0x0] =	vst.idx.msk $0xffff, v2  }
0x189: {  	v13 =	vmov v6;
	v49 =	vshrl.u32 v49, $0x3;
	v2 =	vmul.f32 $8.000000000e+00, v61;
	v6 =	vld [tilespmem:$0x1FEF0]  }
0x18a: {  	s15 =	simm.s32 $0xC;
	v44 =	vshll.u32 v49, v1;
	v49 =	vld [tilespmem:s8+$0xFFFFFEC0];
	[tilespmem:v62+s28+$0x0] =	vst.idx.msk $0xffff, v0  }
0x18b: {  	v43 =	vmov s15;
	v46 =	vshrl.u32 v46, $0x3;
	v54 =	vld [tilespmem:s8+$0xFFFFFF00];
	[tilespmem:v3+s28+$0x0] =	vst.idx.msk $0xffff, v2  }
0x18c: {  	v43 =	vshrl.u32 v43, $0x3;
	v47 =	vshll.u32 v46, v1;
	v22 =	vld [tilespmem:$0x1FF50]  }
0x18d: {  	v28 =	vmovc v8;
	v46 =	vshll.u32 v43, v1;
	v53 =	vadd.s32 v32, v41;
	v41 =	vadd.s32 v8, v14;
	v14 =	vld [tilespmem:$0x1FF40]  }
0x18e: {  	v43 =	vshll.u32 v58, v1;
	v51 =	vadd.s32 v27, v34;
	v8 =	vmovc v31;
	v31 =	vmovc v30;
	v30 =	vmov v29;
	v17 =	vld [tilespmem:$0x1FF70]  }
0x18f: {  	v29 =	vmovc v26;
	v26 =	vmovc v18;
	v18 =	vmov v16;
	v45 =	vshll.u32 v59, v1;
	v16 =	vld [tilespmem:$0x1FF80];
	v55 =	vadd.s32 v5, v33  }
0x190: {  	s7 =	simm.s32 $0xF;
	s12 =	simm.s32 $0x10;
	v40 =	vmul.f32 $8.000000000e+00, v40;
	v21 =	vld [tilespmem:$0x1FFB0];
	v23 =	vmovc v5;
	v48 =	vadd.s32 v6, v39;
	v39 =	vmul.f32 $8.000000000e+00, v63;
	v6 =	vmovc v4  }
.LBB2_9:
0x191: {  	_ =	sdelay $0x1  }
0x192: {  	v0 =	vmov s7;
	v2 =	vadd.s32 v22, v37;
	v3 =	vld [tilespmem:s8+$0xFFFFFF40]  }
0x193: {  	v4 =	vld [tilespmem:$0x1FFC0];
	[tilespmem:v55+s28+$0x0] =	vst.idx.msk $0xffff, v39;
	v0 =	vshrl.u32 v0, $0x3;
	v63 =	vmul.f32 $8.000000000e+00, v56;
	v56 =	vmul.f32 $8.000000000e+00, v50  }
0x194: {  	v36 =	vadd.s32 v21, v36;
	[tilespmem:v51+s28+$0x0] =	vst.idx.msk $0xffff, v40;
	v57 =	vld [tilespmem:s8+$0xFFFFFF80];
	v0 =	vshll.u32 v0, v1  }
0x195: {  	v59 =	vld [tilespmem:s8+$0xFFFFFFC0];
	s8 =	sadd.s32 $0x200, s8;
	v40 =	vbroadcast v0, $0x0;
	v0 =	vmul.f32 $8.000000000e+00, v49;
	[tilespmem:v48+s28+$0x0] =	vst.idx.msk $0xffff, v56  }
0x196: {  	v35 =	vadd.s32 v14, v35;
	v39 =	vmov v38;
	v58 =	vmul.f32 $8.000000000e+00, v52;
	[tilespmem:v53+s28+$0x0] =	vst.idx.msk $0xffff, v63;
	v38 =	vld [tilespmem:s8+$0xFFFFFE10]  }
0x197: {  	v33 =	vadd.s32 v17, v33;
	v61 =	vmul.f32 $8.000000000e+00, v54;
	[tilespmem:v2+s28+$0x0] =	vst.idx.msk $0xffff, v0;
	v53 =	vld [tilespmem:s8+$0xFFFFFFD0]  }
0x198: {  	[tilespmem:v41+s28+$0x0] =	vst.idx.msk $0xffff, v58;
	v0 =	vmul.f32 $8.000000000e+00, v3;
	v2 =	vadd.s32 v6, v39;
	v3 =	vld [tilespmem:s8+$0xFFFFFE90]  }
0x199: {  	v34 =	vadd.s32 v16, v34;
	v41 =	vbroadcast v47, $0x0;
	[tilespmem:v36+s28+$0x0] =	vst.idx.msk $0xffff, v61;
	v36 =	vbroadcast v45, $0x0;
	v62 =	vld [tilespmem:s8+$0xFFFFFE50]  }
0x19a: {  	v37 =	vbroadcast v44, $0x0;
	v63 =	vadd.s32 v30, v40;
	v60 =	vmul.f32 $8.000000000e+00, v57;
	v61 =	vld [tilespmem:s8+$0xFFFFFED0]  }
0x19b: {  	v48 =	vadd.s32 v9, v41;
	[tilespmem:v35+s28+$0x0] =	vst.idx.msk $0xffff, v0;
	v44 =	vadd.s32 v4, v36;
	v4 =	vld [tilespmem:$0x1FFE0];
	v38 =	vmul.f32 $8.000000000e+00, v38  }
0x19c: {  	v0 =	vmul.f32 $8.000000000e+00, v59;
	v35 =	vbroadcast v46, $0x0;
	v51 =	vld [tilespmem:s8+$0xFFFFFF10];
	[tilespmem:v33+s28+$0x0] =	vst.idx.msk $0xffff, v60  }
0x19d: {  	v45 =	vadd.s32 v10, v37;
	v56 =	vmul.f32 $8.000000000e+00, v53;
	[tilespmem:v2+s28+$0x0] =	vst.idx.msk $0xffff, v38;
	v2 =	vmul.f32 $8.000000000e+00, v3;
	v3 =	vld [tilespmem:$0x1FFD0]  }
0x19e: {  	v42 =	vshll.u32 v42, v1;
	v57 =	vld [tilespmem:s8+$0xFFFFFF50];
	[tilespmem:v34+s28+$0x0] =	vst.idx.msk $0xffff, v0;
	v0 =	vmul.f32 $8.000000000e+00, v62  }
0x19f: {  	v58 =	vadd.s32 v18, v35;
	v34 =	vbroadcast v42, $0x0;
	v59 =	vld [tilespmem:s8+$0xFFFFFF90];
	[tilespmem:v63+s28+$0x0] =	vst.idx.msk $0xffff, v56  }
0x1a0: {  	v33 =	vbroadcast v43, $0x0;
	[tilespmem:v48+s28+$0x0] =	vst.idx.msk $0xffff, v0;
	v63 =	vld [tilespmem:s8+$0xFFFFFFE0]  }
0x1a1: {  	v47 =	vadd.s32 v25, v34;
	v0 =	vmul.f32 $8.000000000e+00, v61;
	v61 =	vld [tilespmem:s8+$0xFFFFFE60]  }
0x1a2: {  	v60 =	vld [tilespmem:s8+$0xFFFFFE20];
	[tilespmem:v45+s28+$0x0] =	vst.idx.msk $0xffff, v2;
	v2 =	vmul.f32 $8.000000000e+00, v51;
	v3 =	vadd.s32 v3, v33  }
0x1a3: {  	v62 =	vmov s12;
	[tilespmem:v44+s28+$0x0] =	vst.idx.msk $0xffff, v0  }
0x1a4: {  	v52 =	vadd.s32 v20, v41;
	v42 =	vshrl.u32 v62, $0x3;
	v62 =	vld [tilespmem:s8+$0xFFFFFEA0];
	[tilespmem:v58+s28+$0x0] =	vst.idx.msk $0xffff, v2;
	v2 =	vmul.f32 $8.000000000e+00, v59  }
0x1a5: {  	v45 =	vadd.s32 v31, v40;
	v0 =	vmul.f32 $8.000000000e+00, v57;
	v55 =	vld [tilespmem:s8+$0xFFFFFEE0]  }
0x1a6: {  	v49 =	vadd.s32 v11, v37;
	v53 =	vadd.s32 v7, v39;
	v56 =	vld [tilespmem:s8+$0xFFFFFF20];
	[tilespmem:v47+s28+$0x0] =	vst.idx.msk $0xffff, v2;
	v61 =	vmul.f32 $8.000000000e+00, v61  }
0x1a7: {  	[tilespmem:v3+s28+$0x0] =	vst.idx.msk $0xffff, v0;
	v0 =	vmul.f32 $8.000000000e+00, v63;
	v63 =	vmul.f32 $8.000000000e+00, v60;
	v60 =	vadd.s32 v4, v36;
	v4 =	vld [tilespmem:$0x1FFF0]  }
0x1a8: {  	s15 =	sadd.s32 $0x4, s12;
	v58 =	vld [tilespmem:s8+$0xFFFFFFA0]  }
0x1a9: {  	v43 =	vmov s15;
	v50 =	vadd.s32 v26, v35;
	[tilespmem:v52+s28+$0x0] =	vst.idx.msk $0xffff, v61;
	v57 =	vld [tilespmem:s8+$0xFFFFFF60]  }
0x1aa: {  	s16 =	sadd.s32 $0x1, s12;
	v43 =	vshrl.u32 v43, $0x3;
	v62 =	vmul.f32 $8.000000000e+00, v62;
	[tilespmem:v45+s28+$0x0] =	vst.idx.msk $0xffff, v0  }
0x1ab: {  	v48 =	vmov s16;
	v52 =	vadd.s32 v29, v34;
	[tilespmem:v53+s28+$0x0] =	vst.idx.msk $0xffff, v63;
	v63 =	vmul.f32 $8.000000000e+00, v55;
	v45 =	vld [tilespmem:s8+$0xFFFFFFF0]  }
0x1ac: {  	s14 =	sadd.s32 $0x3, s12;
	v54 =	vld [tilespmem:s8+$0xFFFFFE70];
	[tilespmem:v49+s28+$0x0] =	vst.idx.msk $0xffff, v62;
	v38 =	vmul.f32 $8.000000000e+00, v56;
	v0 =	vshll.u32 v42, v1;
	v42 =	vadd.s32 v4, v33  }
0x1ad: {  	v48 =	vshrl.u32 v48, $0x3;
	v44 =	vmov s14;
	v49 =	vadd.s32 v8, v40;
	v53 =	vld [tilespmem:s8+$0xFFFFFE30];
	[tilespmem:v60+s28+$0x0] =	vst.idx.msk $0xffff, v63  }
0x1ae: {  	s30 =	sadd.s32 $0x2, s12;
	[tilespmem:v50+s28+$0x0] =	vst.idx.msk $0xffff, v38;
	v50 =	vmul.f32 $8.000000000e+00, v58;
	v46 =	vmul.f32 $8.000000000e+00, v57;
	v57 =	vadd.s32 v24, v41;
	v60 =	vld [tilespmem:s8+$0xFFFFFEF0]  }
0x1af: {  	v51 =	vmov s30;
	s30 =	sadd.s32 $0x6, s12;
	v59 =	vshrl.u32 v44, $0x3;
	v44 =	vadd.s32 v13, v39;
	v55 =	vld [tilespmem:s8+$0xFFFFFEB0]  }
0x1b0: {  	v2 =	vmov s30;
	v62 =	vadd.s32 v15, v36;
	v61 =	vld [tilespmem:s8+$0xFFFFFF30];
	[tilespmem:v52+s28+$0x0] =	vst.idx.msk $0xffff, v50;
	v45 =	vmul.f32 $8.000000000e+00, v45  }
0x1b1: {  	v58 =	vadd.s32 v12, v37;
	v38 =	vbroadcast v0, $0x0;
	v0 =	vmul.f32 $8.000000000e+00, v54;
	v5 =	vld [tilespmem:s8+$0xFFFFFFB0];
	[tilespmem:v42+s28+$0x0] =	vst.idx.msk $0xffff, v46  }
0x1b2: {  	v42 =	vshrl.u32 v2, $0x3;
	v2 =	vmul.f32 $8.000000000e+00, v53;
	[tilespmem:v49+s28+$0x0] =	vst.idx.msk $0xffff, v45;
	v45 =	vshll.u32 v59, v1;
	v59 =	vld [tilespmem:$0x1FEF0]  }
0x1b3: {  	p0 =	slt.u32 s12, $0x78;
	s16 =	sadd.s32 $0x5, s12;
	v51 =	vshrl.u32 v51, $0x3;
	v4 =	vadd.s32 v19, v35;
	v63 =	vld [tilespmem:s8+$0xFFFFFF70];
	[tilespmem:v57+s28+$0x0] =	vst.idx.msk $0xffff, v0;
	v0 =	vmul.f32 $8.000000000e+00, v60  }
.Ltmp3:
0x1b4: {  	v47 =	vshll.u32 v48, v1;
	v3 =	vmov s16;
	v56 =	vld [tilespmem:s8+$0x0];
	[tilespmem:v44+s28+$0x0] =	vst.idx.msk $0xffff, v2;
	v2 =	vmul.f32 $8.000000000e+00, v55;
	(pc) =	sbr.rel @p0 .LBB2_9-.Ltmp3, $4  }
0x1b5: {  	v3 =	vshrl.u32 v3, $0x3;
	v41 =	vadd.s32 v28, v41;
	v53 =	vadd.s32 v32, v40;
	v52 =	vld [tilespmem:s8+$0xFFFFFE80];
	[tilespmem:v62+s28+$0x0] =	vst.idx.msk $0xffff, v0  }
0x1b6: {  	v46 =	vshll.u32 v43, v1;
	v43 =	vshll.u32 v3, v1;
	v50 =	vld [tilespmem:s8+$0xFFFFFE40];
	[tilespmem:v58+s28+$0x0] =	vst.idx.msk $0xffff, v2;
	v2 =	vmul.f32 $8.000000000e+00, v61  }
0x1b7: {  	v40 =	vmul.f32 $8.000000000e+00, v5;
	v55 =	vadd.s32 v23, v33;
	v44 =	vshll.u32 v51, v1;
	v54 =	vld [tilespmem:s8+$0xFFFFFF00]  }
0x1b8: {  	s7 =	sadd.s32 $0x7, s12;
	s12 =	sadd.s32 $0x8, s12;
	v51 =	vadd.s32 v27, v34;
	v48 =	vadd.s32 v59, v39;
	v49 =	vld [tilespmem:s8+$0xFFFFFEC0];
	v39 =	vmul.f32 $8.000000000e+00, v63;
	[tilespmem:v4+s28+$0x0] =	vst.idx.msk $0xffff, v2  }
0x1b9: {  	_ =	sdelay $0x3  }
0x1ba: {  	v0 =	vmov s7;
	v2 =	vadd.s32 v22, v37;
	v3 =	vld [tilespmem:s8+$0xFFFFFF40];
	v4 =	vmul.f32 $8.000000000e+00, v56;
	[tilespmem:v55+s28+$0x0] =	vst.idx.msk $0xffff, v39  }
0x1bb: {  	v36 =	vadd.s32 v21, v36;
	[tilespmem:v51+s28+$0x0] =	vst.idx.msk $0xffff, v40;
	v0 =	vshrl.u32 v0, $0x3;
	v5 =	vmul.f32 $8.000000000e+00, v50;
	v57 =	vld [tilespmem:s8+$0xFFFFFF80]  }
0x1bc: {  	v35 =	vadd.s32 v14, v35;
	s16 =	sadd.s32 $0x200, s8;
	v58 =	vmul.f32 $8.000000000e+00, v52;
	v40 =	vld [tilespmem:s8+$0xFFFFFFC0];
	v0 =	vshll.u32 v0, v1;
	[tilespmem:v53+s28+$0x0] =	vst.idx.msk $0xffff, v4  }
0x1bd: {  	v33 =	vadd.s32 v17, v33;
	v4 =	vld [tilespmem:s16+$0xFFFFFFD0];
	v0 =	vbroadcast v0, $0x0;
	[tilespmem:v48+s28+$0x0] =	vst.idx.msk $0xffff, v5;
	v5 =	vmul.f32 $8.000000000e+00, v49  }
0x1be: {  	v34 =	vadd.s32 v16, v34;
	v60 =	vld [tilespmem:s16+$0xFFFFFE10];
	[tilespmem:v41+s28+$0x0] =	vst.idx.msk $0xffff, v58;
	v62 =	vmul.f32 $8.000000000e+00, v54  }
0x1bf: {  	v49 =	vadd.s32 v30, v0;
	[tilespmem:v2+s28+$0x0] =	vst.idx.msk $0xffff, v5;
	v2 =	vmul.f32 $8.000000000e+00, v3  }
0x1c0: {  	[tilespmem:v36+s28+$0x0] =	vst.idx.msk $0xffff, v62;
	v3 =	vadd.s32 v6, v38;
	v63 =	vmul.f32 $8.000000000e+00, v57  }
0x1c1: {  	[tilespmem:v35+s28+$0x0] =	vst.idx.msk $0xffff, v2;
	v2 =	vmul.f32 $8.000000000e+00, v40  }
0x1c2: {  	v4 =	vmul.f32 $8.000000000e+00, v4;
	[tilespmem:v33+s28+$0x0] =	vst.idx.msk $0xffff, v63  }
0x1c3: {  	v60 =	vmul.f32 $8.000000000e+00, v60;
	v56 =	vld [tilespmem:$0x1FFC0];
	[tilespmem:v34+s28+$0x0] =	vst.idx.msk $0xffff, v2  }
0x1c4: {  	v41 =	vld [tilespmem:s16+$0xFFFFFE50];
	[tilespmem:v49+s28+$0x0] =	vst.idx.msk $0xffff, v4  }
0x1c5: {  	v47 =	vbroadcast v47, $0x0;
	v5 =	vld [tilespmem:s16+$0xFFFFFE90];
	[tilespmem:v3+s28+$0x0] =	vst.idx.msk $0xffff, v60  }
0x1c6: {  	v44 =	vbroadcast v44, $0x0;
	v55 =	vmov v21;
	v21 =	vld [tilespmem:$0x1FFD0]  }
0x1c7: {  	v45 =	vbroadcast v45, $0x0;
	v37 =	vadd.s32 v9, v47;
	v53 =	vld [tilespmem:s16+$0xFFFFFED0]  }
0x1c8: {  	v46 =	vbroadcast v46, $0x0;
	v35 =	vadd.s32 v10, v44;
	v40 =	vld [tilespmem:s16+$0xFFFFFF10]  }
0x1c9: {  	v42 =	vshll.u32 v42, v1;
	v43 =	vbroadcast v43, $0x0;
	v63 =	vld [tilespmem:s16+$0xFFFFFF50];
	v62 =	vadd.s32 v56, v45  }
0x1ca: {  	v42 =	vbroadcast v42, $0x0;
	v2 =	vmul.f32 $8.000000000e+00, v41;
	v34 =	vadd.s32 v18, v46;
	v41 =	vld [tilespmem:s16+$0xFFFFFF90]  }
0x1cb: {  	v3 =	vmul.f32 $8.000000000e+00, v5;
	v5 =	vld [tilespmem:s16+$0xFFFFFFE0];
	v4 =	vadd.s32 v21, v43  }
0x1cc: {  	v33 =	vld [tilespmem:s16+$0xFFFFFE20];
	[tilespmem:v37+s28+$0x0] =	vst.idx.msk $0xffff, v2;
	v2 =	vmul.f32 $8.000000000e+00, v53;
	v53 =	vadd.s32 v25, v42  }
0x1cd: {  	[tilespmem:v35+s28+$0x0] =	vst.idx.msk $0xffff, v3;
	v3 =	vmul.f32 $8.000000000e+00, v40;
	v35 =	vadd.s32 v31, v0  }
0x1ce: {  	v40 =	vadd.s32 v7, v38;
	[tilespmem:v62+s28+$0x0] =	vst.idx.msk $0xffff, v2;
	v2 =	vmul.f32 $8.000000000e+00, v63  }
0x1cf: {  	[tilespmem:v34+s28+$0x0] =	vst.idx.msk $0xffff, v3;
	v3 =	vmul.f32 $8.000000000e+00, v41  }
0x1d0: {  	[tilespmem:v4+s28+$0x0] =	vst.idx.msk $0xffff, v2;
	v2 =	vmul.f32 $8.000000000e+00, v5  }
0x1d1: {  	v50 =	vmov v14;
	v4 =	vmul.f32 $8.000000000e+00, v33;
	v14 =	vld [tilespmem:$0x1FFE0];
	[tilespmem:v53+s28+$0x0] =	vst.idx.msk $0xffff, v3  }
0x1d2: {  	v54 =	vld [tilespmem:s16+$0xFFFFFE60];
	[tilespmem:v35+s28+$0x0] =	vst.idx.msk $0xffff, v2  }
0x1d3: {  	v49 =	vld [tilespmem:s16+$0xFFFFFEA0];
	[tilespmem:v40+s28+$0x0] =	vst.idx.msk $0xffff, v4  }
0x1d4: {  	v61 =	vmov v22;
	v22 =	vld [tilespmem:$0x1FFF0]  }
0x1d5: {  	v36 =	vadd.s32 v20, v47;
	v57 =	vld [tilespmem:s16+$0xFFFFFEE0]  }
0x1d6: {  	v62 =	vadd.s32 v11, v44;
	v63 =	vld [tilespmem:s16+$0xFFFFFF20]  }
0x1d7: {  	v33 =	vld [tilespmem:s16+$0xFFFFFF60];
	v5 =	vadd.s32 v14, v45  }
0x1d8: {  	v3 =	vmul.f32 $8.000000000e+00, v54;
	v53 =	vadd.s32 v26, v46;
	v54 =	vld [tilespmem:s16+$0xFFFFFFA0]  }
0x1d9: {  	v2 =	vmul.f32 $8.000000000e+00, v49;
	v35 =	vld [tilespmem:s16+$0xFFFFFFF0];
	v4 =	vadd.s32 v22, v43  }
0x1da: {  	v40 =	vld [tilespmem:s16+$0xFFFFFE30];
	[tilespmem:v36+s28+$0x0] =	vst.idx.msk $0xffff, v3;
	v36 =	vadd.s32 v29, v42;
	v3 =	vmul.f32 $8.000000000e+00, v57  }
0x1db: {  	v34 =	vadd.s32 v8, v0;
	v57 =	vld [tilespmem:s16+$0xFFFFFE70];
	[tilespmem:v62+s28+$0x0] =	vst.idx.msk $0xffff, v2;
	v2 =	vmul.f32 $8.000000000e+00, v63  }
0x1dc: {  	v41 =	vadd.s32 v13, v38;
	v49 =	vld [tilespmem:s16+$0xFFFFFEB0];
	[tilespmem:v5+s28+$0x0] =	vst.idx.msk $0xffff, v3;
	v3 =	vmul.f32 $8.000000000e+00, v33  }
0x1dd: {  	[tilespmem:v53+s28+$0x0] =	vst.idx.msk $0xffff, v2;
	v2 =	vmul.f32 $8.000000000e+00, v54;
	v5 =	vadd.s32 v24, v47;
	v33 =	vld [tilespmem:s16+$0xFFFFFEF0]  }
0x1de: {  	v37 =	vadd.s32 v12, v44;
	v39 =	vld [tilespmem:s16+$0xFFFFFF30];
	[tilespmem:v4+s28+$0x0] =	vst.idx.msk $0xffff, v3;
	v3 =	vmul.f32 $8.000000000e+00, v35  }
0x1df: {  	v53 =	vadd.s32 v15, v45;
	[tilespmem:v36+s28+$0x0] =	vst.idx.msk $0xffff, v2;
	v4 =	vmul.f32 $8.000000000e+00, v40;
	v54 =	vld [tilespmem:s16+$0xFFFFFF70]  }
0x1e0: {  	v2 =	vmul.f32 $8.000000000e+00, v57;
	v36 =	vadd.s32 v19, v46;
	v57 =	vld [tilespmem:s16+$0xFFFFFFB0];
	[tilespmem:v34+s28+$0x0] =	vst.idx.msk $0xffff, v3  }
0x1e1: {  	[tilespmem:v41+s28+$0x0] =	vst.idx.msk $0xffff, v4;
	v3 =	vmul.f32 $8.000000000e+00, v49;
	v4 =	vadd.s32 v23, v43;
	v34 =	vld [tilespmem:s16+$0x0]  }
0x1e2: {  	v41 =	vld [tilespmem:s16+$0xFFFFFE40];
	[tilespmem:v5+s28+$0x0] =	vst.idx.msk $0xffff, v2;
	v5 =	vadd.s32 v27, v42;
	v2 =	vmul.f32 $8.000000000e+00, v33  }
0x1e3: {  	v0 =	vadd.s32 v32, v0;
	v49 =	vld [tilespmem:s16+$0xFFFFFE80];
	[tilespmem:v37+s28+$0x0] =	vst.idx.msk $0xffff, v3;
	v3 =	vmul.f32 $8.000000000e+00, v39  }
0x1e4: {  	v37 =	vadd.s32 v59, v38;
	v38 =	vld [tilespmem:s16+$0xFFFFFEC0];
	[tilespmem:v53+s28+$0x0] =	vst.idx.msk $0xffff, v2;
	v2 =	vmul.f32 $8.000000000e+00, v54  }
0x1e5: {  	v53 =	vadd.s32 v28, v47;
	[tilespmem:v36+s28+$0x0] =	vst.idx.msk $0xffff, v3;
	v3 =	vmul.f32 $8.000000000e+00, v57;
	v54 =	vld [tilespmem:s16+$0xFFFFFF00]  }
0x1e6: {  	v57 =	vadd.s32 v61, v44;
	v44 =	vld [tilespmem:s16+$0xFFFFFF40];
	[tilespmem:v4+s28+$0x0] =	vst.idx.msk $0xffff, v2;
	v2 =	vmul.f32 $8.000000000e+00, v34  }
0x1e7: {  	v47 =	vadd.s32 v55, v45;
	v4 =	vmul.f32 $8.000000000e+00, v41;
	[tilespmem:v5+s28+$0x0] =	vst.idx.msk $0xffff, v3;
	v48 =	vld [tilespmem:s16+$0xFFFFFF80]  }
0x1e8: {  	v52 =	vmov v17;
	v5 =	vadd.s32 v50, v46;
	v3 =	vmul.f32 $8.000000000e+00, v49;
	v49 =	vld [tilespmem:s16+$0xFFFFFFC0];
	[tilespmem:v0+s28+$0x0] =	vst.idx.msk $0xffff, v2  }
0x1e9: {  	[tilespmem:v37+s28+$0x0] =	vst.idx.msk $0xffff, v4;
	v0 =	vmul.f32 $8.000000000e+00, v38;
	v2 =	vadd.s32 v52, v43  }
0x1ea: {  	v4 =	vadd.s32 v16, v42;
	[tilespmem:v53+s28+$0x0] =	vst.idx.msk $0xffff, v3;
	v3 =	vmul.f32 $8.000000000e+00, v54  }
0x1eb: {  	[tilespmem:v57+s28+$0x0] =	vst.idx.msk $0xffff, v0;
	v0 =	vmul.f32 $8.000000000e+00, v44  }
0x1ec: {  	s30 =	simm.s32 $0x0;
	[tilespmem:v47+s28+$0x0] =	vst.idx.msk $0xffff, v3;
	v3 =	vmul.f32 $8.000000000e+00, v48  }
0x1ed: {  	[tilespmem:v5+s28+$0x0] =	vst.idx.msk $0xffff, v0;
	v0 =	vmul.f32 $8.000000000e+00, v49;
	v5 =	vmov s30  }
0x1ee: {  	[tilespmem:v2+s28+$0x0] =	vst.idx.msk $0xffff, v3;
	v2 =	vshrl.u32 v5, $0x3  }
0x1ef: {  	s14 =	simm.s32 $0x6200;
	[tilespmem:v4+s28+$0x0] =	vst.idx.msk $0xffff, v0;
	v0 =	vshll.u32 v2, $0x3  }
0x1f0: {  	v2 =	vld [tilespmem:s14+$0x80];
	v38 =	vbroadcast v0, $0x0  }
0x1f1: {  	v58 =	vmov v9;
	v9 =	vmov v10  }
0x1f2: {  	v0 =	vld [tilespmem:s14+$0x100];
	v3 =	vadd.s32 v9, v38  }
0x1f3: {  	v17 =	vmov v18;
	v4 =	vld [tilespmem:s14+$0x0]  }
0x1f4: {  	v63 =	vmov v24;
	v24 =	vmov v52;
	v52 =	vld [tilespmem:s14+$0xC0];
	v5 =	vadd.s32 v17, v38  }
0x1f5: {  	v34 =	vld [tilespmem:s14+$0x180];
	v2 =	vmul.f32 $8.000000000e+00, v2  }
0x1f6: {  	v37 =	vld [tilespmem:s14+$0x1C0];
	v53 =	vadd.s32 v6, v38  }
0x1f7: {  	v62 =	vmovc v13;
	v13 =	vmov v55;
	v55 =	vld [tilespmem:s14+$0x40];
	v54 =	vadd.s32 v56, v38;
	v0 =	vmul.f32 $8.000000000e+00, v0;
	[tilespmem:v3+s29+$0x0] =	vst.idx.msk $0xffff, v2  }
0x1f8: {  	v51 =	vmov v30;
	v2 =	vadd.s32 v25, v38;
	v3 =	vld [tilespmem:s14+$0x90]  }
0x1f9: {  	v10 =	vmov v11;
	v46 =	vld [tilespmem:s14+$0x140];
	v57 =	vadd.s32 v51, v38;
	v4 =	vmul.f32 $8.000000000e+00, v4;
	[tilespmem:v5+s29+$0x0] =	vst.idx.msk $0xffff, v0  }
0x1fa: {  	s8 =	simm.s32 $0x6400;
	v0 =	vmul.f32 $8.000000000e+00, v52;
	v5 =	vadd.s32 v10, v38;
	v45 =	vld [tilespmem:s14+$0x110]  }
0x1fb: {  	v18 =	vmov v26;
	v39 =	vld [tilespmem:s8+$0x40];
	v47 =	vadd.s32 v58, v38;
	[tilespmem:v53+s29+$0x0] =	vst.idx.msk $0xffff, v4;
	v4 =	vmul.f32 $8.000000000e+00, v34  }
0x1fc: {  	s12 =	simm.s32 $0x8;
	v40 =	vld [tilespmem:s8+$0x140];
	v49 =	vadd.s32 v18, v38;
	[tilespmem:v54+s29+$0x0] =	vst.idx.msk $0xffff, v0;
	v0 =	vmul.f32 $8.000000000e+00, v37  }
0x1fd: {  	v43 =	vld [tilespmem:s8+$0x100];
	v53 =	vmov s12;
	[tilespmem:v2+s29+$0x0] =	vst.idx.msk $0xffff, v4;
	v2 =	vmul.f32 $8.000000000e+00, v3  }
0x1fe: {  	v48 =	vld [tilespmem:s14+$0x10];
	v33 =	vshrl.u32 v53, $0x3;
	[tilespmem:v57+s29+$0x0] =	vst.idx.msk $0xffff, v0;
	v3 =	vmul.f32 $8.000000000e+00, v55  }
0x1ff: {  	v33 =	vshll.u32 v33, $0x3;
	v36 =	vld [tilespmem:s14+$0xD0];
	[tilespmem:v5+s29+$0x0] =	vst.idx.msk $0xffff, v2;
	v2 =	vmul.f32 $8.000000000e+00, v45  }
0x200: {  	v52 =	vadd.s32 v7, v38;
	v33 =	vbroadcast v33, $0x0;
	v0 =	vld [tilespmem:s14+$0x1D0];
	[tilespmem:v47+s29+$0x0] =	vst.idx.msk $0xffff, v3  }
0x201: {  	v5 =	vld [tilespmem:s14+$0x50];
	[tilespmem:v49+s29+$0x0] =	vst.idx.msk $0xffff, v2;
	v2 =	vadd.s32 v21, v38  }
0x202: {  	v53 =	vadd.s32 v58, v33;
	v3 =	vld [tilespmem:s14+$0xA0]  }
0x203: {  	v54 =	vadd.s32 v20, v38;
	v34 =	vmul.f32 $8.000000000e+00, v48;
	v35 =	vld [tilespmem:s14+$0x120]  }
0x204: {  	v41 =	vmul.f32 $8.000000000e+00, v46;
	v57 =	vadd.s32 v12, v38;
	v4 =	vld [tilespmem:s14+$0x190]  }
0x205: {  	v39 =	vmul.f32 $8.000000000e+00, v39;
	v55 =	vadd.s32 v19, v38;
	v45 =	vld [tilespmem:s8+$0x80];
	[tilespmem:v52+s29+$0x0] =	vst.idx.msk $0xffff, v34  }
0x206: {  	v30 =	vmov v31;
	v47 =	vadd.s32 v14, v38;
	v5 =	vmul.f32 $8.000000000e+00, v5;
	[tilespmem:v2+s29+$0x0] =	vst.idx.msk $0xffff, v41;
	v2 =	vld [tilespmem:s8+$0x0]  }
0x207: {  	v34 =	vld [tilespmem:s8+$0x180];
	[tilespmem:v53+s29+$0x0] =	vst.idx.msk $0xffff, v39;
	v3 =	vmul.f32 $8.000000000e+00, v3;
	v41 =	vadd.s32 v30, v38  }
0x208: {  	v26 =	vmov v29;
	v52 =	vadd.s32 v6, v33;
	v35 =	vmul.f32 $8.000000000e+00, v35;
	[tilespmem:v54+s29+$0x0] =	vst.idx.msk $0xffff, v5;
	v5 =	vld [tilespmem:s14+$0x150]  }
0x209: {  	v54 =	vld [tilespmem:s8+$0xC0];
	[tilespmem:v57+s29+$0x0] =	vst.idx.msk $0xffff, v3;
	v3 =	vmul.f32 $8.000000000e+00, v36;
	v57 =	vadd.s32 v26, v38  }
0x20a: {  	v0 =	vmul.f32 $8.000000000e+00, v0;
	v44 =	vld [tilespmem:s14+$0x60];
	[tilespmem:v55+s29+$0x0] =	vst.idx.msk $0xffff, v35;
	v55 =	vadd.s32 v22, v38  }
0x20b: {  	[tilespmem:v47+s29+$0x0] =	vst.idx.msk $0xffff, v3;
	v3 =	vadd.s32 v56, v33;
	v46 =	vld [tilespmem:s14+$0x130];
	v2 =	vmul.f32 $8.000000000e+00, v2  }
0x20c: {  	v37 =	vadd.s32 v21, v33;
	v4 =	vmul.f32 $8.000000000e+00, v4;
	[tilespmem:v41+s29+$0x0] =	vst.idx.msk $0xffff, v0;
	v41 =	vld [tilespmem:s8+$0x1C0]  }
0x20d: {  	v0 =	vadd.s32 v9, v33;
	v5 =	vmul.f32 $8.000000000e+00, v5;
	[tilespmem:v52+s29+$0x0] =	vst.idx.msk $0xffff, v2;
	v2 =	vld [tilespmem:s14+$0xE0]  }
0x20e: {  	v39 =	vadd.s32 v17, v33;
	v53 =	vmul.f32 $8.000000000e+00, v54;
	[tilespmem:v57+s29+$0x0] =	vst.idx.msk $0xffff, v4;
	v47 =	vld [tilespmem:s8+$0x10]  }
0x20f: {  	v4 =	vadd.s32 v25, v33;
	v54 =	vmul.f32 $8.000000000e+00, v40;
	[tilespmem:v55+s29+$0x0] =	vst.idx.msk $0xffff, v5;
	v5 =	vld [tilespmem:s14+$0x1E0]  }
0x210: {  	v52 =	vmul.f32 $8.000000000e+00, v45;
	v45 =	vadd.s32 v15, v38;
	[tilespmem:v3+s29+$0x0] =	vst.idx.msk $0xffff, v53;
	v3 =	vld [tilespmem:s14+$0xB0]  }
0x211: {  	v31 =	vmov v8;
	v55 =	vmul.f32 $8.000000000e+00, v43;
	v43 =	vadd.s32 v51, v33;
	[tilespmem:v37+s29+$0x0] =	vst.idx.msk $0xffff, v54;
	v37 =	vld [tilespmem:s14+$0x20]  }
0x212: {  	v42 =	vadd.s32 v31, v38;
	v53 =	vmul.f32 $8.000000000e+00, v34;
	v48 =	vld [tilespmem:s14+$0x160];
	[tilespmem:v0+s29+$0x0] =	vst.idx.msk $0xffff, v52  }
0x213: {  	v52 =	vadd.s32 v7, v33;
	[tilespmem:v39+s29+$0x0] =	vst.idx.msk $0xffff, v55;
	v57 =	vld [tilespmem:s8+$0x90];
	v2 =	vmul.f32 $8.000000000e+00, v2  }
0x214: {  	v0 =	vld [tilespmem:s14+$0x1A0];
	v39 =	vadd.s32 v63, v38;
	v54 =	vmul.f32 $8.000000000e+00, v41;
	[tilespmem:v4+s29+$0x0] =	vst.idx.msk $0xffff, v53  }
0x215: {  	v34 =	vld [tilespmem:s8+$0xD0];
	v5 =	vmul.f32 $8.000000000e+00, v5;
	[tilespmem:v45+s29+$0x0] =	vst.idx.msk $0xffff, v2;
	v2 =	vadd.s32 v10, v33  }
0x216: {  	v35 =	vld [tilespmem:s8+$0x190];
	v55 =	vmul.f32 $8.000000000e+00, v47;
	[tilespmem:v43+s29+$0x0] =	vst.idx.msk $0xffff, v54;
	v45 =	vadd.s32 v27, v38  }
0x217: {  	v40 =	vadd.s32 v62, v38;
	[tilespmem:v42+s29+$0x0] =	vst.idx.msk $0xffff, v5;
	v5 =	vld [tilespmem:s8+$0x110];
	v42 =	vmul.f32 $8.000000000e+00, v44  }
0x218: {  	v41 =	vadd.s32 v61, v38;
	v43 =	vld [tilespmem:s8+$0x50];
	[tilespmem:v52+s29+$0x0] =	vst.idx.msk $0xffff, v55;
	v57 =	vmul.f32 $8.000000000e+00, v57  }
0x219: {  	v49 =	vadd.s32 v23, v38;
	v4 =	vld [tilespmem:s14+$0xF0];
	v0 =	vmul.f32 $8.000000000e+00, v0;
	[tilespmem:v39+s29+$0x0] =	vst.idx.msk $0xffff, v42  }
0x21a: {  	v60 =	vmov v20;
	v11 =	vmov v12;
	v44 =	vld [tilespmem:s14+$0x1F0];
	[tilespmem:v2+s29+$0x0] =	vst.idx.msk $0xffff, v57;
	v2 =	vmul.f32 $8.000000000e+00, v37  }
0x21b: {  	v12 =	vmovc v61;
	v3 =	vmul.f32 $8.000000000e+00, v3;
	v61 =	vmul.f32 $8.000000000e+00, v48;
	v42 =	vadd.s32 v18, v33;
	v53 =	vld [tilespmem:s14+$0x70];
	[tilespmem:v45+s29+$0x0] =	vst.idx.msk $0xffff, v0  }
0x21c: {  	v8 =	vmovc v28;
	v29 =	vmov v51;
	v52 =	vld [tilespmem:s8+$0x1D0];
	v57 =	vadd.s32 v50, v38;
	[tilespmem:v40+s29+$0x0] =	vst.idx.msk $0xffff, v2;
	v2 =	vmul.f32 $8.000000000e+00, v5  }
0x21d: {  	v20 =	vmov v50;
	v36 =	vadd.s32 v14, v33;
	v51 =	vadd.s32 v32, v38;
	[tilespmem:v41+s29+$0x0] =	vst.idx.msk $0xffff, v3;
	v50 =	vld [tilespmem:s14+$0x1B0]  }
0x21e: {  	v47 =	vadd.s32 v28, v38;
	v48 =	vadd.s32 v59, v38;
	[tilespmem:v49+s29+$0x0] =	vst.idx.msk $0xffff, v61;
	v0 =	vmul.f32 $8.000000000e+00, v46;
	v46 =	vld [tilespmem:s14+$0x30]  }
0x21f: {  	v28 =	vmovc v16;
	v49 =	vadd.s32 v16, v38;
	v61 =	vmovc v9;
	v37 =	vadd.s32 v26, v33;
	v39 =	vld [tilespmem:s8+$0xA0];
	v40 =	vmul.f32 $8.000000000e+00, v4  }
0x220: {  	v45 =	vld [tilespmem:s14+$0x170];
	v54 =	vmul.f32 $8.000000000e+00, v44;
	v44 =	vadd.s32 v24, v38;
	[tilespmem:v42+s29+$0x0] =	vst.idx.msk $0xffff, v2;
	v53 =	vmul.f32 $8.000000000e+00, v53;
	v2 =	vmovc v13  }
0x221: {  	s14 =	simm.s32 $0x6600;
	v42 =	vmul.f32 $8.000000000e+00, v52;
	v52 =	vadd.s32 v13, v38;
	v41 =	vld [tilespmem:s8+$0x120];
	[tilespmem:v57+s29+$0x0] =	vst.idx.msk $0xffff, v0;
	v13 =	vmovc v56;
	v16 =	vmov v2  }
.LBB2_11:
0x222: {  	s12 =	sadd.s32 $0x8, s12;
	v0 =	vld [tilespmem:s14+$0x40];
	v2 =	vmul.f32 $8.000000000e+00, v50;
	[tilespmem:v51+s29+$0x0] =	vst.idx.msk $0xffff, v54;
	v38 =	vmov v33  }
0x223: {  	v3 =	vmov s12;
	v4 =	vld [tilespmem:s14+$0x140];
	p0 =	slt.u32 s12, $0x78;
	v5 =	vadd.s32 v60, v38;
	v33 =	vmul.f32 $8.000000000e+00, v46;
	[tilespmem:v47+s29+$0x0] =	vst.idx.msk $0xffff, v53  }
0x224: {  	v39 =	vmul.f32 $8.000000000e+00, v39;
	v47 =	vadd.s32 v19, v38;
	v3 =	vshrl.u32 v3, $0x3;
	v46 =	vld [tilespmem:s14+$0x100];
	[tilespmem:v49+s29+$0x0] =	vst.idx.msk $0xffff, v2  }
0x225: {  	v49 =	vadd.s32 v11, v38;
	v2 =	vshll.u32 v3, $0x3;
	v3 =	vld [tilespmem:s14+$0x80];
	[tilespmem:v48+s29+$0x0] =	vst.idx.msk $0xffff, v33;
	v45 =	vmul.f32 $8.000000000e+00, v45  }
0x226: {  	v48 =	vld [tilespmem:s14+$0x0];
	v33 =	vbroadcast v2, $0x0;
	v2 =	vmul.f32 $8.000000000e+00, v43;
	v43 =	vadd.s32 v30, v38;
	[tilespmem:v52+s29+$0x0] =	vst.idx.msk $0xffff, v40  }
0x227: {  	v41 =	vmul.f32 $8.000000000e+00, v41;
	v40 =	vld [tilespmem:s14+$0x180];
	[tilespmem:v44+s29+$0x0] =	vst.idx.msk $0xffff, v45  }
0x228: {  	v44 =	vadd.s32 v6, v33;
	[tilespmem:v5+s29+$0x0] =	vst.idx.msk $0xffff, v2;
	v2 =	vld [tilespmem:s8+$0x150]  }
0x229: {  	v5 =	vadd.s32 v58, v33;
	v45 =	vld [tilespmem:s14+$0xC0];
	[tilespmem:v47+s29+$0x0] =	vst.idx.msk $0xffff, v41  }
0x22a: {  	v34 =	vmul.f32 $8.000000000e+00, v34;
	v41 =	vadd.s32 v61, v33;
	v47 =	vld [tilespmem:s8+$0x60];
	[tilespmem:v49+s29+$0x0] =	vst.idx.msk $0xffff, v39;
	v39 =	vadd.s32 v22, v38  }
0x22b: {  	v49 =	vadd.s32 v13, v33;
	v48 =	vmul.f32 $8.000000000e+00, v48;
	v50 =	vld [tilespmem:s8+$0x130];
	[tilespmem:v43+s29+$0x0] =	vst.idx.msk $0xffff, v42  }
0x22c: {  	v0 =	vmul.f32 $8.000000000e+00, v0;
	v42 =	vadd.s32 v17, v33;
	v43 =	vld [tilespmem:s14+$0x1C0];
	[tilespmem:v36+s29+$0x0] =	vst.idx.msk $0xffff, v34  }
0x22d: {  	v3 =	vmul.f32 $8.000000000e+00, v3;
	v34 =	vadd.s32 v21, v33;
	[tilespmem:v44+s29+$0x0] =	vst.idx.msk $0xffff, v48;
	v36 =	vld [tilespmem:s8+$0xE0];
	v2 =	vmul.f32 $8.000000000e+00, v2  }
0x22e: {  	v35 =	vmul.f32 $8.000000000e+00, v35;
	v44 =	vld [tilespmem:s14+$0x10];
	[tilespmem:v5+s29+$0x0] =	vst.idx.msk $0xffff, v0;
	v0 =	vmul.f32 $8.000000000e+00, v45;
	v5 =	vadd.s32 v25, v33  }
0x22f: {  	v45 =	vmul.f32 $8.000000000e+00, v46;
	[tilespmem:v39+s29+$0x0] =	vst.idx.msk $0xffff, v2;
	v2 =	vld [tilespmem:s8+$0x1E0]  }
0x230: {  	v4 =	vmul.f32 $8.000000000e+00, v4;
	v46 =	vadd.s32 v15, v38;
	v39 =	vadd.s32 v29, v33;
	v48 =	vld [tilespmem:s8+$0x160];
	[tilespmem:v37+s29+$0x0] =	vst.idx.msk $0xffff, v35  }
0x231: {  	v51 =	vadd.s32 v7, v33;
	[tilespmem:v41+s29+$0x0] =	vst.idx.msk $0xffff, v3;
	v3 =	vmul.f32 $8.000000000e+00, v40;
	v40 =	vld [tilespmem:s8+$0x1A0];
	v41 =	vadd.s32 v31, v38  }
0x232: {  	v52 =	vadd.s32 v10, v33;
	v55 =	vmul.f32 $8.000000000e+00, v50;
	[tilespmem:v49+s29+$0x0] =	vst.idx.msk $0xffff, v0;
	v0 =	vld [tilespmem:s8+$0xB0];
	v35 =	vmul.f32 $8.000000000e+00, v36  }
0x233: {  	v36 =	vadd.s32 v14, v33;
	v49 =	vld [tilespmem:s14+$0x90];
	[tilespmem:v34+s29+$0x0] =	vst.idx.msk $0xffff, v4;
	v4 =	vmul.f32 $8.000000000e+00, v43  }
0x234: {  	v43 =	vmul.f32 $8.000000000e+00, v44;
	[tilespmem:v42+s29+$0x0] =	vst.idx.msk $0xffff, v45;
	v42 =	vadd.s32 v18, v33;
	v44 =	vld [tilespmem:s8+$0x20];
	v2 =	vmul.f32 $8.000000000e+00, v2  }
0x235: {  	v45 =	vadd.s32 v63, v38;
	v34 =	vld [tilespmem:s14+$0xD0];
	[tilespmem:v46+s29+$0x0] =	vst.idx.msk $0xffff, v35  }
0x236: {  	v37 =	vadd.s32 v26, v33;
	[tilespmem:v5+s29+$0x0] =	vst.idx.msk $0xffff, v3;
	v3 =	vld [tilespmem:s8+$0xF0]  }
0x237: {  	v5 =	vadd.s32 v27, v38;
	v35 =	vld [tilespmem:s14+$0x190];
	[tilespmem:v41+s29+$0x0] =	vst.idx.msk $0xffff, v2  }
0x238: {  	v2 =	vld [tilespmem:s14+$0x110];
	[tilespmem:v39+s29+$0x0] =	vst.idx.msk $0xffff, v4;
	v4 =	vadd.s32 v62, v38;
	v39 =	vmul.f32 $8.000000000e+00, v47  }
0x239: {  	v41 =	vmul.f32 $8.000000000e+00, v49;
	v49 =	vadd.s32 v23, v38;
	[tilespmem:v51+s29+$0x0] =	vst.idx.msk $0xffff, v43;
	v43 =	vadd.s32 v12, v38;
	v54 =	vld [tilespmem:s8+$0x1F0]  }
0x23a: {  	v40 =	vmul.f32 $8.000000000e+00, v40;
	v56 =	vld [tilespmem:s14+$0x1D0];
	[tilespmem:v45+s29+$0x0] =	vst.idx.msk $0xffff, v39;
	v45 =	vmul.f32 $8.000000000e+00, v48  }
0x23b: {  	[tilespmem:v52+s29+$0x0] =	vst.idx.msk $0xffff, v41;
	v41 =	vmul.f32 $8.000000000e+00, v44;
	v44 =	vld [tilespmem:s8+$0x70]  }
0x23c: {  	v57 =	vadd.s32 v20, v38;
	v0 =	vmul.f32 $8.000000000e+00, v0;
	v39 =	vld [tilespmem:s14+$0xA0];
	[tilespmem:v5+s29+$0x0] =	vst.idx.msk $0xffff, v40  }
.Ltmp4:
0x23d: {  	v51 =	vadd.s32 v32, v38;
	v40 =	vmul.f32 $8.000000000e+00, v3;
	[tilespmem:v4+s29+$0x0] =	vst.idx.msk $0xffff, v41;
	v50 =	vld [tilespmem:s8+$0x1B0];
	(pc) =	sbr.rel @p0 .LBB2_11-.Ltmp4, $4  }
0x23e: {  	v47 =	vadd.s32 v8, v38;
	v2 =	vmul.f32 $8.000000000e+00, v2;
	v46 =	vld [tilespmem:s8+$0x30];
	[tilespmem:v43+s29+$0x0] =	vst.idx.msk $0xffff, v0  }
0x23f: {  	v43 =	vld [tilespmem:s14+$0x50];
	[tilespmem:v49+s29+$0x0] =	vst.idx.msk $0xffff, v45;
	v49 =	vadd.s32 v28, v38  }
0x240: {  	v48 =	vadd.s32 v59, v38;
	v54 =	vmul.f32 $8.000000000e+00, v54;
	[tilespmem:v42+s29+$0x0] =	vst.idx.msk $0xffff, v2;
	v53 =	vmul.f32 $8.000000000e+00, v44;
	v45 =	vld [tilespmem:s8+$0x170];
	s8 =	smov.u32 s14  }
0x241: {  	v52 =	vadd.s32 v16, v38;
	v42 =	vmul.f32 $8.000000000e+00, v56;
	s14 =	sadd.s32 $0x200, s14;
	v44 =	vadd.s32 v24, v38;
	v41 =	vld [tilespmem:s8+$0x120];
	[tilespmem:v57+s29+$0x0] =	vst.idx.msk $0xffff, v55  }
0x242: {  	_ =	sdelay $0x3  }
0x243: {  	[tilespmem:v51+s29+$0x0] =	vst.idx.msk $0xffff, v54;
	v2 =	vadd.s32 v30, v33  }
0x244: {  	v0 =	vmul.f32 $8.000000000e+00, v50;
	v3 =	vadd.s32 v60, v33;
	[tilespmem:v47+s29+$0x0] =	vst.idx.msk $0xffff, v53  }
0x245: {  	[tilespmem:v52+s29+$0x0] =	vst.idx.msk $0xffff, v40;
	v4 =	vmul.f32 $8.000000000e+00, v46  }
0x246: {  	[tilespmem:v49+s29+$0x0] =	vst.idx.msk $0xffff, v0;
	v0 =	vld [tilespmem:s8+$0x150]  }
0x247: {  	[tilespmem:v48+s29+$0x0] =	vst.idx.msk $0xffff, v4;
	v4 =	vmul.f32 $8.000000000e+00, v43  }
0x248: {  	v5 =	vadd.s32 v22, v33;
	[tilespmem:v2+s29+$0x0] =	vst.idx.msk $0xffff, v42;
	v2 =	vmul.f32 $8.000000000e+00, v35  }
0x249: {  	v52 =	vadd.s32 v11, v33;
	v34 =	vmul.f32 $8.000000000e+00, v34;
	[tilespmem:v3+s29+$0x0] =	vst.idx.msk $0xffff, v4;
	v3 =	vld [tilespmem:s8+$0x1E0]  }
0x24a: {  	v38 =	vmul.f32 $8.000000000e+00, v45;
	v4 =	vadd.s32 v19, v33;
	v53 =	vld [tilespmem:s8+$0x60];
	[tilespmem:v37+s29+$0x0] =	vst.idx.msk $0xffff, v2  }
0x24b: {  	v54 =	vadd.s32 v31, v33;
	[tilespmem:v36+s29+$0x0] =	vst.idx.msk $0xffff, v34;
	v0 =	vmul.f32 $8.000000000e+00, v0;
	v2 =	vld [tilespmem:s8+$0x1A0]  }
0x24c: {  	v55 =	vmul.f32 $8.000000000e+00, v39;
	v56 =	vld [tilespmem:s8+$0x20];
	v57 =	vadd.s32 v63, v33;
	[tilespmem:v44+s29+$0x0] =	vst.idx.msk $0xffff, v38  }
0x24d: {  	v45 =	vld [tilespmem:s8+$0xE0];
	v44 =	vmul.f32 $8.000000000e+00, v41;
	[tilespmem:v5+s29+$0x0] =	vst.idx.msk $0xffff, v0;
	v0 =	vadd.s32 v27, v33  }
0x24e: {  	v46 =	vadd.s32 v62, v33;
	[tilespmem:v52+s29+$0x0] =	vst.idx.msk $0xffff, v55;
	v5 =	vld [tilespmem:s8+$0x160];
	v3 =	vmul.f32 $8.000000000e+00, v3  }
0x24f: {  	v38 =	vld [tilespmem:s8+$0xB0];
	[tilespmem:v4+s29+$0x0] =	vst.idx.msk $0xffff, v44;
	v4 =	vadd.s32 v15, v33;
	v47 =	vmul.f32 $8.000000000e+00, v53  }
0x250: {  	v48 =	vld [tilespmem:s8+$0x130];
	[tilespmem:v54+s29+$0x0] =	vst.idx.msk $0xffff, v3;
	v3 =	vadd.s32 v23, v33;
	v2 =	vmul.f32 $8.000000000e+00, v2  }
0x251: {  	v49 =	vadd.s32 v12, v33;
	v34 =	vmul.f32 $8.000000000e+00, v56;
	[tilespmem:v57+s29+$0x0] =	vst.idx.msk $0xffff, v47;
	v42 =	vld [tilespmem:s8+$0x1F0]  }
0x252: {  	v51 =	vadd.s32 v20, v33;
	v50 =	vmul.f32 $8.000000000e+00, v45;
	v39 =	vld [tilespmem:s8+$0x70];
	[tilespmem:v0+s29+$0x0] =	vst.idx.msk $0xffff, v2  }
0x253: {  	[tilespmem:v46+s29+$0x0] =	vst.idx.msk $0xffff, v34;
	v0 =	vmul.f32 $8.000000000e+00, v5;
	v5 =	vadd.s32 v32, v33;
	v2 =	vld [tilespmem:s8+$0x1B0]  }
0x254: {  	v52 =	vadd.s32 v8, v33;
	v34 =	vld [tilespmem:s8+$0x30];
	[tilespmem:v4+s29+$0x0] =	vst.idx.msk $0xffff, v50;
	v4 =	vmul.f32 $8.000000000e+00, v38  }
0x255: {  	v53 =	vmul.f32 $8.000000000e+00, v48;
	v54 =	vld [tilespmem:s8+$0xF0];
	[tilespmem:v3+s29+$0x0] =	vst.idx.msk $0xffff, v0;
	v0 =	vadd.s32 v28, v33  }
0x256: {  	[tilespmem:v49+s29+$0x0] =	vst.idx.msk $0xffff, v4;
	v3 =	vadd.s32 v59, v33;
	v4 =	vld [tilespmem:s8+$0x170];
	v55 =	vmul.f32 $8.000000000e+00, v42  }
0x257: {  	v56 =	vadd.s32 v16, v33;
	[tilespmem:v51+s29+$0x0] =	vst.idx.msk $0xffff, v53;
	v39 =	vmul.f32 $8.000000000e+00, v39  }
0x258: {  	v57 =	vadd.s32 v24, v33;
	v2 =	vmul.f32 $8.000000000e+00, v2;
	[tilespmem:v5+s29+$0x0] =	vst.idx.msk $0xffff, v55  }
0x259: {  	v5 =	vmul.f32 $8.000000000e+00, v34;
	[tilespmem:v52+s29+$0x0] =	vst.idx.msk $0xffff, v39  }
0x25a: {  	v59 =	vmul.f32 $8.000000000e+00, v54;
	[tilespmem:v0+s29+$0x0] =	vst.idx.msk $0xffff, v2  }
0x25b: {  	[tilespmem:v3+s29+$0x0] =	vst.idx.msk $0xffff, v5;
	v0 =	vmul.f32 $8.000000000e+00, v4  }
0x25c: {  	[tilespmem:v56+s29+$0x0] =	vst.idx.msk $0xffff, v59  }
0x25d: {  	s12 =	sadd.s32 s17, s11;
	s7 =	simm.s32 $0xC600;
	[tilespmem:v57+s29+$0x0] =	vst.idx.msk $0xffff, v0  }
0x25e: {  	[hbm4b:s12+s3] =	stream.linear.scatter [tilespmem:s7], [sflag:$0x6], $0x80, $0x38;
	[tilespmem:$0x10A00] =	vst v63  }
0x25f: {  	s14 =	sadd.s32 $0x10, s12;
	s8 =	simm.s32 $0xC688  }
0x260: {  	[hbm4b:s14+s3] =	stream.linear.scatter [tilespmem:s8], [sflag:$0x6], $0x80, $0x38;
	[tilespmem:$0x10A00] =	vst v63  }
0x261: {  	s15 =	simm.s32 $0xC710;
	s17 =	simm.s32 $0xC798;
	s16 =	sadd.s32 $0x20, s12  }
0x262: {  	[hbm4b:s16+s3] =	stream.linear.scatter [tilespmem:s15], [sflag:$0x6], $0x80, $0x38;
	[tilespmem:$0x10A00] =	vst v63  }
0x263: {  	s30 =	sadd.s32 $0x30, s12;
	s7 =	simm.s32 $0xC9B8;
	s8 =	simm.s32 $0xC820  }
0x264: {  	[hbm4b:s30+s3] =	stream.linear.scatter [tilespmem:s17], [sflag:$0x6], $0x80, $0x38;
	[tilespmem:$0x10A00] =	vst v63  }
0x265: {  	s14 =	sadd.s32 $0x40, s12;
	s15 =	simm.s32 $0xC8A8;
	s16 =	sadd.s32 $0x50, s12  }
0x266: {  	[hbm4b:s14+s3] =	stream.linear.scatter [tilespmem:s8], [sflag:$0x6], $0x80, $0x38;
	[tilespmem:$0x10A00] =	vst v63  }
0x267: {  	s17 =	simm.s32 $0xC930;
	s30 =	sadd.s32 $0x60, s12;
	s8 =	simm.s32 $0x440  }
0x268: {  	[hbm4b:s16+s3] =	stream.linear.scatter [tilespmem:s15], [sflag:$0x6], $0x80, $0x38;
	[tilespmem:$0x10A00] =	vst v63  }
0x269: {  	s14 =	simm.s32 $0x2200;
	s15 =	sadd.s32 $0x70, s12;
	s12 =	sadd.s32 $0x1000, s12  }
0x26a: {  	v27 =	vmov v23;
	[hbm4b:s30+s3] =	stream.linear.scatter [tilespmem:s17], [sflag:$0x6], $0x80, $0x38;
	[tilespmem:$0x10A00] =	vst v63  }
.LBB2_13:
0x26b: {  	[hbm4b:s15+s3] =	stream.linear.scatter [tilespmem:s7], [sflag:$0x6], $0x80, $0x38;
	[tilespmem:$0x10A00] =	vst v63  }
0x26c: {  	s7 =	smov.u32 s8;
	s8 =	smov.u32 s14  }
0x26d: {  	s16 =	sadd.s32 $0x1100, s14;
	s8 =	sshra.s32 s8, $0x2;
	s15 =	sadd.s32 $0xC600, s7  }
0x26e: {  	[hbm4b:s12+s3] =	stream.linear.scatter [tilespmem:s15], [sflag:$0x6], $0x80, $0x38;
	[tilespmem:$0x10A00] =	vst v63  }
0x26f: {  	p0 =	sne.s32 s14, $0xFF00;
	s14 =	sadd.s32 $0xC688, s7;
	s15 =	sadd.s32 $0x10, s12  }
0x270: {  	[hbm4b:s15+s3] =	stream.linear.scatter [tilespmem:s14], [sflag:$0x6], $0x80, $0x38;
	[tilespmem:$0x10A00] =	vst v63  }
0x271: {  	s14 =	sadd.s32 $0xC710, s7;
	s15 =	sadd.s32 $0x20, s12  }
0x272: {  	[hbm4b:s15+s3] =	stream.linear.scatter [tilespmem:s14], [sflag:$0x6], $0x80, $0x38;
	[tilespmem:$0x10A00] =	vst v63  }
0x273: {  	s14 =	sadd.s32 $0xC798, s7;
	s15 =	sadd.s32 $0x30, s12  }
0x274: {  	[hbm4b:s15+s3] =	stream.linear.scatter [tilespmem:s14], [sflag:$0x6], $0x80, $0x38;
	[tilespmem:$0x10A00] =	vst v63  }
0x275: {  	s14 =	sadd.s32 $0xC820, s7;
	s15 =	sadd.s32 $0x40, s12  }
0x276: {  	[hbm4b:s15+s3] =	stream.linear.scatter [tilespmem:s14], [sflag:$0x6], $0x80, $0x38;
	[tilespmem:$0x10A00] =	vst v63  }
.Ltmp5:
0x277: {  	s14 =	sadd.s32 $0xC8A8, s7;
	s15 =	sadd.s32 $0x50, s12;
	(pc) =	sbr.rel @p0 .LBB2_13-.Ltmp5, $4  }
0x278: {  	[hbm4b:s15+s3] =	stream.linear.scatter [tilespmem:s14], [sflag:$0x6], $0x80, $0x38;
	[tilespmem:$0x10A00] =	vst v63  }
0x279: {  	s14 =	sadd.s32 $0xC930, s7;
	s15 =	sadd.s32 $0x60, s12;
	s7 =	sadd.s32 $0xC9B8, s7  }
0x27a: {  	[hbm4b:s15+s3] =	stream.linear.scatter [tilespmem:s14], [sflag:$0x6], $0x80, $0x38;
	[tilespmem:$0x10A00] =	vst v63  }
0x27b: {  	s15 =	sadd.s32 $0x70, s12;
	s12 =	sadd.s32 $0x1000, s12;
	s14 =	smov.u32 s16  }
0x27c: {  	[hbm4b:s15+s3] =	stream.linear.scatter [tilespmem:s7], [sflag:$0x6], $0x80, $0x38;
	[tilespmem:$0x10A00] =	vst v63  }
0x27d: {  	s17 =	sadd.s32 $0xC600, s8  }
0x27e: {  	[hbm4b:s12+s3] =	stream.linear.scatter [tilespmem:s17], [sflag:$0x6], $0x80, $0x38;
	[tilespmem:$0x10A00] =	vst v63  }
0x27f: {  	s30 =	sadd.s32 $0xC688, s8;
	s14 =	sadd.s32 $0x10, s12  }
0x280: {  	[hbm4b:s14+s3] =	stream.linear.scatter [tilespmem:s30], [sflag:$0x6], $0x80, $0x38;
	[tilespmem:$0x10A00] =	vst v63  }
0x281: {  	s15 =	sadd.s32 $0xC710, s8;
	s16 =	sadd.s32 $0x20, s12  }
0x282: {  	[hbm4b:s16+s3] =	stream.linear.scatter [tilespmem:s15], [sflag:$0x6], $0x80, $0x38;
	[tilespmem:$0x10A00] =	vst v63  }
0x283: {  	s17 =	sadd.s32 $0xC798, s8;
	s30 =	sadd.s32 $0x30, s12  }
0x284: {  	[hbm4b:s30+s3] =	stream.linear.scatter [tilespmem:s17], [sflag:$0x6], $0x80, $0x38;
	[tilespmem:$0x10A00] =	vst v63  }
0x285: {  	s2 =	sadd.s32 $0x1, s2;
	s15 =	sadd.s32 $0xC820, s8;
	s16 =	sadd.s32 $0x40, s12  }
0x286: {  	[hbm4b:s16+s3] =	stream.linear.scatter [tilespmem:s15], [sflag:$0x6], $0x80, $0x38;
	[tilespmem:$0x10A00] =	vst v63  }
0x287: {  	p0 =	sne.s32 s2, $0x32;
	s17 =	sadd.s32 $0xC8A8, s8;
	s30 =	sadd.s32 $0x50, s12  }
0x288: {  	[hbm4b:s30+s3] =	stream.linear.scatter [tilespmem:s17], [sflag:$0x6], $0x80, $0x38;
	[tilespmem:$0x10A00] =	vst v63  }
.Ltmp6:
0x289: {  	_ = 	snop;
	(pc) =	sbr.rel @p0 .LBB2_2-.Ltmp6, $4  }
0x28a: {  	s15 =	sadd.s32 $0xC930, s8;
	s16 =	sadd.s32 $0x60, s12  }
0x28b: {  	[hbm4b:s16+s3] =	stream.linear.scatter [tilespmem:s15], [sflag:$0x6], $0x80, $0x38;
	[tilespmem:$0x10A00] =	vst v63  }
0x28c: {  	s17 =	sadd.s32 $0xC9B8, s8;
	s30 =	sadd.s32 $0x70, s12  }
0x28d: {  	v8 =	vmov v7;
	[hbm4b:s30+s3] =	stream.linear.scatter [tilespmem:s17], [sflag:$0x6], $0x80, $0x38;
	[tilespmem:$0x10A00] =	vst v63  }
0x28e: {  	s2 =	simm.s32 $0x5  }
0x28f: {  	_ =	swait.ge [sflag:s2], $0x4000  }
0x290: {  	[sflag:s2] =	ssyncset.done $0x0  }
0x291: {  	[sflag:s2] =	ssyncadd.s32 $0xFFFFC000  }
0x292: {  	_ =	swait.ge [sflag:s31], $0x4000  }
0x293: {  	s0 =	sadd.s32 $0x1, s0;
	s30 =	rddreg [dreg:$0x5]  }
0x294: {  	p0 =	sne.s32 s0, s30  }
.Ltmp7:
0x295: {  	_ = 	snop;
	(pc) =	sbr.rel @p0 .LBB2_1-.Ltmp7, $3  }
0x296: {  	_ =	sdelay $0x1  }
0x297: {  	[sflag:s31] =	ssyncset.done $0x0  }
0x298: {  	[sflag:s31] =	ssyncadd.s32 $0xFFFFC000  }
0x299: {  	_ =	sfence.sel $0x180000  }
0x29a: {  	[bflag:$0x0] =	sbarrier.arrive $0xFFFF  }
0x29b: {  	_ =	strace $0x90000047  }
0x29c: {  	s0 =	stileid.u32;
	[bflag:$0x2] =	sbarrier.arrive $0xFFFF  }
0x29d: {  	p0 =	sne.s32 s0, $0x0;
	s0 =	rddreg [dreg:$0x2]  }
0x29e: {  	s0 =	sadd.s32 @!p0 $0x100000, s0  }
0x29f: {  	[sflag:s0] =	ssyncadd.tile.s32 @!p0 $0x1;
	_ =	shalt  }
.Lfunc_end2:
_tile_overlayer_lowered:
.L_overlay_start_2:
0x2a0: {  	(tag) =	ssettag $0x2  }
0x2a1: {  	s0 =	rddreg [dreg:$0x0];
	s2 =	stileid.u32  }
0x2a2: {  	s1 =	rddreg [dreg:$0x1];
	p0 =	sne.s32 s2, $0x0  }
0x2a3: {  	s3 =	rddreg [dreg:$0x2];
	[bflag:$0x3] =	sbarrier.arrive $0xFFFF;
	s2 =	simm.s32 @!p0 $0x1C07  }
0x2a4: {  	[timem:s3], [sflag:s2] =	dma.local @!p0 [hbm:s0], s1  }
0x2a5: {  	s0 =	simm.s32 @!p0 $0x7  }
0x2a6: {  	_ =	swait.ge @!p0 [sflag:s0], s1  }
0x2a7: {  	s1 =	ssub.s32 @!p0 $0x0, s1;
	[sflag:s0] =	ssyncset.done @!p0 $0x0  }
0x2a8: {  	[sflag:s0] =	ssyncadd.s32 @!p0 s1  }
0x2a9: {  	[bflag:$0x3] =	sbarrier.arrive $0xFFFF  }
0x2aa: {  	_ =	shalt  }

</sc_bundles>
